<compile_context>
chip_gen: v7x
topology: tpu7x:2x2x1
jax: 0.10.2.dev20260603
libtpu: 0.0.44.dev20260713+nightly
codegen_flags: <defaults>
</compile_context>

<pallas_src>
import functools

import jax
import jax.numpy as jnp
from jax import lax
from jax.experimental import pallas as pl
from jax.experimental.pallas import tpu as pltpu
from jax.experimental.pallas import tpu_sc as plsc

NC = 2
NS = 16
NW = NC * NS
NB = 4
AH = 2
SCH = 64
LANES = 16


def _round_up(v, m):
  return (v + m - 1) // m * m


def _make_seg_sum(nacc, nquads, feat, tc_tiling=False):
  rpt = nacc // NS
  nz = rpt // SCH

  mesh = plsc.VectorSubcoreMesh(core_axis_name="c", subcore_axis_name="s",
                                num_cores=NC, num_subcores=NS)

  out_type = jax.ShapeDtypeStruct((NC * nacc, feat), jnp.float32)
  scratch = (
      [pltpu.VMEM((NB, SCH), jnp.int32) for _ in range(4)]
      + [pltpu.VMEM((SCH,), jnp.int32)]
      + [pltpu.VMEM((SCH, feat), jnp.float32) for _ in range(NB)]
      + [pltpu.VMEM_SHARED((nacc, feat), jnp.float32)]
      + [pltpu.SemaphoreType.DMA] * (2 * NB + 2)
  )

  def body(h_hbm, src_hbm, dst_hbm, out_hbm, *rest):
    qsrc0, qsrc1, qdst0, qdst1, dmy = rest[:5]
    bufs = rest[5:5 + NB]
    acc = rest[5 + NB]
    gsem = rest[6 + NB:6 + 2 * NB]
    ssem = rest[6 + 2 * NB:6 + 3 * NB]
    semsi, semdi = rest[6 + 3 * NB:]
    c = lax.axis_index("c")
    s = lax.axis_index("s")
    w = c * NS + s
    base = w * nquads
    tail = NW * nquads + w
    b0 = bufs[0]
    qsrc = (qsrc0, qsrc1)
    qdst = (qdst0, qdst1)

    zero16 = jnp.zeros((LANES,), jnp.float32)

    def zrow(i, carry):
      r = i // (feat // LANES)
      k = i % (feat // LANES)
      b0[r, pl.ds(k * LANES, LANES)] = zero16
      return carry
    lax.fori_loop(0, SCH * (feat // LANES), zrow, 0)
    r0 = s * rpt
    for j in range(nz):
      pltpu.sync_copy(b0, acc.at[pl.ds(r0 + j * SCH, SCH)])

    iota16 = lax.iota(jnp.int32, LANES)
    for k in range(SCH // LANES):
      dmy[pl.ds(k * LANES, LANES)] = iota16 + (nacc - SCH + k * LANES)

    pltpu.sync_copy(src_hbm.at[base], qsrc0)
    pltpu.sync_copy(dst_hbm.at[base], qdst0)

    plsc.subcore_barrier()

    for k in range(AH, NB):
      pltpu.async_copy(b0, acc.at[dmy], ssem[k], add=True)
    for k in range(AH):
      pltpu.async_copy(h_hbm.at[qsrc0.at[k]], bufs[k], gsem[k])

    def groupstep(gg, carry):
      for half in range(2):
        grp = gg * 2 + half
        sq_cur, dq_cur = qsrc[half], qdst[half]
        sq_nxt, dq_nxt = qsrc[1 - half], qdst[1 - half]
        ridx = jnp.where(grp + 1 == nquads, tail, base + grp + 1)
        for q in range(NB):
          if q == 0:
            pltpu.async_copy(src_hbm.at[ridx], sq_nxt, semsi)
            pltpu.async_copy(dst_hbm.at[ridx], dq_nxt, semdi)
          nb = (q + AH) % NB
          pltpu.make_async_copy(bufs[nb], acc.at[dmy], ssem[nb]).wait()
          if q == NB - AH:
            pltpu.make_async_copy(src_hbm.at[ridx], sq_nxt, semsi).wait()
            pltpu.make_async_copy(dst_hbm.at[ridx], dq_nxt, semdi).wait()
          nrow = (sq_cur.at[q + AH] if q < NB - AH
                  else sq_nxt.at[q - (NB - AH)])
          pltpu.async_copy(h_hbm.at[nrow], bufs[nb], gsem[nb])
          pltpu.make_async_copy(h_hbm.at[sq_cur.at[q]],
                                bufs[q], gsem[q]).wait()
          pltpu.async_copy(bufs[q], acc.at[dq_cur.at[q]],
                           ssem[q], add=True)
      return carry
    lax.fori_loop(0, nquads // 2, groupstep, 0)

    for k in range(AH):
      pltpu.make_async_copy(h_hbm.at[qsrc0.at[k]], bufs[k], gsem[k]).wait()
    for k in range(AH, NB):
      pltpu.make_async_copy(bufs[k], acc.at[dmy], ssem[k]).wait()

    plsc.subcore_barrier()

    pltpu.sync_copy(acc.at[pl.ds(r0, rpt)],
                    out_hbm.at[pl.ds(c * nacc + r0, rpt)])

  return pl.kernel(
      body,
      out_type=out_type,
      mesh=mesh,
      scratch_types=scratch,
      compiler_params=pltpu.CompilerParams(use_tc_tiling_on_sc=tc_tiling),
  )


def _lstm_body(xr, wl, bl, wa, outr):
  xb = xr[...]
  gates = jnp.dot(xb, wl[...], preferred_element_type=jnp.float32) + bl[...]
  hid = gates.shape[-1] // 4
  g = gates[:, 2 * hid:3 * hid]
  o = gates[:, 3 * hid:]
  c = jax.nn.sigmoid(gates[:, :hid]) * jnp.tanh(g)
  h = jax.nn.sigmoid(o) * jnp.tanh(c)
  sc = jnp.dot(h, wa[...], preferred_element_type=jnp.float32)
  sc = sc - jnp.max(sc, axis=-1, keepdims=True)
  e = jnp.exp(sc)
  attn = e / jnp.sum(e, axis=-1, keepdims=True)
  outr[...] = jnp.concatenate(
      [attn * h, jnp.ones((xb.shape[0], LANES), jnp.float32)], axis=1)


def _sage_body(a0r, a1r, lr, wl, bl, wr, outr):
  hid = wl.shape[0]
  a0 = a0r[...]
  a1 = a1r[...]
  hh = lr[:, :hid]
  agg = a0[:, :hid] + a1[:, :hid] + hh
  deg = a0[:, hid:hid + 1] + a1[:, hid:hid + 1] + 1.0
  pre = (jnp.dot(agg / deg, wl[...], preferred_element_type=jnp.float32)
         + bl[...]
         + jnp.dot(hh, wr[...], preferred_element_type=jnp.float32))
  outr[...] = jnp.maximum(pre, 0.0)


def _final_body(lr, h1r, b0r, b1r, a0r, a1r, wl, bl, wr,
                cw1, cb1, cw2, cb2, mw, mb, pw, pb, outr):
  hid = wl.shape[0]
  hh = h1r[...]
  agg = b0r[...] + b1r[...] + hh
  deg = a0r[:, hid:hid + 1] + a1r[:, hid:hid + 1] + 1.0
  pre = (jnp.dot(agg / deg, wl[...], preferred_element_type=jnp.float32)
         + bl[...]
         + jnp.dot(hh, wr[...], preferred_element_type=jnp.float32))
  h2 = jnp.maximum(pre, 0.0)
  x0 = jnp.concatenate([lr[:, :hid], hh, h2], axis=1)
  xc = x0
  for cw, cb in ((cw1, cb1), (cw2, cb2)):
    t = jnp.dot(xc, cw[...], preferred_element_type=jnp.float32)
    xc = x0 * t + cb[...] + xc
  deep = jnp.maximum(
      jnp.dot(x0, mw[...], preferred_element_type=jnp.float32) + mb[...], 0.0)
  fused = jnp.concatenate([xc, deep], axis=1)
  outr[...] = jnp.dot(fused, pw[...],
                      preferred_element_type=jnp.float32) + pb[...]


def _full(shape):
  return pl.BlockSpec(shape, lambda i: (0,) * len(shape))


def _rows(bl, ncols):
  return pl.BlockSpec((bl, ncols), lambda i: (i, 0))


def kernel(x, edge_index, W_lstm, b_lstm, W_att, W_l1, b_l1, W_r1,
           W_l2, b_l2, W_r2, cross_w1, cross_b1, cross_w2, cross_b2,
           mlp_W1, mlp_b1, pred_W, pred_b):
  n, feat = x.shape
  hid = W_att.shape[0]
  e = edge_index.shape[1]
  d = 3 * hid

  nacc = _round_up(n + 8, NS * 128)
  np_ = nacc
  br = 1024
  nblk = np_ // br
  cpw = _round_up(e, NW * SCH) // (NW * SCH)
  cpw = _round_up(cpw, 2 * NB)
  nquads = cpw // NB
  e_proc = NW * cpw * SCH

  src = edge_index[0]
  dst = edge_index[1]
  pe = e_proc - e
  fill = jnp.arange(pe, dtype=jnp.int32)
  src_p = jnp.concatenate([src, (fill * 37) % n])
  dst_p = jnp.concatenate([dst, n + fill % (nacc - n)])
  dfill = jnp.arange(NW * NB * SCH, dtype=jnp.int32)
  srcp = jnp.concatenate(
      [src_p.reshape(NW * nquads, NB, SCH),
       ((dfill * 31) % n).reshape(NW, NB, SCH)], axis=0)
  dstp = jnp.concatenate(
      [dst_p.reshape(NW * nquads, NB, SCH),
       (n + dfill % (nacc - n)).reshape(NW, NB, SCH)], axis=0)

  xp = jnp.pad(x, ((0, np_ - n), (0, 0)))
  bl2d = b_lstm.reshape(1, -1)
  b1 = b_l1.reshape(1, -1)
  b2 = b_l2.reshape(1, -1)
  cw1 = cross_w1.reshape(-1, 1)
  cb1 = cross_b1.reshape(1, -1)
  cw2 = cross_w2.reshape(-1, 1)
  cb2 = cross_b2.reshape(1, -1)
  mdim = mlp_W1.shape[1]
  mpad = 128 - mdim
  mw = jnp.pad(mlp_W1, ((0, 0), (0, mpad)))
  mb = jnp.pad(mlp_b1, (0, mpad)).reshape(1, -1)
  pw = jnp.concatenate(
      [pred_W[:d], pred_W[d:], jnp.zeros((mpad, 1), jnp.float32)], axis=0)
  pb = pred_b.reshape(1, 1)

  grid = (nblk,)
  faug = hid + LANES

  def _shift(k):
    return pl.BlockSpec((br, faug), lambda i, k=k: (i + k, 0))

  lstm = pl.pallas_call(
      _lstm_body,
      grid=grid,
      in_specs=[_rows(br, feat), _full((feat, 4 * hid)),
                _full((1, 4 * hid)), _full((hid, hid))],
      out_specs=_rows(br, faug),
      out_shape=jax.ShapeDtypeStruct((np_, faug), jnp.float32),
  )(xp, W_lstm, bl2d, W_att)

  seg_deg = _make_seg_sum(nacc, nquads, faug)
  agg_f = seg_deg(lstm, srcp, dstp)

  h1 = pl.pallas_call(
      _sage_body,
      grid=grid,
      in_specs=[_shift(0), _shift(nblk), _rows(br, faug),
                _full((hid, hid)), _full((1, hid)), _full((hid, hid))],
      out_specs=_rows(br, hid),
      out_shape=jax.ShapeDtypeStruct((np_, hid), jnp.float32),
  )(agg_f, agg_f, lstm, W_l1, b1, W_r1)

  seg2 = _make_seg_sum(nacc, nquads, hid)
  agg2_f = seg2(h1, srcp, dstp)

  def _shift2(k):
    return pl.BlockSpec((br, hid), lambda i, k=k: (i + k, 0))

  out = pl.pallas_call(
      _final_body,
      grid=grid,
      in_specs=[_rows(br, faug), _rows(br, hid),
                _shift2(0), _shift2(nblk),
                _shift(0), _shift(nblk),
                _full((hid, hid)), _full((1, hid)), _full((hid, hid)),
                _full((d, 1)), _full((1, d)), _full((d, 1)), _full((1, d)),
                _full((d, 128)), _full((1, 128)), _full((d + 128, 1)),
                _full((1, 1))],
      out_specs=_rows(br, 1),
      out_shape=jax.ShapeDtypeStruct((np_, 1), jnp.float32),
  )(lstm, h1, agg2_f, agg2_f, agg_f, agg_f, W_l2, b2, W_r2,
    cw1, cb1, cw2, cb2, mw, mb, pw, pb)

  return out[:n]

# --- scband reference (transcript-rebuilt; emitter-appended) ---
"""Pipeline reference for scband-mst-gnn-54563264528507 (READ-ONLY COPY).

The authoritative reference and input builder live on the scoring server;
editing this copy changes nothing except your own understanding.
"""

import jax, jax.numpy as jnp
import numpy as np

N = 10000
IN_F = 128
HID = 128
E = 320000
D = HID * 3

def setup_inputs(seed: int = 0):
    key = jax.random.key(seed)
    ks = jax.random.split(key, 20)
    def w(k, shape, fan_in):
        return jax.random.normal(k, shape, dtype=jnp.float32) * (1.0 / np.sqrt(fan_in))
    inp = {}
    inp["x"] = jax.random.normal(ks[0], (N, IN_F), dtype=jnp.float32)
    inp["edge_index"] = jax.random.randint(ks[1], (2, E), 0, N, dtype=jnp.int32)
    inp["W_lstm"] = w(ks[2], (IN_F, 4 * HID), IN_F)
    inp["b_lstm"] = jnp.zeros((4 * HID,), dtype=jnp.float32)
    inp["W_att"] = w(ks[3], (HID, HID), HID)
    inp["W_l1"] = w(ks[4], (HID, HID), HID)
    inp["b_l1"] = jnp.zeros((HID,), dtype=jnp.float32)
    inp["W_r1"] = w(ks[5], (HID, HID), HID)
    inp["W_l2"] = w(ks[6], (HID, HID), HID)
    inp["b_l2"] = jnp.zeros((HID,), dtype=jnp.float32)
    inp["W_r2"] = w(ks[7], (HID, HID), HID)
    inp["cross_w1"] = w(ks[8], (D,), D)
    inp["cross_b1"] = jnp.zeros((D,), dtype=jnp.float32)
    inp["cross_w2"] = w(ks[9], (D,), D)
    inp["cross_b2"] = jnp.zeros((D,), dtype=jnp.float32)
    inp["mlp_W1"] = w(ks[10], (D, 64), D)
    inp["mlp_b1"] = jnp.zeros((64,), dtype=jnp.float32)
    inp["pred_W"] = w(ks[11], (D + 64, 1), D + 64)
    inp["pred_b"] = jnp.zeros((1,), dtype=jnp.float32)
    return inp

def _forward(x, edge_index, W_lstm, b_lstm, W_att, W_l1, b_l1, W_r1, W_l2, b_l2, W_r2, cross_w1, cross_b1, cross_w2, cross_b2, mlp_W1, mlp_b1, pred_W, pred_b):
    n = x.shape[0]
    # add_self_loops
    loops = jnp.arange(n, dtype=edge_index.dtype)
    ei = jnp.concatenate([edge_index, jnp.stack([loops, loops], axis=0)], axis=1)
    src, dst = ei[0], ei[1]
    # AttentiveLSTM: single-step LSTM cell (zero initial state) + feature attention gating
    gates = x @ W_lstm + b_lstm
    i, f, g, o = jnp.split(gates, 4, axis=-1)
    c = jax.nn.sigmoid(i) * jnp.tanh(g)
    h = jax.nn.sigmoid(o) * jnp.tanh(c)
    attn = jax.nn.softmax(h @ W_att, axis=-1)
    lstm_out = attn * h
    # SAGEConv (mean aggregation, PyG-style: lin_l(mean_neigh) + lin_r(x))
    ones = jnp.ones((ei.shape[1],), dtype=x.dtype)
    deg = jax.ops.segment_sum(ones, dst, num_segments=n)
    deg = jnp.clip(deg, 1.0)[:, None]
    def sage(hh, W_l, b_l, W_r):
        msg = hh[src]
        agg = jax.ops.segment_sum(msg, dst, num_segments=n)
        mean = agg / deg
        return mean @ W_l + b_l + hh @ W_r
    h1 = jax.nn.relu(sage(lstm_out, W_l1, b_l1, W_r1))
    h2 = jax.nn.relu(sage(h1, W_l2, b_l2, W_r2))
    # FeatureFusion: DCN-style cross network + deep MLP, concatenated
    x0 = jnp.concatenate([lstm_out, h1, h2], axis=-1)
    xc = x0
    for cw, cb in ((cross_w1, cross_b1), (cross_w2, cross_b2)):
        xc = x0 * (xc @ cw)[:, None] + cb + xc
    deep = jax.nn.relu(x0 @ mlp_W1 + mlp_b1)
    fused = jnp.concatenate([xc, deep], axis=-1)
    # predictor
    return fused @ pred_W + pred_b

def reference(x, edge_index, W_lstm, b_lstm, W_att, W_l1, b_l1, W_r1, W_l2, b_l2, W_r2, cross_w1, cross_b1, cross_w2, cross_b2, mlp_W1, mlp_b1, pred_W, pred_b):
    return _forward(x, edge_index, W_lstm, b_lstm, W_att, W_l1, b_l1, W_r1, W_l2, b_l2, W_r2, cross_w1, cross_b1, cross_w2, cross_b2, mlp_W1, mlp_b1, pred_W, pred_b)

if __name__ == "__main__":
    import jax
    _d = setup_inputs()
    print(jax.jit(kernel)(*tuple(_d.values())))

</pallas_src>

<mosaic_0001>
#map = affine_map<(d0, d1) -> (0, 0)>
#map1 = affine_map<(d0, d1) -> (0, 0, 0)>
module attributes {stable_mosaic.version = 14 : i64} {
  func.func @body(%arg0: i32, %arg1: i32, %arg2: memref<10240x128xf32, #tpu.memory_space<hbm>>, %arg3: memref<1312x4x64xi32, #tpu.memory_space<hbm>>, %arg4: memref<1312x4x64xi32, #tpu.memory_space<hbm>>, %arg5: memref<20480x128xf32, #tpu.memory_space<hbm>>, %arg6: memref<4x64xi32, #tpu.memory_space<vmem>>, %arg7: memref<4x64xi32, #tpu.memory_space<vmem>>, %arg8: memref<4x64xi32, #tpu.memory_space<vmem>>, %arg9: memref<4x64xi32, #tpu.memory_space<vmem>>, %arg10: memref<64xi32, #tpu.memory_space<vmem>>, %arg11: memref<64x128xf32, #tpu.memory_space<vmem>>, %arg12: memref<64x128xf32, #tpu.memory_space<vmem>>, %arg13: memref<64x128xf32, #tpu.memory_space<vmem>>, %arg14: memref<64x128xf32, #tpu.memory_space<vmem>>, %arg15: memref<10240x128xf32, #tpu.memory_space<vmem_shared>>, %arg16: memref<!tpu.dma_semaphore, #tpu.memory_space<semaphore_mem>>, %arg17: memref<!tpu.dma_semaphore, #tpu.memory_space<semaphore_mem>>, %arg18: memref<!tpu.dma_semaphore, #tpu.memory_space<semaphore_mem>>, %arg19: memref<!tpu.dma_semaphore, #tpu.memory_space<semaphore_mem>>, %arg20: memref<!tpu.dma_semaphore, #tpu.memory_space<semaphore_mem>>, %arg21: memref<!tpu.dma_semaphore, #tpu.memory_space<semaphore_mem>>, %arg22: memref<!tpu.dma_semaphore, #tpu.memory_space<semaphore_mem>>, %arg23: memref<!tpu.dma_semaphore, #tpu.memory_space<semaphore_mem>>, %arg24: memref<!tpu.dma_semaphore, #tpu.memory_space<semaphore_mem>>, %arg25: memref<!tpu.dma_semaphore, #tpu.memory_space<semaphore_mem>>) attributes {dimension_semantics = [#tpu.dimension_semantics<core_parallel>, #tpu.dimension_semantics<subcore_parallel>], iteration_bounds = array<i64: 2, 16>, scalar_prefetch = 0 : i64, scratch_operands = 20 : i64, tpu.core_type = #tpu.core_type<sc_vector_subcore>, window_params = [{transform_indices = #map}, {transform_indices = #map1}, {transform_indices = #map1}, {transform_indices = #map}]} {
    %mul3A = arith.constant 16 : i32
    %mul3A_0 = arith.muli %arg0, %mul3A : i32
    %add3A = arith.addi %mul3A_0, %arg1 : i32
    %mul3A_1 = arith.constant 40 : i32
    %mul3A_2 = arith.muli %add3A, %mul3A_1 : i32
    %add3A_3 = arith.constant 1280 : i32
    %add3A_4 = arith.addi %add3A_3, %add3A : i32
    %broadcast_in_dim3A = arith.constant 0.000000e+00 : f32
    %broadcast_in_dim3A_5 = vector.broadcast %broadcast_in_dim3A : f32 to vector<16xf32>
    %scan3A = arith.constant 0 : i32
    %scan3A_6 = arith.constant 0 : i32
    %scan3A_7 = arith.constant 512 : i32
    %scan3A_8 = arith.addi %scan3A_6, %scan3A_7 : i32
    %scan3A_9 = arith.constant 1 : i32
    scf.for %scan3A_108 = %scan3A_6 to %scan3A_8 step %scan3A_9  : i32 {
      %jit3A = arith.constant 8 : i32
      %div3A = arith.divsi %scan3A_108, %jit3A : i32
      %sign3A = arith.constant 0 : i32
      %sign3A_109 = arith.cmpi sgt, %scan3A_108, %sign3A : i32
      %sign3A_110 = arith.extui %sign3A_109 : i1 to i32
      %sign3A_111 = arith.constant 0 : i32
      %sign3A_112 = arith.cmpi slt, %scan3A_108, %sign3A_111 : i32
      %sign3A_113 = arith.extui %sign3A_112 : i1 to i32
      %sign3A_114 = arith.subi %sign3A_110, %sign3A_113 : i32
      %sign3A_115 = arith.constant 0 : i32
      %sign3A_116 = arith.cmpi sgt, %jit3A, %sign3A_115 : i32
      %sign3A_117 = arith.extui %sign3A_116 : i1 to i32
      %sign3A_118 = arith.constant 0 : i32
      %sign3A_119 = arith.cmpi slt, %jit3A, %sign3A_118 : i32
      %sign3A_120 = arith.extui %sign3A_119 : i1 to i32
      %sign3A_121 = arith.subi %sign3A_117, %sign3A_120 : i32
      %ne3A = arith.cmpi ne, %sign3A_114, %sign3A_121 : i32
      %rem3A = arith.remsi %scan3A_108, %jit3A : i32
      %ne3A_122 = arith.constant 0 : i32
      %ne3A_123 = arith.cmpi ne, %rem3A, %ne3A_122 : i32
      %and3A = arith.andi %ne3A, %ne3A_123 : i1
      %sub3A = arith.constant 1 : i32
      %sub3A_124 = arith.subi %div3A, %sub3A : i32
      %select_n3A = arith.select %and3A, %sub3A_124, %div3A : i32
      %jit3A_125 = arith.constant 8 : i32
      %eq3A = arith.constant 0 : i32
      %eq3A_126 = arith.cmpi eq, %jit3A_125, %eq3A : i32
      %jit3A_127 = arith.constant 1 : i32
      %select_n3A_128 = arith.select %eq3A_126, %jit3A_127, %jit3A_125 : i32
      %rem3A_129 = arith.remsi %scan3A_108, %select_n3A_128 : i32
      %ne3A_130 = arith.constant 0 : i32
      %ne3A_131 = arith.cmpi ne, %rem3A_129, %ne3A_130 : i32
      %lt3A = arith.constant 0 : i32
      %lt3A_132 = arith.cmpi slt, %rem3A_129, %lt3A : i32
      %lt3A_133 = arith.constant 0 : i32
      %lt3A_134 = arith.cmpi slt, %select_n3A_128, %lt3A_133 : i32
      %ne3A_135 = arith.xori %lt3A_132, %lt3A_134 : i1
      %and3A_136 = arith.andi %ne3A_135, %ne3A_131 : i1
      %add3A_137 = arith.addi %rem3A_129, %select_n3A_128 : i32
      %select_n3A_138 = arith.select %and3A_136, %add3A_137, %rem3A_129 : i32
      %mul3A_139 = arith.constant 16 : i32
      %mul3A_140 = arith.muli %select_n3A_138, %mul3A_139 : i32
      %swap3A_141 = arith.index_cast %select_n3A : i32 to index
      %swap3A_142 = arith.index_cast %mul3A_140 : i32 to index
      %swap3A_143 = tpu.vector_load %arg11[%swap3A_141, %swap3A_142] {strides = array<i32>} : memref<64x128xf32, #tpu.memory_space<vmem>>, vector<1x16xf32>,
      %swap3A_144 = vector.shape_cast %swap3A_143 : vector<1x16xf32> to vector<16xf32>
      %swap3A_145 = vector.shape_cast %broadcast_in_dim3A_5 : vector<16xf32> to vector<1x16xf32>
      tpu.vector_store %arg11[%swap3A_141, %swap3A_142], %swap3A_145 {strides = array<i32>} : memref<64x128xf32, #tpu.memory_space<vmem>>, vector<1x16xf32>,
    }
    %scan3A_10 = arith.constant 512 : i32
    %mul3A_11 = arith.constant 640 : i32
    %mul3A_12 = arith.muli %arg1, %mul3A_11 : i32
    %add3A_13 = arith.constant 0 : i32
    %add3A_14 = arith.addi %mul3A_12, %add3A_13 : i32
    "tpu.region"() ({
      %run_scoped3A = tpu.sem_alloc : memref<!tpu.dma_semaphore, #tpu.memory_space<semaphore_mem>>
      %dma_start3A_108 = arith.constant 0 : i32
      %dma_start3A_109 = tpu.memref_slice %arg15[%add3A_14, %dma_start3A_108] : memref<10240x128xf32, #tpu.memory_space<vmem_shared>> -> memref<64x128xf32, #tpu.memory_space<vmem_shared>>
      %dma_start3A_110 = arith.constant 0 : i32
      %dma_start3A_111 = tpu.memref_slice %arg15[%add3A_14, %dma_start3A_110] : memref<10240x128xf32, #tpu.memory_space<vmem_shared>> -> memref<64x128xf32, #tpu.memory_space<vmem_shared>>
      tpu.enqueue_dma source(%arg11 : memref<64x128xf32, #tpu.memory_space<vmem>>) target(%dma_start3A_111 : memref<64x128xf32, #tpu.memory_space<vmem_shared>>) target_semaphore(%run_scoped3A : memref<!tpu.dma_semaphore, #tpu.memory_space<semaphore_mem>>)
      %dma_wait3A_112 = arith.constant 0 : i32
      %dma_wait3A_113 = tpu.memref_slice %arg15[%add3A_14, %dma_wait3A_112] : memref<10240x128xf32, #tpu.memory_space<vmem_shared>> -> memref<64x128xf32, #tpu.memory_space<vmem_shared>>
      %dma_wait3A_114 = arith.constant 0 : i32
      %dma_wait3A_115 = tpu.memref_slice %arg15[%add3A_14, %dma_wait3A_114] : memref<10240x128xf32, #tpu.memory_space<vmem_shared>> -> memref<64x128xf32, #tpu.memory_space<vmem_shared>>
      tpu.wait_dma2 semaphore(%run_scoped3A : memref<!tpu.dma_semaphore, #tpu.memory_space<semaphore_mem>>) src(%arg11 : memref<64x128xf32, #tpu.memory_space<vmem>>) dst(%dma_wait3A_115 : memref<64x128xf32, #tpu.memory_space<vmem_shared>>)
      tpu.yield
    }) : () -> ()
    %add3A_15 = arith.constant 64 : i32
    %add3A_16 = arith.addi %mul3A_12, %add3A_15 : i32
    "tpu.region"() ({
      %run_scoped3A = tpu.sem_alloc : memref<!tpu.dma_semaphore, #tpu.memory_space<semaphore_mem>>
      %dma_start3A_108 = arith.constant 0 : i32
      %dma_start3A_109 = tpu.memref_slice %arg15[%add3A_16, %dma_start3A_108] : memref<10240x128xf32, #tpu.memory_space<vmem_shared>> -> memref<64x128xf32, #tpu.memory_space<vmem_shared>>
      %dma_start3A_110 = arith.constant 0 : i32
      %dma_start3A_111 = tpu.memref_slice %arg15[%add3A_16, %dma_start3A_110] : memref<10240x128xf32, #tpu.memory_space<vmem_shared>> -> memref<64x128xf32, #tpu.memory_space<vmem_shared>>
      tpu.enqueue_dma source(%arg11 : memref<64x128xf32, #tpu.memory_space<vmem>>) target(%dma_start3A_111 : memref<64x128xf32, #tpu.memory_space<vmem_shared>>) target_semaphore(%run_scoped3A : memref<!tpu.dma_semaphore, #tpu.memory_space<semaphore_mem>>)
      %dma_wait3A_112 = arith.constant 0 : i32
      %dma_wait3A_113 = tpu.memref_slice %arg15[%add3A_16, %dma_wait3A_112] : memref<10240x128xf32, #tpu.memory_space<vmem_shared>> -> memref<64x128xf32, #tpu.memory_space<vmem_shared>>
      %dma_wait3A_114 = arith.constant 0 : i32
      %dma_wait3A_115 = tpu.memref_slice %arg15[%add3A_16, %dma_wait3A_114] : memref<10240x128xf32, #tpu.memory_space<vmem_shared>> -> memref<64x128xf32, #tpu.memory_space<vmem_shared>>
      tpu.wait_dma2 semaphore(%run_scoped3A : memref<!tpu.dma_semaphore, #tpu.memory_space<semaphore_mem>>) src(%arg11 : memref<64x128xf32, #tpu.memory_space<vmem>>) dst(%dma_wait3A_115 : memref<64x128xf32, #tpu.memory_space<vmem_shared>>)
      tpu.yield
    }) : () -> ()
    %add3A_17 = arith.constant 128 : i32
    %add3A_18 = arith.addi %mul3A_12, %add3A_17 : i32
    "tpu.region"() ({
      %run_scoped3A = tpu.sem_alloc : memref<!tpu.dma_semaphore, #tpu.memory_space<semaphore_mem>>
      %dma_start3A_108 = arith.constant 0 : i32
      %dma_start3A_109 = tpu.memref_slice %arg15[%add3A_18, %dma_start3A_108] : memref<10240x128xf32, #tpu.memory_space<vmem_shared>> -> memref<64x128xf32, #tpu.memory_space<vmem_shared>>
      %dma_start3A_110 = arith.constant 0 : i32
      %dma_start3A_111 = tpu.memref_slice %arg15[%add3A_18, %dma_start3A_110] : memref<10240x128xf32, #tpu.memory_space<vmem_shared>> -> memref<64x128xf32, #tpu.memory_space<vmem_shared>>
      tpu.enqueue_dma source(%arg11 : memref<64x128xf32, #tpu.memory_space<vmem>>) target(%dma_start3A_111 : memref<64x128xf32, #tpu.memory_space<vmem_shared>>) target_semaphore(%run_scoped3A : memref<!tpu.dma_semaphore, #tpu.memory_space<semaphore_mem>>)
      %dma_wait3A_112 = arith.constant 0 : i32
      %dma_wait3A_113 = tpu.memref_slice %arg15[%add3A_18, %dma_wait3A_112] : memref<10240x128xf32, #tpu.memory_space<vmem_shared>> -> memref<64x128xf32, #tpu.memory_space<vmem_shared>>
      %dma_wait3A_114 = arith.constant 0 : i32
      %dma_wait3A_115 = tpu.memref_slice %arg15[%add3A_18, %dma_wait3A_114] : memref<10240x128xf32, #tpu.memory_space<vmem_shared>> -> memref<64x128xf32, #tpu.memory_space<vmem_shared>>
      tpu.wait_dma2 semaphore(%run_scoped3A : memref<!tpu.dma_semaphore, #tpu.memory_space<semaphore_mem>>) src(%arg11 : memref<64x128xf32, #tpu.memory_space<vmem>>) dst(%dma_wait3A_115 : memref<64x128xf32, #tpu.memory_space<vmem_shared>>)
      tpu.yield
    }) : () -> ()
    %add3A_19 = arith.constant 192 : i32
    %add3A_20 = arith.addi %mul3A_12, %add3A_19 : i32
    "tpu.region"() ({
      %run_scoped3A = tpu.sem_alloc : memref<!tpu.dma_semaphore, #tpu.memory_space<semaphore_mem>>
      %dma_start3A_108 = arith.constant 0 : i32
      %dma_start3A_109 = tpu.memref_slice %arg15[%add3A_20, %dma_start3A_108] : memref<10240x128xf32, #tpu.memory_space<vmem_shared>> -> memref<64x128xf32, #tpu.memory_space<vmem_shared>>
      %dma_start3A_110 = arith.constant 0 : i32
      %dma_start3A_111 = tpu.memref_slice %arg15[%add3A_20, %dma_start3A_110] : memref<10240x128xf32, #tpu.memory_space<vmem_shared>> -> memref<64x128xf32, #tpu.memory_space<vmem_shared>>
      tpu.enqueue_dma source(%arg11 : memref<64x128xf32, #tpu.memory_space<vmem>>) target(%dma_start3A_111 : memref<64x128xf32, #tpu.memory_space<vmem_shared>>) target_semaphore(%run_scoped3A : memref<!tpu.dma_semaphore, #tpu.memory_space<semaphore_mem>>)
      %dma_wait3A_112 = arith.constant 0 : i32
      %dma_wait3A_113 = tpu.memref_slice %arg15[%add3A_20, %dma_wait3A_112] : memref<10240x128xf32, #tpu.memory_space<vmem_shared>> -> memref<64x128xf32, #tpu.memory_space<vmem_shared>>
      %dma_wait3A_114 = arith.constant 0 : i32
      %dma_wait3A_115 = tpu.memref_slice %arg15[%add3A_20, %dma_wait3A_114] : memref<10240x128xf32, #tpu.memory_space<vmem_shared>> -> memref<64x128xf32, #tpu.memory_space<vmem_shared>>
      tpu.wait_dma2 semaphore(%run_scoped3A : memref<!tpu.dma_semaphore, #tpu.memory_space<semaphore_mem>>) src(%arg11 : memref<64x128xf32, #tpu.memory_space<vmem>>) dst(%dma_wait3A_115 : memref<64x128xf32, #tpu.memory_space<vmem_shared>>)
      tpu.yield
    }) : () -> ()
    %add3A_21 = arith.constant 256 : i32
    %add3A_22 = arith.addi %mul3A_12, %add3A_21 : i32
    "tpu.region"() ({
      %run_scoped3A = tpu.sem_alloc : memref<!tpu.dma_semaphore, #tpu.memory_space<semaphore_mem>>
      %dma_start3A_108 = arith.constant 0 : i32
      %dma_start3A_109 = tpu.memref_slice %arg15[%add3A_22, %dma_start3A_108] : memref<10240x128xf32, #tpu.memory_space<vmem_shared>> -> memref<64x128xf32, #tpu.memory_space<vmem_shared>>
      %dma_start3A_110 = arith.constant 0 : i32
      %dma_start3A_111 = tpu.memref_slice %arg15[%add3A_22, %dma_start3A_110] : memref<10240x128xf32, #tpu.memory_space<vmem_shared>> -> memref<64x128xf32, #tpu.memory_space<vmem_shared>>
      tpu.enqueue_dma source(%arg11 : memref<64x128xf32, #tpu.memory_space<vmem>>) target(%dma_start3A_111 : memref<64x128xf32, #tpu.memory_space<vmem_shared>>) target_semaphore(%run_scoped3A : memref<!tpu.dma_semaphore, #tpu.memory_space<semaphore_mem>>)
      %dma_wait3A_112 = arith.constant 0 : i32
      %dma_wait3A_113 = tpu.memref_slice %arg15[%add3A_22, %dma_wait3A_112] : memref<10240x128xf32, #tpu.memory_space<vmem_shared>> -> memref<64x128xf32, #tpu.memory_space<vmem_shared>>
      %dma_wait3A_114 = arith.constant 0 : i32
      %dma_wait3A_115 = tpu.memref_slice %arg15[%add3A_22, %dma_wait3A_114] : memref<10240x128xf32, #tpu.memory_space<vmem_shared>> -> memref<64x128xf32, #tpu.memory_space<vmem_shared>>
      tpu.wait_dma2 semaphore(%run_scoped3A : memref<!tpu.dma_semaphore, #tpu.memory_space<semaphore_mem>>) src(%arg11 : memref<64x128xf32, #tpu.memory_space<vmem>>) dst(%dma_wait3A_115 : memref<64x128xf32, #tpu.memory_space<vmem_shared>>)
      tpu.yield
    }) : () -> ()
    %add3A_23 = arith.constant 320 : i32
    %add3A_24 = arith.addi %mul3A_12, %add3A_23 : i32
    "tpu.region"() ({
      %run_scoped3A = tpu.sem_alloc : memref<!tpu.dma_semaphore, #tpu.memory_space<semaphore_mem>>
      %dma_start3A_108 = arith.constant 0 : i32
      %dma_start3A_109 = tpu.memref_slice %arg15[%add3A_24, %dma_start3A_108] : memref<10240x128xf32, #tpu.memory_space<vmem_shared>> -> memref<64x128xf32, #tpu.memory_space<vmem_shared>>
      %dma_start3A_110 = arith.constant 0 : i32
      %dma_start3A_111 = tpu.memref_slice %arg15[%add3A_24, %dma_start3A_110] : memref<10240x128xf32, #tpu.memory_space<vmem_shared>> -> memref<64x128xf32, #tpu.memory_space<vmem_shared>>
      tpu.enqueue_dma source(%arg11 : memref<64x128xf32, #tpu.memory_space<vmem>>) target(%dma_start3A_111 : memref<64x128xf32, #tpu.memory_space<vmem_shared>>) target_semaphore(%run_scoped3A : memref<!tpu.dma_semaphore, #tpu.memory_space<semaphore_mem>>)
      %dma_wait3A_112 = arith.constant 0 : i32
      %dma_wait3A_113 = tpu.memref_slice %arg15[%add3A_24, %dma_wait3A_112] : memref<10240x128xf32, #tpu.memory_space<vmem_shared>> -> memref<64x128xf32, #tpu.memory_space<vmem_shared>>
      %dma_wait3A_114 = arith.constant 0 : i32
      %dma_wait3A_115 = tpu.memref_slice %arg15[%add3A_24, %dma_wait3A_114] : memref<10240x128xf32, #tpu.memory_space<vmem_shared>> -> memref<64x128xf32, #tpu.memory_space<vmem_shared>>
      tpu.wait_dma2 semaphore(%run_scoped3A : memref<!tpu.dma_semaphore, #tpu.memory_space<semaphore_mem>>) src(%arg11 : memref<64x128xf32, #tpu.memory_space<vmem>>) dst(%dma_wait3A_115 : memref<64x128xf32, #tpu.memory_space<vmem_shared>>)
      tpu.yield
    }) : () -> ()
    %add3A_25 = arith.constant 384 : i32
    %add3A_26 = arith.addi %mul3A_12, %add3A_25 : i32
    "tpu.region"() ({
      %run_scoped3A = tpu.sem_alloc : memref<!tpu.dma_semaphore, #tpu.memory_space<semaphore_mem>>
      %dma_start3A_108 = arith.constant 0 : i32
      %dma_start3A_109 = tpu.memref_slice %arg15[%add3A_26, %dma_start3A_108] : memref<10240x128xf32, #tpu.memory_space<vmem_shared>> -> memref<64x128xf32, #tpu.memory_space<vmem_shared>>
      %dma_start3A_110 = arith.constant 0 : i32
      %dma_start3A_111 = tpu.memref_slice %arg15[%add3A_26, %dma_start3A_110] : memref<10240x128xf32, #tpu.memory_space<vmem_shared>> -> memref<64x128xf32, #tpu.memory_space<vmem_shared>>
      tpu.enqueue_dma source(%arg11 : memref<64x128xf32, #tpu.memory_space<vmem>>) target(%dma_start3A_111 : memref<64x128xf32, #tpu.memory_space<vmem_shared>>) target_semaphore(%run_scoped3A : memref<!tpu.dma_semaphore, #tpu.memory_space<semaphore_mem>>)
      %dma_wait3A_112 = arith.constant 0 : i32
      %dma_wait3A_113 = tpu.memref_slice %arg15[%add3A_26, %dma_wait3A_112] : memref<10240x128xf32, #tpu.memory_space<vmem_shared>> -> memref<64x128xf32, #tpu.memory_space<vmem_shared>>
      %dma_wait3A_114 = arith.constant 0 : i32
      %dma_wait3A_115 = tpu.memref_slice %arg15[%add3A_26, %dma_wait3A_114] : memref<10240x128xf32, #tpu.memory_space<vmem_shared>> -> memref<64x128xf32, #tpu.memory_space<vmem_shared>>
      tpu.wait_dma2 semaphore(%run_scoped3A : memref<!tpu.dma_semaphore, #tpu.memory_space<semaphore_mem>>) src(%arg11 : memref<64x128xf32, #tpu.memory_space<vmem>>) dst(%dma_wait3A_115 : memref<64x128xf32, #tpu.memory_space<vmem_shared>>)
      tpu.yield
    }) : () -> ()
    %add3A_27 = arith.constant 448 : i32
    %add3A_28 = arith.addi %mul3A_12, %add3A_27 : i32
    "tpu.region"() ({
      %run_scoped3A = tpu.sem_alloc : memref<!tpu.dma_semaphore, #tpu.memory_space<semaphore_mem>>
      %dma_start3A_108 = arith.constant 0 : i32
      %dma_start3A_109 = tpu.memref_slice %arg15[%add3A_28, %dma_start3A_108] : memref<10240x128xf32, #tpu.memory_space<vmem_shared>> -> memref<64x128xf32, #tpu.memory_space<vmem_shared>>
      %dma_start3A_110 = arith.constant 0 : i32
      %dma_start3A_111 = tpu.memref_slice %arg15[%add3A_28, %dma_start3A_110] : memref<10240x128xf32, #tpu.memory_space<vmem_shared>> -> memref<64x128xf32, #tpu.memory_space<vmem_shared>>
      tpu.enqueue_dma source(%arg11 : memref<64x128xf32, #tpu.memory_space<vmem>>) target(%dma_start3A_111 : memref<64x128xf32, #tpu.memory_space<vmem_shared>>) target_semaphore(%run_scoped3A : memref<!tpu.dma_semaphore, #tpu.memory_space<semaphore_mem>>)
      %dma_wait3A_112 = arith.constant 0 : i32
      %dma_wait3A_113 = tpu.memref_slice %arg15[%add3A_28, %dma_wait3A_112] : memref<10240x128xf32, #tpu.memory_space<vmem_shared>> -> memref<64x128xf32, #tpu.memory_space<vmem_shared>>
      %dma_wait3A_114 = arith.constant 0 : i32
      %dma_wait3A_115 = tpu.memref_slice %arg15[%add3A_28, %dma_wait3A_114] : memref<10240x128xf32, #tpu.memory_space<vmem_shared>> -> memref<64x128xf32, #tpu.memory_space<vmem_shared>>
      tpu.wait_dma2 semaphore(%run_scoped3A : memref<!tpu.dma_semaphore, #tpu.memory_space<semaphore_mem>>) src(%arg11 : memref<64x128xf32, #tpu.memory_space<vmem>>) dst(%dma_wait3A_115 : memref<64x128xf32, #tpu.memory_space<vmem_shared>>)
      tpu.yield
    }) : () -> ()
    %add3A_29 = arith.constant 512 : i32
    %add3A_30 = arith.addi %mul3A_12, %add3A_29 : i32
    "tpu.region"() ({
      %run_scoped3A = tpu.sem_alloc : memref<!tpu.dma_semaphore, #tpu.memory_space<semaphore_mem>>
      %dma_start3A_108 = arith.constant 0 : i32
      %dma_start3A_109 = tpu.memref_slice %arg15[%add3A_30, %dma_start3A_108] : memref<10240x128xf32, #tpu.memory_space<vmem_shared>> -> memref<64x128xf32, #tpu.memory_space<vmem_shared>>
      %dma_start3A_110 = arith.constant 0 : i32
      %dma_start3A_111 = tpu.memref_slice %arg15[%add3A_30, %dma_start3A_110] : memref<10240x128xf32, #tpu.memory_space<vmem_shared>> -> memref<64x128xf32, #tpu.memory_space<vmem_shared>>
      tpu.enqueue_dma source(%arg11 : memref<64x128xf32, #tpu.memory_space<vmem>>) target(%dma_start3A_111 : memref<64x128xf32, #tpu.memory_space<vmem_shared>>) target_semaphore(%run_scoped3A : memref<!tpu.dma_semaphore, #tpu.memory_space<semaphore_mem>>)
      %dma_wait3A_112 = arith.constant 0 : i32
      %dma_wait3A_113 = tpu.memref_slice %arg15[%add3A_30, %dma_wait3A_112] : memref<10240x128xf32, #tpu.memory_space<vmem_shared>> -> memref<64x128xf32, #tpu.memory_space<vmem_shared>>
      %dma_wait3A_114 = arith.constant 0 : i32
      %dma_wait3A_115 = tpu.memref_slice %arg15[%add3A_30, %dma_wait3A_114] : memref<10240x128xf32, #tpu.memory_space<vmem_shared>> -> memref<64x128xf32, #tpu.memory_space<vmem_shared>>
      tpu.wait_dma2 semaphore(%run_scoped3A : memref<!tpu.dma_semaphore, #tpu.memory_space<semaphore_mem>>) src(%arg11 : memref<64x128xf32, #tpu.memory_space<vmem>>) dst(%dma_wait3A_115 : memref<64x128xf32, #tpu.memory_space<vmem_shared>>)
      tpu.yield
    }) : () -> ()
    %add3A_31 = arith.constant 576 : i32
    %add3A_32 = arith.addi %mul3A_12, %add3A_31 : i32
    "tpu.region"() ({
      %run_scoped3A = tpu.sem_alloc : memref<!tpu.dma_semaphore, #tpu.memory_space<semaphore_mem>>
      %dma_start3A_108 = arith.constant 0 : i32
      %dma_start3A_109 = tpu.memref_slice %arg15[%add3A_32, %dma_start3A_108] : memref<10240x128xf32, #tpu.memory_space<vmem_shared>> -> memref<64x128xf32, #tpu.memory_space<vmem_shared>>
      %dma_start3A_110 = arith.constant 0 : i32
      %dma_start3A_111 = tpu.memref_slice %arg15[%add3A_32, %dma_start3A_110] : memref<10240x128xf32, #tpu.memory_space<vmem_shared>> -> memref<64x128xf32, #tpu.memory_space<vmem_shared>>
      tpu.enqueue_dma source(%arg11 : memref<64x128xf32, #tpu.memory_space<vmem>>) target(%dma_start3A_111 : memref<64x128xf32, #tpu.memory_space<vmem_shared>>) target_semaphore(%run_scoped3A : memref<!tpu.dma_semaphore, #tpu.memory_space<semaphore_mem>>)
      %dma_wait3A_112 = arith.constant 0 : i32
      %dma_wait3A_113 = tpu.memref_slice %arg15[%add3A_32, %dma_wait3A_112] : memref<10240x128xf32, #tpu.memory_space<vmem_shared>> -> memref<64x128xf32, #tpu.memory_space<vmem_shared>>
      %dma_wait3A_114 = arith.constant 0 : i32
      %dma_wait3A_115 = tpu.memref_slice %arg15[%add3A_32, %dma_wait3A_114] : memref<10240x128xf32, #tpu.memory_space<vmem_shared>> -> memref<64x128xf32, #tpu.memory_space<vmem_shared>>
      tpu.wait_dma2 semaphore(%run_scoped3A : memref<!tpu.dma_semaphore, #tpu.memory_space<semaphore_mem>>) src(%arg11 : memref<64x128xf32, #tpu.memory_space<vmem>>) dst(%dma_wait3A_115 : memref<64x128xf32, #tpu.memory_space<vmem_shared>>)
      tpu.yield
    }) : () -> ()
    %iota3A = tpu.iota {dimensions = array<i32: 0>} : vector<16xi32>
    %add3A_33 = arith.constant 10176 : i32
    %add3A_34 = vector.broadcast %add3A_33 : i32 to vector<16xi32>
    %add3A_35 = arith.addi %iota3A, %add3A_34 : vector<16xi32>
    %swap3A = arith.constant 0 : index
    %swap3A_36 = tpu.vector_load %arg10[%swap3A] {strides = array<i32>} : memref<64xi32, #tpu.memory_space<vmem>>, vector<16xi32>,
    %swap3A_37 = vector.shape_cast %swap3A_36 : vector<16xi32> to vector<16xi32>
    %swap3A_38 = vector.shape_cast %add3A_35 : vector<16xi32> to vector<16xi32>
    tpu.vector_store %arg10[%swap3A], %swap3A_38 {strides = array<i32>} : memref<64xi32, #tpu.memory_space<vmem>>, vector<16xi32>,
    %add3A_39 = arith.constant 10192 : i32
    %add3A_40 = vector.broadcast %add3A_39 : i32 to vector<16xi32>
    %add3A_41 = arith.addi %iota3A, %add3A_40 : vector<16xi32>
    %swap3A_42 = arith.constant 16 : index
    %swap3A_43 = tpu.vector_load %arg10[%swap3A_42] {strides = array<i32>} : memref<64xi32, #tpu.memory_space<vmem>>, vector<16xi32>,
    %swap3A_44 = vector.shape_cast %swap3A_43 : vector<16xi32> to vector<16xi32>
    %swap3A_45 = vector.shape_cast %add3A_41 : vector<16xi32> to vector<16xi32>
    tpu.vector_store %arg10[%swap3A_42], %swap3A_45 {strides = array<i32>} : memref<64xi32, #tpu.memory_space<vmem>>, vector<16xi32>,
    %add3A_46 = arith.constant 10208 : i32
    %add3A_47 = vector.broadcast %add3A_46 : i32 to vector<16xi32>
    %add3A_48 = arith.addi %iota3A, %add3A_47 : vector<16xi32>
    %swap3A_49 = arith.constant 32 : index
    %swap3A_50 = tpu.vector_load %arg10[%swap3A_49] {strides = array<i32>} : memref<64xi32, #tpu.memory_space<vmem>>, vector<16xi32>,
    %swap3A_51 = vector.shape_cast %swap3A_50 : vector<16xi32> to vector<16xi32>
    %swap3A_52 = vector.shape_cast %add3A_48 : vector<16xi32> to vector<16xi32>
    tpu.vector_store %arg10[%swap3A_49], %swap3A_52 {strides = array<i32>} : memref<64xi32, #tpu.memory_space<vmem>>, vector<16xi32>,
    %add3A_53 = arith.constant 10224 : i32
    %add3A_54 = vector.broadcast %add3A_53 : i32 to vector<16xi32>
    %add3A_55 = arith.addi %iota3A, %add3A_54 : vector<16xi32>
    %swap3A_56 = arith.constant 48 : index
    %swap3A_57 = tpu.vector_load %arg10[%swap3A_56] {strides = array<i32>} : memref<64xi32, #tpu.memory_space<vmem>>, vector<16xi32>,
    %swap3A_58 = vector.shape_cast %swap3A_57 : vector<16xi32> to vector<16xi32>
    %swap3A_59 = vector.shape_cast %add3A_55 : vector<16xi32> to vector<16xi32>
    tpu.vector_store %arg10[%swap3A_56], %swap3A_59 {strides = array<i32>} : memref<64xi32, #tpu.memory_space<vmem>>, vector<16xi32>,
    "tpu.region"() ({
      %run_scoped3A = tpu.sem_alloc : memref<!tpu.dma_semaphore, #tpu.memory_space<semaphore_mem>>
      %dma_start3A_108 = arith.constant 0 : i32
      %dma_start3A_109 = arith.constant 0 : i32
      %dma_start3A_110 = tpu.memref_slice %arg3[%mul3A_2, %dma_start3A_108, %dma_start3A_109] : memref<1312x4x64xi32, #tpu.memory_space<hbm>> -> memref<1x4x64xi32, #tpu.memory_space<hbm>>
      %dma_start3A_111 = tpu.memref_squeeze %dma_start3A_110 : memref<1x4x64xi32, #tpu.memory_space<hbm>> -> memref<4x64xi32, #tpu.memory_space<hbm>>
      %dma_start3A_112 = arith.constant 0 : i32
      %dma_start3A_113 = arith.constant 0 : i32
      %dma_start3A_114 = tpu.memref_slice %arg3[%mul3A_2, %dma_start3A_112, %dma_start3A_113] : memref<1312x4x64xi32, #tpu.memory_space<hbm>> -> memref<1x4x64xi32, #tpu.memory_space<hbm>>
      %dma_start3A_115 = tpu.memref_squeeze %dma_start3A_114 : memref<1x4x64xi32, #tpu.memory_space<hbm>> -> memref<4x64xi32, #tpu.memory_space<hbm>>
      tpu.enqueue_dma source(%dma_start3A_115 : memref<4x64xi32, #tpu.memory_space<hbm>>) target(%arg6 : memref<4x64xi32, #tpu.memory_space<vmem>>) target_semaphore(%run_scoped3A : memref<!tpu.dma_semaphore, #tpu.memory_space<semaphore_mem>>)
      %dma_wait3A_116 = arith.constant 0 : i32
      %dma_wait3A_117 = arith.constant 0 : i32
      %dma_wait3A_118 = tpu.memref_slice %arg3[%mul3A_2, %dma_wait3A_116, %dma_wait3A_117] : memref<1312x4x64xi32, #tpu.memory_space<hbm>> -> memref<1x4x64xi32, #tpu.memory_space<hbm>>
      %dma_wait3A_119 = tpu.memref_squeeze %dma_wait3A_118 : memref<1x4x64xi32, #tpu.memory_space<hbm>> -> memref<4x64xi32, #tpu.memory_space<hbm>>
      %dma_wait3A_120 = arith.constant 0 : i32
      %dma_wait3A_121 = arith.constant 0 : i32
      %dma_wait3A_122 = tpu.memref_slice %arg3[%mul3A_2, %dma_wait3A_120, %dma_wait3A_121] : memref<1312x4x64xi32, #tpu.memory_space<hbm>> -> memref<1x4x64xi32, #tpu.memory_space<hbm>>
      %dma_wait3A_123 = tpu.memref_squeeze %dma_wait3A_122 : memref<1x4x64xi32, #tpu.memory_space<hbm>> -> memref<4x64xi32, #tpu.memory_space<hbm>>
      tpu.wait_dma2 semaphore(%run_scoped3A : memref<!tpu.dma_semaphore, #tpu.memory_space<semaphore_mem>>) src(%dma_wait3A_123 : memref<4x64xi32, #tpu.memory_space<hbm>>) dst(%arg6 : memref<4x64xi32, #tpu.memory_space<vmem>>)
      tpu.yield
    }) : () -> ()
    "tpu.region"() ({
      %run_scoped3A = tpu.sem_alloc : memref<!tpu.dma_semaphore, #tpu.memory_space<semaphore_mem>>
      %dma_start3A_108 = arith.constant 0 : i32
      %dma_start3A_109 = arith.constant 0 : i32
      %dma_start3A_110 = tpu.memref_slice %arg4[%mul3A_2, %dma_start3A_108, %dma_start3A_109] : memref<1312x4x64xi32, #tpu.memory_space<hbm>> -> memref<1x4x64xi32, #tpu.memory_space<hbm>>
      %dma_start3A_111 = tpu.memref_squeeze %dma_start3A_110 : memref<1x4x64xi32, #tpu.memory_space<hbm>> -> memref<4x64xi32, #tpu.memory_space<hbm>>
      %dma_start3A_112 = arith.constant 0 : i32
      %dma_start3A_113 = arith.constant 0 : i32
      %dma_start3A_114 = tpu.memref_slice %arg4[%mul3A_2, %dma_start3A_112, %dma_start3A_113] : memref<1312x4x64xi32, #tpu.memory_space<hbm>> -> memref<1x4x64xi32, #tpu.memory_space<hbm>>
      %dma_start3A_115 = tpu.memref_squeeze %dma_start3A_114 : memref<1x4x64xi32, #tpu.memory_space<hbm>> -> memref<4x64xi32, #tpu.memory_space<hbm>>
      tpu.enqueue_dma source(%dma_start3A_115 : memref<4x64xi32, #tpu.memory_space<hbm>>) target(%arg8 : memref<4x64xi32, #tpu.memory_space<vmem>>) target_semaphore(%run_scoped3A : memref<!tpu.dma_semaphore, #tpu.memory_space<semaphore_mem>>)
      %dma_wait3A_116 = arith.constant 0 : i32
      %dma_wait3A_117 = arith.constant 0 : i32
      %dma_wait3A_118 = tpu.memref_slice %arg4[%mul3A_2, %dma_wait3A_116, %dma_wait3A_117] : memref<1312x4x64xi32, #tpu.memory_space<hbm>> -> memref<1x4x64xi32, #tpu.memory_space<hbm>>
      %dma_wait3A_119 = tpu.memref_squeeze %dma_wait3A_118 : memref<1x4x64xi32, #tpu.memory_space<hbm>> -> memref<4x64xi32, #tpu.memory_space<hbm>>
      %dma_wait3A_120 = arith.constant 0 : i32
      %dma_wait3A_121 = arith.constant 0 : i32
      %dma_wait3A_122 = tpu.memref_slice %arg4[%mul3A_2, %dma_wait3A_120, %dma_wait3A_121] : memref<1312x4x64xi32, #tpu.memory_space<hbm>> -> memref<1x4x64xi32, #tpu.memory_space<hbm>>
      %dma_wait3A_123 = tpu.memref_squeeze %dma_wait3A_122 : memref<1x4x64xi32, #tpu.memory_space<hbm>> -> memref<4x64xi32, #tpu.memory_space<hbm>>
      tpu.wait_dma2 semaphore(%run_scoped3A : memref<!tpu.dma_semaphore, #tpu.memory_space<semaphore_mem>>) src(%dma_wait3A_123 : memref<4x64xi32, #tpu.memory_space<hbm>>) dst(%arg8 : memref<4x64xi32, #tpu.memory_space<vmem>>)
      tpu.yield
    }) : () -> ()
    %barrier3A = arith.constant 0 : index
    tpu.barrier barrier_id(%barrier3A)
    %dma_start3A = arith.constant 0 : i32
    %dma_start3A_60 = arith.constant 0 : i32
    %dma_start3A_61 = tpu.memref_slice %arg15[%dma_start3A, %dma_start3A_60] : memref<10240x128xf32, #tpu.memory_space<vmem_shared>> -> memref<10240x128xf32, #tpu.memory_space<vmem_shared>>
    tpu.enqueue_indirect_dma source(%arg11 : memref<64x128xf32, #tpu.memory_space<vmem>>) target(%dma_start3A_61 : memref<10240x128xf32, #tpu.memory_space<vmem_shared>>) offsets(%arg10 : memref<64xi32, #tpu.memory_space<vmem>>) semaphore(%arg22 : memref<!tpu.dma_semaphore, #tpu.memory_space<semaphore_mem>>) {add = true}
    %dma_start3A_62 = arith.constant 0 : i32
    %dma_start3A_63 = arith.constant 0 : i32
    %dma_start3A_64 = tpu.memref_slice %arg15[%dma_start3A_62, %dma_start3A_63] : memref<10240x128xf32, #tpu.memory_space<vmem_shared>> -> memref<10240x128xf32, #tpu.memory_space<vmem_shared>>
    tpu.enqueue_indirect_dma source(%arg11 : memref<64x128xf32, #tpu.memory_space<vmem>>) target(%dma_start3A_64 : memref<10240x128xf32, #tpu.memory_space<vmem_shared>>) offsets(%arg10 : memref<64xi32, #tpu.memory_space<vmem>>) semaphore(%arg23 : memref<!tpu.dma_semaphore, #tpu.memory_space<semaphore_mem>>) {add = true}
    %dma_start3A_65 = arith.constant 0 : i32
    %dma_start3A_66 = arith.constant 0 : i32
    %dma_start3A_67 = tpu.memref_slice %arg6[%dma_start3A_65, %dma_start3A_66] : memref<4x64xi32, #tpu.memory_space<vmem>> -> memref<1x64xi32, #tpu.memory_space<vmem>>
    %dma_start3A_68 = tpu.memref_squeeze %dma_start3A_67 : memref<1x64xi32, #tpu.memory_space<vmem>> -> memref<64xi32, #tpu.memory_space<vmem>>
    %dma_start3A_69 = arith.constant 0 : i32
    %dma_start3A_70 = arith.constant 0 : i32
    %dma_start3A_71 = tpu.memref_slice %arg2[%dma_start3A_69, %dma_start3A_70] : memref<10240x128xf32, #tpu.memory_space<hbm>> -> memref<10240x128xf32, #tpu.memory_space<hbm>>
    tpu.enqueue_indirect_dma source(%dma_start3A_71 : memref<10240x128xf32, #tpu.memory_space<hbm>>) target(%arg11 : memref<64x128xf32, #tpu.memory_space<vmem>>) offsets(%dma_start3A_68 : memref<64xi32, #tpu.memory_space<vmem>>) semaphore(%arg16 : memref<!tpu.dma_semaphore, #tpu.memory_space<semaphore_mem>>)
    %dma_start3A_72 = arith.constant 1 : i32
    %dma_start3A_73 = arith.constant 0 : i32
    %dma_start3A_74 = tpu.memref_slice %arg6[%dma_start3A_72, %dma_start3A_73] : memref<4x64xi32, #tpu.memory_space<vmem>> -> memref<1x64xi32, #tpu.memory_space<vmem>>
    %dma_start3A_75 = tpu.memref_squeeze %dma_start3A_74 : memref<1x64xi32, #tpu.memory_space<vmem>> -> memref<64xi32, #tpu.memory_space<vmem>>
    %dma_start3A_76 = arith.constant 0 : i32
    %dma_start3A_77 = arith.constant 0 : i32
    %dma_start3A_78 = tpu.memref_slice %arg2[%dma_start3A_76, %dma_start3A_77] : memref<10240x128xf32, #tpu.memory_space<hbm>> -> memref<10240x128xf32, #tpu.memory_space<hbm>>
    tpu.enqueue_indirect_dma source(%dma_start3A_78 : memref<10240x128xf32, #tpu.memory_space<hbm>>) target(%arg12 : memref<64x128xf32, #tpu.memory_space<vmem>>) offsets(%dma_start3A_75 : memref<64xi32, #tpu.memory_space<vmem>>) semaphore(%arg17 : memref<!tpu.dma_semaphore, #tpu.memory_space<semaphore_mem>>)
    %scan3A_79 = arith.constant 0 : i32
    %scan3A_80 = arith.constant 0 : i32
    %scan3A_81 = arith.constant 20 : i32
    %scan3A_82 = arith.addi %scan3A_80, %scan3A_81 : i32
    %scan3A_83 = arith.constant 1 : i32
    scf.for %scan3A_108 = %scan3A_80 to %scan3A_82 step %scan3A_83  : i32 {
      %mul3A_109 = arith.constant 2 : i32
      %mul3A_110 = arith.muli %scan3A_108, %mul3A_109 : i32
      %add3A_111 = arith.constant 0 : i32
      %add3A_112 = arith.addi %mul3A_110, %add3A_111 : i32
      %add3A_113 = arith.constant 1 : i32
      %add3A_114 = arith.addi %add3A_112, %add3A_113 : i32
      %eq3A = arith.constant 40 : i32
      %eq3A_115 = arith.cmpi eq, %add3A_114, %eq3A : i32
      %add3A_116 = arith.addi %mul3A_2, %add3A_112 : i32
      %add3A_117 = arith.constant 1 : i32
      %add3A_118 = arith.addi %add3A_116, %add3A_117 : i32
      %select_n3A = arith.select %eq3A_115, %add3A_4, %add3A_118 : i32
      %dma_start3A_119 = arith.constant 0 : i32
      %dma_start3A_120 = arith.constant 0 : i32
      %dma_start3A_121 = tpu.memref_slice %arg3[%select_n3A, %dma_start3A_119, %dma_start3A_120] : memref<1312x4x64xi32, #tpu.memory_space<hbm>> -> memref<1x4x64xi32, #tpu.memory_space<hbm>>
      %dma_start3A_122 = tpu.memref_squeeze %dma_start3A_121 : memref<1x4x64xi32, #tpu.memory_space<hbm>> -> memref<4x64xi32, #tpu.memory_space<hbm>>
      %dma_start3A_123 = arith.constant 0 : i32
      %dma_start3A_124 = arith.constant 0 : i32
      %dma_start3A_125 = tpu.memref_slice %arg3[%select_n3A, %dma_start3A_123, %dma_start3A_124] : memref<1312x4x64xi32, #tpu.memory_space<hbm>> -> memref<1x4x64xi32, #tpu.memory_space<hbm>>
      %dma_start3A_126 = tpu.memref_squeeze %dma_start3A_125 : memref<1x4x64xi32, #tpu.memory_space<hbm>> -> memref<4x64xi32, #tpu.memory_space<hbm>>
      tpu.enqueue_dma source(%dma_start3A_126 : memref<4x64xi32, #tpu.memory_space<hbm>>) target(%arg7 : memref<4x64xi32, #tpu.memory_space<vmem>>) target_semaphore(%arg24 : memref<!tpu.dma_semaphore, #tpu.memory_space<semaphore_mem>>)
      %dma_start3A_127 = arith.constant 0 : i32
      %dma_start3A_128 = arith.constant 0 : i32
      %dma_start3A_129 = tpu.memref_slice %arg4[%select_n3A, %dma_start3A_127, %dma_start3A_128] : memref<1312x4x64xi32, #tpu.memory_space<hbm>> -> memref<1x4x64xi32, #tpu.memory_space<hbm>>
      %dma_start3A_130 = tpu.memref_squeeze %dma_start3A_129 : memref<1x4x64xi32, #tpu.memory_space<hbm>> -> memref<4x64xi32, #tpu.memory_space<hbm>>
      %dma_start3A_131 = arith.constant 0 : i32
      %dma_start3A_132 = arith.constant 0 : i32
      %dma_start3A_133 = tpu.memref_slice %arg4[%select_n3A, %dma_start3A_131, %dma_start3A_132] : memref<1312x4x64xi32, #tpu.memory_space<hbm>> -> memref<1x4x64xi32, #tpu.memory_space<hbm>>
      %dma_start3A_134 = tpu.memref_squeeze %dma_start3A_133 : memref<1x4x64xi32, #tpu.memory_space<hbm>> -> memref<4x64xi32, #tpu.memory_space<hbm>>
      tpu.enqueue_dma source(%dma_start3A_134 : memref<4x64xi32, #tpu.memory_space<hbm>>) target(%arg9 : memref<4x64xi32, #tpu.memory_space<vmem>>) target_semaphore(%arg25 : memref<!tpu.dma_semaphore, #tpu.memory_space<semaphore_mem>>)
      %dma_wait3A_135 = arith.constant 0 : i32
      %dma_wait3A_136 = arith.constant 0 : i32
      %dma_wait3A_137 = tpu.memref_slice %arg15[%dma_wait3A_135, %dma_wait3A_136] : memref<10240x128xf32, #tpu.memory_space<vmem_shared>> -> memref<10240x128xf32, #tpu.memory_space<vmem_shared>>
      tpu.wait_indirect_dma semaphore(%arg22 : memref<!tpu.dma_semaphore, #tpu.memory_space<semaphore_mem>>) src(%arg13 : memref<64x128xf32, #tpu.memory_space<vmem>>) dst(%dma_wait3A_137 : memref<10240x128xf32, #tpu.memory_space<vmem_shared>>)
      %dma_start3A_138 = arith.constant 2 : i32
      %dma_start3A_139 = arith.constant 0 : i32
      %dma_start3A_140 = tpu.memref_slice %arg6[%dma_start3A_138, %dma_start3A_139] : memref<4x64xi32, #tpu.memory_space<vmem>> -> memref<1x64xi32, #tpu.memory_space<vmem>>
      %dma_start3A_141 = tpu.memref_squeeze %dma_start3A_140 : memref<1x64xi32, #tpu.memory_space<vmem>> -> memref<64xi32, #tpu.memory_space<vmem>>
      %dma_start3A_142 = arith.constant 0 : i32
      %dma_start3A_143 = arith.constant 0 : i32
      %dma_start3A_144 = tpu.memref_slice %arg2[%dma_start3A_142, %dma_start3A_143] : memref<10240x128xf32, #tpu.memory_space<hbm>> -> memref<10240x128xf32, #tpu.memory_space<hbm>>
      tpu.enqueue_indirect_dma source(%dma_start3A_144 : memref<10240x128xf32, #tpu.memory_space<hbm>>) target(%arg13 : memref<64x128xf32, #tpu.memory_space<vmem>>) offsets(%dma_start3A_141 : memref<64xi32, #tpu.memory_space<vmem>>) semaphore(%arg18 : memref<!tpu.dma_semaphore, #tpu.memory_space<semaphore_mem>>)
      %dma_wait3A_145 = arith.constant 0 : i32
      %dma_wait3A_146 = arith.constant 0 : i32
      %dma_wait3A_147 = tpu.memref_slice %arg6[%dma_wait3A_145, %dma_wait3A_146] : memref<4x64xi32, #tpu.memory_space<vmem>> -> memref<1x64xi32, #tpu.memory_space<vmem>>
      %dma_wait3A_148 = tpu.memref_squeeze %dma_wait3A_147 : memref<1x64xi32, #tpu.memory_space<vmem>> -> memref<64xi32, #tpu.memory_space<vmem>>
      %dma_wait3A_149 = arith.constant 0 : i32
      %dma_wait3A_150 = arith.constant 0 : i32
      %dma_wait3A_151 = tpu.memref_slice %arg2[%dma_wait3A_149, %dma_wait3A_150] : memref<10240x128xf32, #tpu.memory_space<hbm>> -> memref<10240x128xf32, #tpu.memory_space<hbm>>
      tpu.wait_indirect_dma semaphore(%arg16 : memref<!tpu.dma_semaphore, #tpu.memory_space<semaphore_mem>>) src(%dma_wait3A_151 : memref<10240x128xf32, #tpu.memory_space<hbm>>) dst(%arg11 : memref<64x128xf32, #tpu.memory_space<vmem>>)
      %dma_start3A_152 = arith.constant 0 : i32
      %dma_start3A_153 = arith.constant 0 : i32
      %dma_start3A_154 = tpu.memref_slice %arg8[%dma_start3A_152, %dma_start3A_153] : memref<4x64xi32, #tpu.memory_space<vmem>> -> memref<1x64xi32, #tpu.memory_space<vmem>>
      %dma_start3A_155 = tpu.memref_squeeze %dma_start3A_154 : memref<1x64xi32, #tpu.memory_space<vmem>> -> memref<64xi32, #tpu.memory_space<vmem>>
      %dma_start3A_156 = arith.constant 0 : i32
      %dma_start3A_157 = arith.constant 0 : i32
      %dma_start3A_158 = tpu.memref_slice %arg15[%dma_start3A_156, %dma_start3A_157] : memref<10240x128xf32, #tpu.memory_space<vmem_shared>> -> memref<10240x128xf32, #tpu.memory_space<vmem_shared>>
      tpu.enqueue_indirect_dma source(%arg11 : memref<64x128xf32, #tpu.memory_space<vmem>>) target(%dma_start3A_158 : memref<10240x128xf32, #tpu.memory_space<vmem_shared>>) offsets(%dma_start3A_155 : memref<64xi32, #tpu.memory_space<vmem>>) semaphore(%arg20 : memref<!tpu.dma_semaphore, #tpu.memory_space<semaphore_mem>>) {add = true}
      %dma_wait3A_159 = arith.constant 0 : i32
      %dma_wait3A_160 = arith.constant 0 : i32
      %dma_wait3A_161 = tpu.memref_slice %arg15[%dma_wait3A_159, %dma_wait3A_160] : memref<10240x128xf32, #tpu.memory_space<vmem_shared>> -> memref<10240x128xf32, #tpu.memory_space<vmem_shared>>
      tpu.wait_indirect_dma semaphore(%arg23 : memref<!tpu.dma_semaphore, #tpu.memory_space<semaphore_mem>>) src(%arg14 : memref<64x128xf32, #tpu.memory_space<vmem>>) dst(%dma_wait3A_161 : memref<10240x128xf32, #tpu.memory_space<vmem_shared>>)
      %dma_start3A_162 = arith.constant 3 : i32
      %dma_start3A_163 = arith.constant 0 : i32
      %dma_start3A_164 = tpu.memref_slice %arg6[%dma_start3A_162, %dma_start3A_163] : memref<4x64xi32, #tpu.memory_space<vmem>> -> memref<1x64xi32, #tpu.memory_space<vmem>>
      %dma_start3A_165 = tpu.memref_squeeze %dma_start3A_164 : memref<1x64xi32, #tpu.memory_space<vmem>> -> memref<64xi32, #tpu.memory_space<vmem>>
      %dma_start3A_166 = arith.constant 0 : i32
      %dma_start3A_167 = arith.constant 0 : i32
      %dma_start3A_168 = tpu.memref_slice %arg2[%dma_start3A_166, %dma_start3A_167] : memref<10240x128xf32, #tpu.memory_space<hbm>> -> memref<10240x128xf32, #tpu.memory_space<hbm>>
      tpu.enqueue_indirect_dma source(%dma_start3A_168 : memref<10240x128xf32, #tpu.memory_space<hbm>>) target(%arg14 : memref<64x128xf32, #tpu.memory_space<vmem>>) offsets(%dma_start3A_165 : memref<64xi32, #tpu.memory_space<vmem>>) semaphore(%arg19 : memref<!tpu.dma_semaphore, #tpu.memory_space<semaphore_mem>>)
      %dma_wait3A_169 = arith.constant 1 : i32
      %dma_wait3A_170 = arith.constant 0 : i32
      %dma_wait3A_171 = tpu.memref_slice %arg6[%dma_wait3A_169, %dma_wait3A_170] : memref<4x64xi32, #tpu.memory_space<vmem>> -> memref<1x64xi32, #tpu.memory_space<vmem>>
      %dma_wait3A_172 = tpu.memref_squeeze %dma_wait3A_171 : memref<1x64xi32, #tpu.memory_space<vmem>> -> memref<64xi32, #tpu.memory_space<vmem>>
      %dma_wait3A_173 = arith.constant 0 : i32
      %dma_wait3A_174 = arith.constant 0 : i32
      %dma_wait3A_175 = tpu.memref_slice %arg2[%dma_wait3A_173, %dma_wait3A_174] : memref<10240x128xf32, #tpu.memory_space<hbm>> -> memref<10240x128xf32, #tpu.memory_space<hbm>>
      tpu.wait_indirect_dma semaphore(%arg17 : memref<!tpu.dma_semaphore, #tpu.memory_space<semaphore_mem>>) src(%dma_wait3A_175 : memref<10240x128xf32, #tpu.memory_space<hbm>>) dst(%arg12 : memref<64x128xf32, #tpu.memory_space<vmem>>)
      %dma_start3A_176 = arith.constant 1 : i32
      %dma_start3A_177 = arith.constant 0 : i32
      %dma_start3A_178 = tpu.memref_slice %arg8[%dma_start3A_176, %dma_start3A_177] : memref<4x64xi32, #tpu.memory_space<vmem>> -> memref<1x64xi32, #tpu.memory_space<vmem>>
      %dma_start3A_179 = tpu.memref_squeeze %dma_start3A_178 : memref<1x64xi32, #tpu.memory_space<vmem>> -> memref<64xi32, #tpu.memory_space<vmem>>
      %dma_start3A_180 = arith.constant 0 : i32
      %dma_start3A_181 = arith.constant 0 : i32
      %dma_start3A_182 = tpu.memref_slice %arg15[%dma_start3A_180, %dma_start3A_181] : memref<10240x128xf32, #tpu.memory_space<vmem_shared>> -> memref<10240x128xf32, #tpu.memory_space<vmem_shared>>
      tpu.enqueue_indirect_dma source(%arg12 : memref<64x128xf32, #tpu.memory_space<vmem>>) target(%dma_start3A_182 : memref<10240x128xf32, #tpu.memory_space<vmem_shared>>) offsets(%dma_start3A_179 : memref<64xi32, #tpu.memory_space<vmem>>) semaphore(%arg21 : memref<!tpu.dma_semaphore, #tpu.memory_space<semaphore_mem>>) {add = true}
      %dma_wait3A_183 = arith.constant 0 : i32
      %dma_wait3A_184 = arith.constant 0 : i32
      %dma_wait3A_185 = tpu.memref_slice %arg15[%dma_wait3A_183, %dma_wait3A_184] : memref<10240x128xf32, #tpu.memory_space<vmem_shared>> -> memref<10240x128xf32, #tpu.memory_space<vmem_shared>>
      tpu.wait_indirect_dma semaphore(%arg20 : memref<!tpu.dma_semaphore, #tpu.memory_space<semaphore_mem>>) src(%arg11 : memref<64x128xf32, #tpu.memory_space<vmem>>) dst(%dma_wait3A_185 : memref<10240x128xf32, #tpu.memory_space<vmem_shared>>)
      %dma_wait3A_186 = arith.constant 0 : i32
      %dma_wait3A_187 = arith.constant 0 : i32
      %dma_wait3A_188 = tpu.memref_slice %arg3[%select_n3A, %dma_wait3A_186, %dma_wait3A_187] : memref<1312x4x64xi32, #tpu.memory_space<hbm>> -> memref<1x4x64xi32, #tpu.memory_space<hbm>>
      %dma_wait3A_189 = tpu.memref_squeeze %dma_wait3A_188 : memref<1x4x64xi32, #tpu.memory_space<hbm>> -> memref<4x64xi32, #tpu.memory_space<hbm>>
      %dma_wait3A_190 = arith.constant 0 : i32
      %dma_wait3A_191 = arith.constant 0 : i32
      %dma_wait3A_192 = tpu.memref_slice %arg3[%select_n3A, %dma_wait3A_190, %dma_wait3A_191] : memref<1312x4x64xi32, #tpu.memory_space<hbm>> -> memref<1x4x64xi32, #tpu.memory_space<hbm>>
      %dma_wait3A_193 = tpu.memref_squeeze %dma_wait3A_192 : memref<1x4x64xi32, #tpu.memory_space<hbm>> -> memref<4x64xi32, #tpu.memory_space<hbm>>
      tpu.wait_dma2 semaphore(%arg24 : memref<!tpu.dma_semaphore, #tpu.memory_space<semaphore_mem>>) src(%dma_wait3A_193 : memref<4x64xi32, #tpu.memory_space<hbm>>) dst(%arg7 : memref<4x64xi32, #tpu.memory_space<vmem>>)
      %dma_wait3A_194 = arith.constant 0 : i32
      %dma_wait3A_195 = arith.constant 0 : i32
      %dma_wait3A_196 = tpu.memref_slice %arg4[%select_n3A, %dma_wait3A_194, %dma_wait3A_195] : memref<1312x4x64xi32, #tpu.memory_space<hbm>> -> memref<1x4x64xi32, #tpu.memory_space<hbm>>
      %dma_wait3A_197 = tpu.memref_squeeze %dma_wait3A_196 : memref<1x4x64xi32, #tpu.memory_space<hbm>> -> memref<4x64xi32, #tpu.memory_space<hbm>>
      %dma_wait3A_198 = arith.constant 0 : i32
      %dma_wait3A_199 = arith.constant 0 : i32
      %dma_wait3A_200 = tpu.memref_slice %arg4[%select_n3A, %dma_wait3A_198, %dma_wait3A_199] : memref<1312x4x64xi32, #tpu.memory_space<hbm>> -> memref<1x4x64xi32, #tpu.memory_space<hbm>>
      %dma_wait3A_201 = tpu.memref_squeeze %dma_wait3A_200 : memref<1x4x64xi32, #tpu.memory_space<hbm>> -> memref<4x64xi32, #tpu.memory_space<hbm>>
      tpu.wait_dma2 semaphore(%arg25 : memref<!tpu.dma_semaphore, #tpu.memory_space<semaphore_mem>>) src(%dma_wait3A_201 : memref<4x64xi32, #tpu.memory_space<hbm>>) dst(%arg9 : memref<4x64xi32, #tpu.memory_space<vmem>>)
      %dma_start3A_202 = arith.constant 0 : i32
      %dma_start3A_203 = arith.constant 0 : i32
      %dma_start3A_204 = tpu.memref_slice %arg7[%dma_start3A_202, %dma_start3A_203] : memref<4x64xi32, #tpu.memory_space<vmem>> -> memref<1x64xi32, #tpu.memory_space<vmem>>
      %dma_start3A_205 = tpu.memref_squeeze %dma_start3A_204 : memref<1x64xi32, #tpu.memory_space<vmem>> -> memref<64xi32, #tpu.memory_space<vmem>>
      %dma_start3A_206 = arith.constant 0 : i32
      %dma_start3A_207 = arith.constant 0 : i32
      %dma_start3A_208 = tpu.memref_slice %arg2[%dma_start3A_206, %dma_start3A_207] : memref<10240x128xf32, #tpu.memory_space<hbm>> -> memref<10240x128xf32, #tpu.memory_space<hbm>>
      tpu.enqueue_indirect_dma source(%dma_start3A_208 : memref<10240x128xf32, #tpu.memory_space<hbm>>) target(%arg11 : memref<64x128xf32, #tpu.memory_space<vmem>>) offsets(%dma_start3A_205 : memref<64xi32, #tpu.memory_space<vmem>>) semaphore(%arg16 : memref<!tpu.dma_semaphore, #tpu.memory_space<semaphore_mem>>)
      %dma_wait3A_209 = arith.constant 2 : i32
      %dma_wait3A_210 = arith.constant 0 : i32
      %dma_wait3A_211 = tpu.memref_slice %arg6[%dma_wait3A_209, %dma_wait3A_210] : memref<4x64xi32, #tpu.memory_space<vmem>> -> memref<1x64xi32, #tpu.memory_space<vmem>>
      %dma_wait3A_212 = tpu.memref_squeeze %dma_wait3A_211 : memref<1x64xi32, #tpu.memory_space<vmem>> -> memref<64xi32, #tpu.memory_space<vmem>>
      %dma_wait3A_213 = arith.constant 0 : i32
      %dma_wait3A_214 = arith.constant 0 : i32
      %dma_wait3A_215 = tpu.memref_slice %arg2[%dma_wait3A_213, %dma_wait3A_214] : memref<10240x128xf32, #tpu.memory_space<hbm>> -> memref<10240x128xf32, #tpu.memory_space<hbm>>
      tpu.wait_indirect_dma semaphore(%arg18 : memref<!tpu.dma_semaphore, #tpu.memory_space<semaphore_mem>>) src(%dma_wait3A_215 : memref<10240x128xf32, #tpu.memory_space<hbm>>) dst(%arg13 : memref<64x128xf32, #tpu.memory_space<vmem>>)
      %dma_start3A_216 = arith.constant 2 : i32
      %dma_start3A_217 = arith.constant 0 : i32
      %dma_start3A_218 = tpu.memref_slice %arg8[%dma_start3A_216, %dma_start3A_217] : memref<4x64xi32, #tpu.memory_space<vmem>> -> memref<1x64xi32, #tpu.memory_space<vmem>>
      %dma_start3A_219 = tpu.memref_squeeze %dma_start3A_218 : memref<1x64xi32, #tpu.memory_space<vmem>> -> memref<64xi32, #tpu.memory_space<vmem>>
      %dma_start3A_220 = arith.constant 0 : i32
      %dma_start3A_221 = arith.constant 0 : i32
      %dma_start3A_222 = tpu.memref_slice %arg15[%dma_start3A_220, %dma_start3A_221] : memref<10240x128xf32, #tpu.memory_space<vmem_shared>> -> memref<10240x128xf32, #tpu.memory_space<vmem_shared>>
      tpu.enqueue_indirect_dma source(%arg13 : memref<64x128xf32, #tpu.memory_space<vmem>>) target(%dma_start3A_222 : memref<10240x128xf32, #tpu.memory_space<vmem_shared>>) offsets(%dma_start3A_219 : memref<64xi32, #tpu.memory_space<vmem>>) semaphore(%arg22 : memref<!tpu.dma_semaphore, #tpu.memory_space<semaphore_mem>>) {add = true}
      %dma_wait3A_223 = arith.constant 0 : i32
      %dma_wait3A_224 = arith.constant 0 : i32
      %dma_wait3A_225 = tpu.memref_slice %arg15[%dma_wait3A_223, %dma_wait3A_224] : memref<10240x128xf32, #tpu.memory_space<vmem_shared>> -> memref<10240x128xf32, #tpu.memory_space<vmem_shared>>
      tpu.wait_indirect_dma semaphore(%arg21 : memref<!tpu.dma_semaphore, #tpu.memory_space<semaphore_mem>>) src(%arg12 : memref<64x128xf32, #tpu.memory_space<vmem>>) dst(%dma_wait3A_225 : memref<10240x128xf32, #tpu.memory_space<vmem_shared>>)
      %dma_start3A_226 = arith.constant 1 : i32
      %dma_start3A_227 = arith.constant 0 : i32
      %dma_start3A_228 = tpu.memref_slice %arg7[%dma_start3A_226, %dma_start3A_227] : memref<4x64xi32, #tpu.memory_space<vmem>> -> memref<1x64xi32, #tpu.memory_space<vmem>>
      %dma_start3A_229 = tpu.memref_squeeze %dma_start3A_228 : memref<1x64xi32, #tpu.memory_space<vmem>> -> memref<64xi32, #tpu.memory_space<vmem>>
      %dma_start3A_230 = arith.constant 0 : i32
      %dma_start3A_231 = arith.constant 0 : i32
      %dma_start3A_232 = tpu.memref_slice %arg2[%dma_start3A_230, %dma_start3A_231] : memref<10240x128xf32, #tpu.memory_space<hbm>> -> memref<10240x128xf32, #tpu.memory_space<hbm>>
      tpu.enqueue_indirect_dma source(%dma_start3A_232 : memref<10240x128xf32, #tpu.memory_space<hbm>>) target(%arg12 : memref<64x128xf32, #tpu.memory_space<vmem>>) offsets(%dma_start3A_229 : memref<64xi32, #tpu.memory_space<vmem>>) semaphore(%arg17 : memref<!tpu.dma_semaphore, #tpu.memory_space<semaphore_mem>>)
      %dma_wait3A_233 = arith.constant 3 : i32
      %dma_wait3A_234 = arith.constant 0 : i32
      %dma_wait3A_235 = tpu.memref_slice %arg6[%dma_wait3A_233, %dma_wait3A_234] : memref<4x64xi32, #tpu.memory_space<vmem>> -> memref<1x64xi32, #tpu.memory_space<vmem>>
      %dma_wait3A_236 = tpu.memref_squeeze %dma_wait3A_235 : memref<1x64xi32, #tpu.memory_space<vmem>> -> memref<64xi32, #tpu.memory_space<vmem>>
      %dma_wait3A_237 = arith.constant 0 : i32
      %dma_wait3A_238 = arith.constant 0 : i32
      %dma_wait3A_239 = tpu.memref_slice %arg2[%dma_wait3A_237, %dma_wait3A_238] : memref<10240x128xf32, #tpu.memory_space<hbm>> -> memref<10240x128xf32, #tpu.memory_space<hbm>>
      tpu.wait_indirect_dma semaphore(%arg19 : memref<!tpu.dma_semaphore, #tpu.memory_space<semaphore_mem>>) src(%dma_wait3A_239 : memref<10240x128xf32, #tpu.memory_space<hbm>>) dst(%arg14 : memref<64x128xf32, #tpu.memory_space<vmem>>)
      %dma_start3A_240 = arith.constant 3 : i32
      %dma_start3A_241 = arith.constant 0 : i32
      %dma_start3A_242 = tpu.memref_slice %arg8[%dma_start3A_240, %dma_start3A_241] : memref<4x64xi32, #tpu.memory_space<vmem>> -> memref<1x64xi32, #tpu.memory_space<vmem>>
      %dma_start3A_243 = tpu.memref_squeeze %dma_start3A_242 : memref<1x64xi32, #tpu.memory_space<vmem>> -> memref<64xi32, #tpu.memory_space<vmem>>
      %dma_start3A_244 = arith.constant 0 : i32
      %dma_start3A_245 = arith.constant 0 : i32
      %dma_start3A_246 = tpu.memref_slice %arg15[%dma_start3A_244, %dma_start3A_245] : memref<10240x128xf32, #tpu.memory_space<vmem_shared>> -> memref<10240x128xf32, #tpu.memory_space<vmem_shared>>
      tpu.enqueue_indirect_dma source(%arg14 : memref<64x128xf32, #tpu.memory_space<vmem>>) target(%dma_start3A_246 : memref<10240x128xf32, #tpu.memory_space<vmem_shared>>) offsets(%dma_start3A_243 : memref<64xi32, #tpu.memory_space<vmem>>) semaphore(%arg23 : memref<!tpu.dma_semaphore, #tpu.memory_space<semaphore_mem>>) {add = true}
      %mul3A_247 = arith.constant 2 : i32
      %mul3A_248 = arith.muli %scan3A_108, %mul3A_247 : i32
      %add3A_249 = arith.constant 1 : i32
      %add3A_250 = arith.addi %mul3A_248, %add3A_249 : i32
      %add3A_251 = arith.constant 1 : i32
      %add3A_252 = arith.addi %add3A_250, %add3A_251 : i32
      %eq3A_253 = arith.constant 40 : i32
      %eq3A_254 = arith.cmpi eq, %add3A_252, %eq3A_253 : i32
      %add3A_255 = arith.addi %mul3A_2, %add3A_250 : i32
      %add3A_256 = arith.constant 1 : i32
      %add3A_257 = arith.addi %add3A_255, %add3A_256 : i32
      %select_n3A_258 = arith.select %eq3A_254, %add3A_4, %add3A_257 : i32
      %dma_start3A_259 = arith.constant 0 : i32
      %dma_start3A_260 = arith.constant 0 : i32
      %dma_start3A_261 = tpu.memref_slice %arg3[%select_n3A_258, %dma_start3A_259, %dma_start3A_260] : memref<1312x4x64xi32, #tpu.memory_space<hbm>> -> memref<1x4x64xi32, #tpu.memory_space<hbm>>
      %dma_start3A_262 = tpu.memref_squeeze %dma_start3A_261 : memref<1x4x64xi32, #tpu.memory_space<hbm>> -> memref<4x64xi32, #tpu.memory_space<hbm>>
      %dma_start3A_263 = arith.constant 0 : i32
      %dma_start3A_264 = arith.constant 0 : i32
      %dma_start3A_265 = tpu.memref_slice %arg3[%select_n3A_258, %dma_start3A_263, %dma_start3A_264] : memref<1312x4x64xi32, #tpu.memory_space<hbm>> -> memref<1x4x64xi32, #tpu.memory_space<hbm>>
      %dma_start3A_266 = tpu.memref_squeeze %dma_start3A_265 : memref<1x4x64xi32, #tpu.memory_space<hbm>> -> memref<4x64xi32, #tpu.memory_space<hbm>>
      tpu.enqueue_dma source(%dma_start3A_266 : memref<4x64xi32, #tpu.memory_space<hbm>>) target(%arg6 : memref<4x64xi32, #tpu.memory_space<vmem>>) target_semaphore(%arg24 : memref<!tpu.dma_semaphore, #tpu.memory_space<semaphore_mem>>)
      %dma_start3A_267 = arith.constant 0 : i32
      %dma_start3A_268 = arith.constant 0 : i32
      %dma_start3A_269 = tpu.memref_slice %arg4[%select_n3A_258, %dma_start3A_267, %dma_start3A_268] : memref<1312x4x64xi32, #tpu.memory_space<hbm>> -> memref<1x4x64xi32, #tpu.memory_space<hbm>>
      %dma_start3A_270 = tpu.memref_squeeze %dma_start3A_269 : memref<1x4x64xi32, #tpu.memory_space<hbm>> -> memref<4x64xi32, #tpu.memory_space<hbm>>
      %dma_start3A_271 = arith.constant 0 : i32
      %dma_start3A_272 = arith.constant 0 : i32
      %dma_start3A_273 = tpu.memref_slice %arg4[%select_n3A_258, %dma_start3A_271, %dma_start3A_272] : memref<1312x4x64xi32, #tpu.memory_space<hbm>> -> memref<1x4x64xi32, #tpu.memory_space<hbm>>
      %dma_start3A_274 = tpu.memref_squeeze %dma_start3A_273 : memref<1x4x64xi32, #tpu.memory_space<hbm>> -> memref<4x64xi32, #tpu.memory_space<hbm>>
      tpu.enqueue_dma source(%dma_start3A_274 : memref<4x64xi32, #tpu.memory_space<hbm>>) target(%arg8 : memref<4x64xi32, #tpu.memory_space<vmem>>) target_semaphore(%arg25 : memref<!tpu.dma_semaphore, #tpu.memory_space<semaphore_mem>>)
      %dma_wait3A_275 = arith.constant 0 : i32
      %dma_wait3A_276 = arith.constant 0 : i32
      %dma_wait3A_277 = tpu.memref_slice %arg15[%dma_wait3A_275, %dma_wait3A_276] : memref<10240x128xf32, #tpu.memory_space<vmem_shared>> -> memref<10240x128xf32, #tpu.memory_space<vmem_shared>>
      tpu.wait_indirect_dma semaphore(%arg22 : memref<!tpu.dma_semaphore, #tpu.memory_space<semaphore_mem>>) src(%arg13 : memref<64x128xf32, #tpu.memory_space<vmem>>) dst(%dma_wait3A_277 : memref<10240x128xf32, #tpu.memory_space<vmem_shared>>)
      %dma_start3A_278 = arith.constant 2 : i32
      %dma_start3A_279 = arith.constant 0 : i32
      %dma_start3A_280 = tpu.memref_slice %arg7[%dma_start3A_278, %dma_start3A_279] : memref<4x64xi32, #tpu.memory_space<vmem>> -> memref<1x64xi32, #tpu.memory_space<vmem>>
      %dma_start3A_281 = tpu.memref_squeeze %dma_start3A_280 : memref<1x64xi32, #tpu.memory_space<vmem>> -> memref<64xi32, #tpu.memory_space<vmem>>
      %dma_start3A_282 = arith.constant 0 : i32
      %dma_start3A_283 = arith.constant 0 : i32
      %dma_start3A_284 = tpu.memref_slice %arg2[%dma_start3A_282, %dma_start3A_283] : memref<10240x128xf32, #tpu.memory_space<hbm>> -> memref<10240x128xf32, #tpu.memory_space<hbm>>
      tpu.enqueue_indirect_dma source(%dma_start3A_284 : memref<10240x128xf32, #tpu.memory_space<hbm>>) target(%arg13 : memref<64x128xf32, #tpu.memory_space<vmem>>) offsets(%dma_start3A_281 : memref<64xi32, #tpu.memory_space<vmem>>) semaphore(%arg18 : memref<!tpu.dma_semaphore, #tpu.memory_space<semaphore_mem>>)
      %dma_wait3A_285 = arith.constant 0 : i32
      %dma_wait3A_286 = arith.constant 0 : i32
      %dma_wait3A_287 = tpu.memref_slice %arg7[%dma_wait3A_285, %dma_wait3A_286] : memref<4x64xi32, #tpu.memory_space<vmem>> -> memref<1x64xi32, #tpu.memory_space<vmem>>
      %dma_wait3A_288 = tpu.memref_squeeze %dma_wait3A_287 : memref<1x64xi32, #tpu.memory_space<vmem>> -> memref<64xi32, #tpu.memory_space<vmem>>
      %dma_wait3A_289 = arith.constant 0 : i32
      %dma_wait3A_290 = arith.constant 0 : i32
      %dma_wait3A_291 = tpu.memref_slice %arg2[%dma_wait3A_289, %dma_wait3A_290] : memref<10240x128xf32, #tpu.memory_space<hbm>> -> memref<10240x128xf32, #tpu.memory_space<hbm>>
      tpu.wait_indirect_dma semaphore(%arg16 : memref<!tpu.dma_semaphore, #tpu.memory_space<semaphore_mem>>) src(%dma_wait3A_291 : memref<10240x128xf32, #tpu.memory_space<hbm>>) dst(%arg11 : memref<64x128xf32, #tpu.memory_space<vmem>>)
      %dma_start3A_292 = arith.constant 0 : i32
      %dma_start3A_293 = arith.constant 0 : i32
      %dma_start3A_294 = tpu.memref_slice %arg9[%dma_start3A_292, %dma_start3A_293] : memref<4x64xi32, #tpu.memory_space<vmem>> -> memref<1x64xi32, #tpu.memory_space<vmem>>
      %dma_start3A_295 = tpu.memref_squeeze %dma_start3A_294 : memref<1x64xi32, #tpu.memory_space<vmem>> -> memref<64xi32, #tpu.memory_space<vmem>>
      %dma_start3A_296 = arith.constant 0 : i32
      %dma_start3A_297 = arith.constant 0 : i32
      %dma_start3A_298 = tpu.memref_slice %arg15[%dma_start3A_296, %dma_start3A_297] : memref<10240x128xf32, #tpu.memory_space<vmem_shared>> -> memref<10240x128xf32, #tpu.memory_space<vmem_shared>>
      tpu.enqueue_indirect_dma source(%arg11 : memref<64x128xf32, #tpu.memory_space<vmem>>) target(%dma_start3A_298 : memref<10240x128xf32, #tpu.memory_space<vmem_shared>>) offsets(%dma_start3A_295 : memref<64xi32, #tpu.memory_space<vmem>>) semaphore(%arg20 : memref<!tpu.dma_semaphore, #tpu.memory_space<semaphore_mem>>) {add = true}
      %dma_wait3A_299 = arith.constant 0 : i32
      %dma_wait3A_300 = arith.constant 0 : i32
      %dma_wait3A_301 = tpu.memref_slice %arg15[%dma_wait3A_299, %dma_wait3A_300] : memref<10240x128xf32, #tpu.memory_space<vmem_shared>> -> memref<10240x128xf32, #tpu.memory_space<vmem_shared>>
      tpu.wait_indirect_dma semaphore(%arg23 : memref<!tpu.dma_semaphore, #tpu.memory_space<semaphore_mem>>) src(%arg14 : memref<64x128xf32, #tpu.memory_space<vmem>>) dst(%dma_wait3A_301 : memref<10240x128xf32, #tpu.memory_space<vmem_shared>>)
      %dma_start3A_302 = arith.constant 3 : i32
      %dma_start3A_303 = arith.constant 0 : i32
      %dma_start3A_304 = tpu.memref_slice %arg7[%dma_start3A_302, %dma_start3A_303] : memref<4x64xi32, #tpu.memory_space<vmem>> -> memref<1x64xi32, #tpu.memory_space<vmem>>
      %dma_start3A_305 = tpu.memref_squeeze %dma_start3A_304 : memref<1x64xi32, #tpu.memory_space<vmem>> -> memref<64xi32, #tpu.memory_space<vmem>>
      %dma_start3A_306 = arith.constant 0 : i32
      %dma_start3A_307 = arith.constant 0 : i32
      %dma_start3A_308 = tpu.memref_slice %arg2[%dma_start3A_306, %dma_start3A_307] : memref<10240x128xf32, #tpu.memory_space<hbm>> -> memref<10240x128xf32, #tpu.memory_space<hbm>>
      tpu.enqueue_indirect_dma source(%dma_start3A_308 : memref<10240x128xf32, #tpu.memory_space<hbm>>) target(%arg14 : memref<64x128xf32, #tpu.memory_space<vmem>>) offsets(%dma_start3A_305 : memref<64xi32, #tpu.memory_space<vmem>>) semaphore(%arg19 : memref<!tpu.dma_semaphore, #tpu.memory_space<semaphore_mem>>)
      %dma_wait3A_309 = arith.constant 1 : i32
      %dma_wait3A_310 = arith.constant 0 : i32
      %dma_wait3A_311 = tpu.memref_slice %arg7[%dma_wait3A_309, %dma_wait3A_310] : memref<4x64xi32, #tpu.memory_space<vmem>> -> memref<1x64xi32, #tpu.memory_space<vmem>>
      %dma_wait3A_312 = tpu.memref_squeeze %dma_wait3A_311 : memref<1x64xi32, #tpu.memory_space<vmem>> -> memref<64xi32, #tpu.memory_space<vmem>>
      %dma_wait3A_313 = arith.constant 0 : i32
      %dma_wait3A_314 = arith.constant 0 : i32
      %dma_wait3A_315 = tpu.memref_slice %arg2[%dma_wait3A_313, %dma_wait3A_314] : memref<10240x128xf32, #tpu.memory_space<hbm>> -> memref<10240x128xf32, #tpu.memory_space<hbm>>
      tpu.wait_indirect_dma semaphore(%arg17 : memref<!tpu.dma_semaphore, #tpu.memory_space<semaphore_mem>>) src(%dma_wait3A_315 : memref<10240x128xf32, #tpu.memory_space<hbm>>) dst(%arg12 : memref<64x128xf32, #tpu.memory_space<vmem>>)
      %dma_start3A_316 = arith.constant 1 : i32
      %dma_start3A_317 = arith.constant 0 : i32
      %dma_start3A_318 = tpu.memref_slice %arg9[%dma_start3A_316, %dma_start3A_317] : memref<4x64xi32, #tpu.memory_space<vmem>> -> memref<1x64xi32, #tpu.memory_space<vmem>>
      %dma_start3A_319 = tpu.memref_squeeze %dma_start3A_318 : memref<1x64xi32, #tpu.memory_space<vmem>> -> memref<64xi32, #tpu.memory_space<vmem>>
      %dma_start3A_320 = arith.constant 0 : i32
      %dma_start3A_321 = arith.constant 0 : i32
      %dma_start3A_322 = tpu.memref_slice %arg15[%dma_start3A_320, %dma_start3A_321] : memref<10240x128xf32, #tpu.memory_space<vmem_shared>> -> memref<10240x128xf32, #tpu.memory_space<vmem_shared>>
      tpu.enqueue_indirect_dma source(%arg12 : memref<64x128xf32, #tpu.memory_space<vmem>>) target(%dma_start3A_322 : memref<10240x128xf32, #tpu.memory_space<vmem_shared>>) offsets(%dma_start3A_319 : memref<64xi32, #tpu.memory_space<vmem>>) semaphore(%arg21 : memref<!tpu.dma_semaphore, #tpu.memory_space<semaphore_mem>>) {add = true}
      %dma_wait3A_323 = arith.constant 0 : i32
      %dma_wait3A_324 = arith.constant 0 : i32
      %dma_wait3A_325 = tpu.memref_slice %arg15[%dma_wait3A_323, %dma_wait3A_324] : memref<10240x128xf32, #tpu.memory_space<vmem_shared>> -> memref<10240x128xf32, #tpu.memory_space<vmem_shared>>
      tpu.wait_indirect_dma semaphore(%arg20 : memref<!tpu.dma_semaphore, #tpu.memory_space<semaphore_mem>>) src(%arg11 : memref<64x128xf32, #tpu.memory_space<vmem>>) dst(%dma_wait3A_325 : memref<10240x128xf32, #tpu.memory_space<vmem_shared>>)
      %dma_wait3A_326 = arith.constant 0 : i32
      %dma_wait3A_327 = arith.constant 0 : i32
      %dma_wait3A_328 = tpu.memref_slice %arg3[%select_n3A_258, %dma_wait3A_326, %dma_wait3A_327] : memref<1312x4x64xi32, #tpu.memory_space<hbm>> -> memref<1x4x64xi32, #tpu.memory_space<hbm>>
      %dma_wait3A_329 = tpu.memref_squeeze %dma_wait3A_328 : memref<1x4x64xi32, #tpu.memory_space<hbm>> -> memref<4x64xi32, #tpu.memory_space<hbm>>
      %dma_wait3A_330 = arith.constant 0 : i32
      %dma_wait3A_331 = arith.constant 0 : i32
      %dma_wait3A_332 = tpu.memref_slice %arg3[%select_n3A_258, %dma_wait3A_330, %dma_wait3A_331] : memref<1312x4x64xi32, #tpu.memory_space<hbm>> -> memref<1x4x64xi32, #tpu.memory_space<hbm>>
      %dma_wait3A_333 = tpu.memref_squeeze %dma_wait3A_332 : memref<1x4x64xi32, #tpu.memory_space<hbm>> -> memref<4x64xi32, #tpu.memory_space<hbm>>
      tpu.wait_dma2 semaphore(%arg24 : memref<!tpu.dma_semaphore, #tpu.memory_space<semaphore_mem>>) src(%dma_wait3A_333 : memref<4x64xi32, #tpu.memory_space<hbm>>) dst(%arg6 : memref<4x64xi32, #tpu.memory_space<vmem>>)
      %dma_wait3A_334 = arith.constant 0 : i32
      %dma_wait3A_335 = arith.constant 0 : i32
      %dma_wait3A_336 = tpu.memref_slice %arg4[%select_n3A_258, %dma_wait3A_334, %dma_wait3A_335] : memref<1312x4x64xi32, #tpu.memory_space<hbm>> -> memref<1x4x64xi32, #tpu.memory_space<hbm>>
      %dma_wait3A_337 = tpu.memref_squeeze %dma_wait3A_336 : memref<1x4x64xi32, #tpu.memory_space<hbm>> -> memref<4x64xi32, #tpu.memory_space<hbm>>
      %dma_wait3A_338 = arith.constant 0 : i32
      %dma_wait3A_339 = arith.constant 0 : i32
      %dma_wait3A_340 = tpu.memref_slice %arg4[%select_n3A_258, %dma_wait3A_338, %dma_wait3A_339] : memref<1312x4x64xi32, #tpu.memory_space<hbm>> -> memref<1x4x64xi32, #tpu.memory_space<hbm>>
      %dma_wait3A_341 = tpu.memref_squeeze %dma_wait3A_340 : memref<1x4x64xi32, #tpu.memory_space<hbm>> -> memref<4x64xi32, #tpu.memory_space<hbm>>
      tpu.wait_dma2 semaphore(%arg25 : memref<!tpu.dma_semaphore, #tpu.memory_space<semaphore_mem>>) src(%dma_wait3A_341 : memref<4x64xi32, #tpu.memory_space<hbm>>) dst(%arg8 : memref<4x64xi32, #tpu.memory_space<vmem>>)
      %dma_start3A_342 = arith.constant 0 : i32
      %dma_start3A_343 = arith.constant 0 : i32
      %dma_start3A_344 = tpu.memref_slice %arg6[%dma_start3A_342, %dma_start3A_343] : memref<4x64xi32, #tpu.memory_space<vmem>> -> memref<1x64xi32, #tpu.memory_space<vmem>>
      %dma_start3A_345 = tpu.memref_squeeze %dma_start3A_344 : memref<1x64xi32, #tpu.memory_space<vmem>> -> memref<64xi32, #tpu.memory_space<vmem>>
      %dma_start3A_346 = arith.constant 0 : i32
      %dma_start3A_347 = arith.constant 0 : i32
      %dma_start3A_348 = tpu.memref_slice %arg2[%dma_start3A_346, %dma_start3A_347] : memref<10240x128xf32, #tpu.memory_space<hbm>> -> memref<10240x128xf32, #tpu.memory_space<hbm>>
      tpu.enqueue_indirect_dma source(%dma_start3A_348 : memref<10240x128xf32, #tpu.memory_space<hbm>>) target(%arg11 : memref<64x128xf32, #tpu.memory_space<vmem>>) offsets(%dma_start3A_345 : memref<64xi32, #tpu.memory_space<vmem>>) semaphore(%arg16 : memref<!tpu.dma_semaphore, #tpu.memory_space<semaphore_mem>>)
      %dma_wait3A_349 = arith.constant 2 : i32
      %dma_wait3A_350 = arith.constant 0 : i32
      %dma_wait3A_351 = tpu.memref_slice %arg7[%dma_wait3A_349, %dma_wait3A_350] : memref<4x64xi32, #tpu.memory_space<vmem>> -> memref<1x64xi32, #tpu.memory_space<vmem>>
      %dma_wait3A_352 = tpu.memref_squeeze %dma_wait3A_351 : memref<1x64xi32, #tpu.memory_space<vmem>> -> memref<64xi32, #tpu.memory_space<vmem>>
      %dma_wait3A_353 = arith.constant 0 : i32
      %dma_wait3A_354 = arith.constant 0 : i32
      %dma_wait3A_355 = tpu.memref_slice %arg2[%dma_wait3A_353, %dma_wait3A_354] : memref<10240x128xf32, #tpu.memory_space<hbm>> -> memref<10240x128xf32, #tpu.memory_space<hbm>>
      tpu.wait_indirect_dma semaphore(%arg18 : memref<!tpu.dma_semaphore, #tpu.memory_space<semaphore_mem>>) src(%dma_wait3A_355 : memref<10240x128xf32, #tpu.memory_space<hbm>>) dst(%arg13 : memref<64x128xf32, #tpu.memory_space<vmem>>)
      %dma_start3A_356 = arith.constant 2 : i32
      %dma_start3A_357 = arith.constant 0 : i32
      %dma_start3A_358 = tpu.memref_slice %arg9[%dma_start3A_356, %dma_start3A_357] : memref<4x64xi32, #tpu.memory_space<vmem>> -> memref<1x64xi32, #tpu.memory_space<vmem>>
      %dma_start3A_359 = tpu.memref_squeeze %dma_start3A_358 : memref<1x64xi32, #tpu.memory_space<vmem>> -> memref<64xi32, #tpu.memory_space<vmem>>
      %dma_start3A_360 = arith.constant 0 : i32
      %dma_start3A_361 = arith.constant 0 : i32
      %dma_start3A_362 = tpu.memref_slice %arg15[%dma_start3A_360, %dma_start3A_361] : memref<10240x128xf32, #tpu.memory_space<vmem_shared>> -> memref<10240x128xf32, #tpu.memory_space<vmem_shared>>
      tpu.enqueue_indirect_dma source(%arg13 : memref<64x128xf32, #tpu.memory_space<vmem>>) target(%dma_start3A_362 : memref<10240x128xf32, #tpu.memory_space<vmem_shared>>) offsets(%dma_start3A_359 : memref<64xi32, #tpu.memory_space<vmem>>) semaphore(%arg22 : memref<!tpu.dma_semaphore, #tpu.memory_space<semaphore_mem>>) {add = true}
      %dma_wait3A_363 = arith.constant 0 : i32
      %dma_wait3A_364 = arith.constant 0 : i32
      %dma_wait3A_365 = tpu.memref_slice %arg15[%dma_wait3A_363, %dma_wait3A_364] : memref<10240x128xf32, #tpu.memory_space<vmem_shared>> -> memref<10240x128xf32, #tpu.memory_space<vmem_shared>>
      tpu.wait_indirect_dma semaphore(%arg21 : memref<!tpu.dma_semaphore, #tpu.memory_space<semaphore_mem>>) src(%arg12 : memref<64x128xf32, #tpu.memory_space<vmem>>) dst(%dma_wait3A_365 : memref<10240x128xf32, #tpu.memory_space<vmem_shared>>)
      %dma_start3A_366 = arith.constant 1 : i32
      %dma_start3A_367 = arith.constant 0 : i32
      %dma_start3A_368 = tpu.memref_slice %arg6[%dma_start3A_366, %dma_start3A_367] : memref<4x64xi32, #tpu.memory_space<vmem>> -> memref<1x64xi32, #tpu.memory_space<vmem>>
      %dma_start3A_369 = tpu.memref_squeeze %dma_start3A_368 : memref<1x64xi32, #tpu.memory_space<vmem>> -> memref<64xi32, #tpu.memory_space<vmem>>
      %dma_start3A_370 = arith.constant 0 : i32
      %dma_start3A_371 = arith.constant 0 : i32
      %dma_start3A_372 = tpu.memref_slice %arg2[%dma_start3A_370, %dma_start3A_371] : memref<10240x128xf32, #tpu.memory_space<hbm>> -> memref<10240x128xf32, #tpu.memory_space<hbm>>
      tpu.enqueue_indirect_dma source(%dma_start3A_372 : memref<10240x128xf32, #tpu.memory_space<hbm>>) target(%arg12 : memref<64x128xf32, #tpu.memory_space<vmem>>) offsets(%dma_start3A_369 : memref<64xi32, #tpu.memory_space<vmem>>) semaphore(%arg17 : memref<!tpu.dma_semaphore, #tpu.memory_space<semaphore_mem>>)
      %dma_wait3A_373 = arith.constant 3 : i32
      %dma_wait3A_374 = arith.constant 0 : i32
      %dma_wait3A_375 = tpu.memref_slice %arg7[%dma_wait3A_373, %dma_wait3A_374] : memref<4x64xi32, #tpu.memory_space<vmem>> -> memref<1x64xi32, #tpu.memory_space<vmem>>
      %dma_wait3A_376 = tpu.memref_squeeze %dma_wait3A_375 : memref<1x64xi32, #tpu.memory_space<vmem>> -> memref<64xi32, #tpu.memory_space<vmem>>
      %dma_wait3A_377 = arith.constant 0 : i32
      %dma_wait3A_378 = arith.constant 0 : i32
      %dma_wait3A_379 = tpu.memref_slice %arg2[%dma_wait3A_377, %dma_wait3A_378] : memref<10240x128xf32, #tpu.memory_space<hbm>> -> memref<10240x128xf32, #tpu.memory_space<hbm>>
      tpu.wait_indirect_dma semaphore(%arg19 : memref<!tpu.dma_semaphore, #tpu.memory_space<semaphore_mem>>) src(%dma_wait3A_379 : memref<10240x128xf32, #tpu.memory_space<hbm>>) dst(%arg14 : memref<64x128xf32, #tpu.memory_space<vmem>>)
      %dma_start3A_380 = arith.constant 3 : i32
      %dma_start3A_381 = arith.constant 0 : i32
      %dma_start3A_382 = tpu.memref_slice %arg9[%dma_start3A_380, %dma_start3A_381] : memref<4x64xi32, #tpu.memory_space<vmem>> -> memref<1x64xi32, #tpu.memory_space<vmem>>
      %dma_start3A_383 = tpu.memref_squeeze %dma_start3A_382 : memref<1x64xi32, #tpu.memory_space<vmem>> -> memref<64xi32, #tpu.memory_space<vmem>>
      %dma_start3A_384 = arith.constant 0 : i32
      %dma_start3A_385 = arith.constant 0 : i32
      %dma_start3A_386 = tpu.memref_slice %arg15[%dma_start3A_384, %dma_start3A_385] : memref<10240x128xf32, #tpu.memory_space<vmem_shared>> -> memref<10240x128xf32, #tpu.memory_space<vmem_shared>>
      tpu.enqueue_indirect_dma source(%arg14 : memref<64x128xf32, #tpu.memory_space<vmem>>) target(%dma_start3A_386 : memref<10240x128xf32, #tpu.memory_space<vmem_shared>>) offsets(%dma_start3A_383 : memref<64xi32, #tpu.memory_space<vmem>>) semaphore(%arg23 : memref<!tpu.dma_semaphore, #tpu.memory_space<semaphore_mem>>) {add = true}
    }
    %scan3A_84 = arith.constant 20 : i32
    %dma_wait3A = arith.constant 0 : i32
    %dma_wait3A_85 = arith.constant 0 : i32
    %dma_wait3A_86 = tpu.memref_slice %arg6[%dma_wait3A, %dma_wait3A_85] : memref<4x64xi32, #tpu.memory_space<vmem>> -> memref<1x64xi32, #tpu.memory_space<vmem>>
    %dma_wait3A_87 = tpu.memref_squeeze %dma_wait3A_86 : memref<1x64xi32, #tpu.memory_space<vmem>> -> memref<64xi32, #tpu.memory_space<vmem>>
    %dma_wait3A_88 = arith.constant 0 : i32
    %dma_wait3A_89 = arith.constant 0 : i32
    %dma_wait3A_90 = tpu.memref_slice %arg2[%dma_wait3A_88, %dma_wait3A_89] : memref<10240x128xf32, #tpu.memory_space<hbm>> -> memref<10240x128xf32, #tpu.memory_space<hbm>>
    tpu.wait_indirect_dma semaphore(%arg16 : memref<!tpu.dma_semaphore, #tpu.memory_space<semaphore_mem>>) src(%dma_wait3A_90 : memref<10240x128xf32, #tpu.memory_space<hbm>>) dst(%arg11 : memref<64x128xf32, #tpu.memory_space<vmem>>)
    %dma_wait3A_91 = arith.constant 1 : i32
    %dma_wait3A_92 = arith.constant 0 : i32
    %dma_wait3A_93 = tpu.memref_slice %arg6[%dma_wait3A_91, %dma_wait3A_92] : memref<4x64xi32, #tpu.memory_space<vmem>> -> memref<1x64xi32, #tpu.memory_space<vmem>>
    %dma_wait3A_94 = tpu.memref_squeeze %dma_wait3A_93 : memref<1x64xi32, #tpu.memory_space<vmem>> -> memref<64xi32, #tpu.memory_space<vmem>>
    %dma_wait3A_95 = arith.constant 0 : i32
    %dma_wait3A_96 = arith.constant 0 : i32
    %dma_wait3A_97 = tpu.memref_slice %arg2[%dma_wait3A_95, %dma_wait3A_96] : memref<10240x128xf32, #tpu.memory_space<hbm>> -> memref<10240x128xf32, #tpu.memory_space<hbm>>
    tpu.wait_indirect_dma semaphore(%arg17 : memref<!tpu.dma_semaphore, #tpu.memory_space<semaphore_mem>>) src(%dma_wait3A_97 : memref<10240x128xf32, #tpu.memory_space<hbm>>) dst(%arg12 : memref<64x128xf32, #tpu.memory_space<vmem>>)
    %dma_wait3A_98 = arith.constant 0 : i32
    %dma_wait3A_99 = arith.constant 0 : i32
    %dma_wait3A_100 = tpu.memref_slice %arg15[%dma_wait3A_98, %dma_wait3A_99] : memref<10240x128xf32, #tpu.memory_space<vmem_shared>> -> memref<10240x128xf32, #tpu.memory_space<vmem_shared>>
    tpu.wait_indirect_dma semaphore(%arg22 : memref<!tpu.dma_semaphore, #tpu.memory_space<semaphore_mem>>) src(%arg13 : memref<64x128xf32, #tpu.memory_space<vmem>>) dst(%dma_wait3A_100 : memref<10240x128xf32, #tpu.memory_space<vmem_shared>>)
    %dma_wait3A_101 = arith.constant 0 : i32
    %dma_wait3A_102 = arith.constant 0 : i32
    %dma_wait3A_103 = tpu.memref_slice %arg15[%dma_wait3A_101, %dma_wait3A_102] : memref<10240x128xf32, #tpu.memory_space<vmem_shared>> -> memref<10240x128xf32, #tpu.memory_space<vmem_shared>>
    tpu.wait_indirect_dma semaphore(%arg23 : memref<!tpu.dma_semaphore, #tpu.memory_space<semaphore_mem>>) src(%arg14 : memref<64x128xf32, #tpu.memory_space<vmem>>) dst(%dma_wait3A_103 : memref<10240x128xf32, #tpu.memory_space<vmem_shared>>)
    %barrier3A_104 = arith.constant 0 : index
    tpu.barrier barrier_id(%barrier3A_104)
    %mul3A_105 = arith.constant 10240 : i32
    %mul3A_106 = arith.muli %arg0, %mul3A_105 : i32
    %add3A_107 = arith.addi %mul3A_106, %mul3A_12 : i32
    "tpu.region"() ({
      %run_scoped3A = tpu.sem_alloc : memref<!tpu.dma_semaphore, #tpu.memory_space<semaphore_mem>>
      %dma_start3A_108 = arith.constant 0 : i32
      %dma_start3A_109 = tpu.memref_slice %arg5[%add3A_107, %dma_start3A_108] : memref<20480x128xf32, #tpu.memory_space<hbm>> -> memref<640x128xf32, #tpu.memory_space<hbm>>
      %dma_start3A_110 = arith.constant 0 : i32
      %dma_start3A_111 = tpu.memref_slice %arg15[%mul3A_12, %dma_start3A_110] : memref<10240x128xf32, #tpu.memory_space<vmem_shared>> -> memref<640x128xf32, #tpu.memory_space<vmem_shared>>
      tpu.enqueue_dma source(%dma_start3A_111 : memref<640x128xf32, #tpu.memory_space<vmem_shared>>) target(%dma_start3A_109 : memref<640x128xf32, #tpu.memory_space<hbm>>) target_semaphore(%run_scoped3A : memref<!tpu.dma_semaphore, #tpu.memory_space<semaphore_mem>>)
      %dma_wait3A_112 = arith.constant 0 : i32
      %dma_wait3A_113 = tpu.memref_slice %arg5[%add3A_107, %dma_wait3A_112] : memref<20480x128xf32, #tpu.memory_space<hbm>> -> memref<640x128xf32, #tpu.memory_space<hbm>>
      %dma_wait3A_114 = arith.constant 0 : i32
      %dma_wait3A_115 = tpu.memref_slice %arg15[%mul3A_12, %dma_wait3A_114] : memref<10240x128xf32, #tpu.memory_space<vmem_shared>> -> memref<640x128xf32, #tpu.memory_space<vmem_shared>>
      tpu.wait_dma2 semaphore(%run_scoped3A : memref<!tpu.dma_semaphore, #tpu.memory_space<semaphore_mem>>) src(%dma_wait3A_115 : memref<640x128xf32, #tpu.memory_space<vmem_shared>>) dst(%dma_wait3A_113 : memref<640x128xf32, #tpu.memory_space<hbm>>)
      tpu.yield
    }) : () -> ()
    return
  }
}

#map = affine_map<(d0, d1) -> (0, 0)>
#map1 = affine_map<(d0, d1) -> (0, 0, 0)>
module attributes {stable_mosaic.version = 14 : i64} {
  func.func @body(%arg0: i32, %arg1: i32, %arg2: memref<10240x144xf32, #tpu.memory_space<hbm>>, %arg3: memref<1312x4x64xi32, #tpu.memory_space<hbm>>, %arg4: memref<1312x4x64xi32, #tpu.memory_space<hbm>>, %arg5: memref<20480x144xf32, #tpu.memory_space<hbm>>, %arg6: memref<4x64xi32, #tpu.memory_space<vmem>>, %arg7: memref<4x64xi32, #tpu.memory_space<vmem>>, %arg8: memref<4x64xi32, #tpu.memory_space<vmem>>, %arg9: memref<4x64xi32, #tpu.memory_space<vmem>>, %arg10: memref<64xi32, #tpu.memory_space<vmem>>, %arg11: memref<64x144xf32, #tpu.memory_space<vmem>>, %arg12: memref<64x144xf32, #tpu.memory_space<vmem>>, %arg13: memref<64x144xf32, #tpu.memory_space<vmem>>, %arg14: memref<64x144xf32, #tpu.memory_space<vmem>>, %arg15: memref<10240x144xf32, #tpu.memory_space<vmem_shared>>, %arg16: memref<!tpu.dma_semaphore, #tpu.memory_space<semaphore_mem>>, %arg17: memref<!tpu.dma_semaphore, #tpu.memory_space<semaphore_mem>>, %arg18: memref<!tpu.dma_semaphore, #tpu.memory_space<semaphore_mem>>, %arg19: memref<!tpu.dma_semaphore, #tpu.memory_space<semaphore_mem>>, %arg20: memref<!tpu.dma_semaphore, #tpu.memory_space<semaphore_mem>>, %arg21: memref<!tpu.dma_semaphore, #tpu.memory_space<semaphore_mem>>, %arg22: memref<!tpu.dma_semaphore, #tpu.memory_space<semaphore_mem>>, %arg23: memref<!tpu.dma_semaphore, #tpu.memory_space<semaphore_mem>>, %arg24: memref<!tpu.dma_semaphore, #tpu.memory_space<semaphore_mem>>, %arg25: memref<!tpu.dma_semaphore, #tpu.memory_space<semaphore_mem>>) attributes {dimension_semantics = [#tpu.dimension_semantics<core_parallel>, #tpu.dimension_semantics<subcore_parallel>], iteration_bounds = array<i64: 2, 16>, scalar_prefetch = 0 : i64, scratch_operands = 20 : i64, tpu.core_type = #tpu.core_type<sc_vector_subcore>, window_params = [{transform_indices = #map}, {transform_indices = #map1}, {transform_indices = #map1}, {transform_indices = #map}]} {
    %mul3A = arith.constant 16 : i32
    %mul3A_0 = arith.muli %arg0, %mul3A : i32
    %add3A = arith.addi %mul3A_0, %arg1 : i32
    %mul3A_1 = arith.constant 40 : i32
    %mul3A_2 = arith.muli %add3A, %mul3A_1 : i32
    %add3A_3 = arith.constant 1280 : i32
    %add3A_4 = arith.addi %add3A_3, %add3A : i32
    %broadcast_in_dim3A = arith.constant 0.000000e+00 : f32
    %broadcast_in_dim3A_5 = vector.broadcast %broadcast_in_dim3A : f32 to vector<16xf32>
    %scan3A = arith.constant 0 : i32
    %scan3A_6 = arith.constant 0 : i32
    %scan3A_7 = arith.constant 576 : i32
    %scan3A_8 = arith.addi %scan3A_6, %scan3A_7 : i32
    %scan3A_9 = arith.constant 1 : i32
    scf.for %scan3A_108 = %scan3A_6 to %scan3A_8 step %scan3A_9  : i32 {
      %jit3A = arith.constant 9 : i32
      %div3A = arith.divsi %scan3A_108, %jit3A : i32
      %sign3A = arith.constant 0 : i32
      %sign3A_109 = arith.cmpi sgt, %scan3A_108, %sign3A : i32
      %sign3A_110 = arith.extui %sign3A_109 : i1 to i32
      %sign3A_111 = arith.constant 0 : i32
      %sign3A_112 = arith.cmpi slt, %scan3A_108, %sign3A_111 : i32
      %sign3A_113 = arith.extui %sign3A_112 : i1 to i32
      %sign3A_114 = arith.subi %sign3A_110, %sign3A_113 : i32
      %sign3A_115 = arith.constant 0 : i32
      %sign3A_116 = arith.cmpi sgt, %jit3A, %sign3A_115 : i32
      %sign3A_117 = arith.extui %sign3A_116 : i1 to i32
      %sign3A_118 = arith.constant 0 : i32
      %sign3A_119 = arith.cmpi slt, %jit3A, %sign3A_118 : i32
      %sign3A_120 = arith.extui %sign3A_119 : i1 to i32
      %sign3A_121 = arith.subi %sign3A_117, %sign3A_120 : i32
      %ne3A = arith.cmpi ne, %sign3A_114, %sign3A_121 : i32
      %rem3A = arith.remsi %scan3A_108, %jit3A : i32
      %ne3A_122 = arith.constant 0 : i32
      %ne3A_123 = arith.cmpi ne, %rem3A, %ne3A_122 : i32
      %and3A = arith.andi %ne3A, %ne3A_123 : i1
      %sub3A = arith.constant 1 : i32
      %sub3A_124 = arith.subi %div3A, %sub3A : i32
      %select_n3A = arith.select %and3A, %sub3A_124, %div3A : i32
      %jit3A_125 = arith.constant 9 : i32
      %eq3A = arith.constant 0 : i32
      %eq3A_126 = arith.cmpi eq, %jit3A_125, %eq3A : i32
      %jit3A_127 = arith.constant 1 : i32
      %select_n3A_128 = arith.select %eq3A_126, %jit3A_127, %jit3A_125 : i32
      %rem3A_129 = arith.remsi %scan3A_108, %select_n3A_128 : i32
      %ne3A_130 = arith.constant 0 : i32
      %ne3A_131 = arith.cmpi ne, %rem3A_129, %ne3A_130 : i32
      %lt3A = arith.constant 0 : i32
      %lt3A_132 = arith.cmpi slt, %rem3A_129, %lt3A : i32
      %lt3A_133 = arith.constant 0 : i32
      %lt3A_134 = arith.cmpi slt, %select_n3A_128, %lt3A_133 : i32
      %ne3A_135 = arith.xori %lt3A_132, %lt3A_134 : i1
      %and3A_136 = arith.andi %ne3A_135, %ne3A_131 : i1
      %add3A_137 = arith.addi %rem3A_129, %select_n3A_128 : i32
      %select_n3A_138 = arith.select %and3A_136, %add3A_137, %rem3A_129 : i32
      %mul3A_139 = arith.constant 16 : i32
      %mul3A_140 = arith.muli %select_n3A_138, %mul3A_139 : i32
      %swap3A_141 = arith.index_cast %select_n3A : i32 to index
      %swap3A_142 = arith.index_cast %mul3A_140 : i32 to index
      %swap3A_143 = tpu.vector_load %arg11[%swap3A_141, %swap3A_142] {strides = array<i32>} : memref<64x144xf32, #tpu.memory_space<vmem>>, vector<1x16xf32>,
      %swap3A_144 = vector.shape_cast %swap3A_143 : vector<1x16xf32> to vector<16xf32>
      %swap3A_145 = vector.shape_cast %broadcast_in_dim3A_5 : vector<16xf32> to vector<1x16xf32>
      tpu.vector_store %arg11[%swap3A_141, %swap3A_142], %swap3A_145 {strides = array<i32>} : memref<64x144xf32, #tpu.memory_space<vmem>>, vector<1x16xf32>,
    }
    %scan3A_10 = arith.constant 576 : i32
    %mul3A_11 = arith.constant 640 : i32
    %mul3A_12 = arith.muli %arg1, %mul3A_11 : i32
    %add3A_13 = arith.constant 0 : i32
    %add3A_14 = arith.addi %mul3A_12, %add3A_13 : i32
    "tpu.region"() ({
      %run_scoped3A = tpu.sem_alloc : memref<!tpu.dma_semaphore, #tpu.memory_space<semaphore_mem>>
      %dma_start3A_108 = arith.constant 0 : i32
      %dma_start3A_109 = tpu.memref_slice %arg15[%add3A_14, %dma_start3A_108] : memref<10240x144xf32, #tpu.memory_space<vmem_shared>> -> memref<64x144xf32, #tpu.memory_space<vmem_shared>>
      %dma_start3A_110 = arith.constant 0 : i32
      %dma_start3A_111 = tpu.memref_slice %arg15[%add3A_14, %dma_start3A_110] : memref<10240x144xf32, #tpu.memory_space<vmem_shared>> -> memref<64x144xf32, #tpu.memory_space<vmem_shared>>
      tpu.enqueue_dma source(%arg11 : memref<64x144xf32, #tpu.memory_space<vmem>>) target(%dma_start3A_111 : memref<64x144xf32, #tpu.memory_space<vmem_shared>>) target_semaphore(%run_scoped3A : memref<!tpu.dma_semaphore, #tpu.memory_space<semaphore_mem>>)
      %dma_wait3A_112 = arith.constant 0 : i32
      %dma_wait3A_113 = tpu.memref_slice %arg15[%add3A_14, %dma_wait3A_112] : memref<10240x144xf32, #tpu.memory_space<vmem_shared>> -> memref<64x144xf32, #tpu.memory_space<vmem_shared>>
      %dma_wait3A_114 = arith.constant 0 : i32
      %dma_wait3A_115 = tpu.memref_slice %arg15[%add3A_14, %dma_wait3A_114] : memref<10240x144xf32, #tpu.memory_space<vmem_shared>> -> memref<64x144xf32, #tpu.memory_space<vmem_shared>>
      tpu.wait_dma2 semaphore(%run_scoped3A : memref<!tpu.dma_semaphore, #tpu.memory_space<semaphore_mem>>) src(%arg11 : memref<64x144xf32, #tpu.memory_space<vmem>>) dst(%dma_wait3A_115 : memref<64x144xf32, #tpu.memory_space<vmem_shared>>)
      tpu.yield
    }) : () -> ()
    %add3A_15 = arith.constant 64 : i32
    %add3A_16 = arith.addi %mul3A_12, %add3A_15 : i32
    "tpu.region"() ({
      %run_scoped3A = tpu.sem_alloc : memref<!tpu.dma_semaphore, #tpu.memory_space<semaphore_mem>>
      %dma_start3A_108 = arith.constant 0 : i32
      %dma_start3A_109 = tpu.memref_slice %arg15[%add3A_16, %dma_start3A_108] : memref<10240x144xf32, #tpu.memory_space<vmem_shared>> -> memref<64x144xf32, #tpu.memory_space<vmem_shared>>
      %dma_start3A_110 = arith.constant 0 : i32
      %dma_start3A_111 = tpu.memref_slice %arg15[%add3A_16, %dma_start3A_110] : memref<10240x144xf32, #tpu.memory_space<vmem_shared>> -> memref<64x144xf32, #tpu.memory_space<vmem_shared>>
      tpu.enqueue_dma source(%arg11 : memref<64x144xf32, #tpu.memory_space<vmem>>) target(%dma_start3A_111 : memref<64x144xf32, #tpu.memory_space<vmem_shared>>) target_semaphore(%run_scoped3A : memref<!tpu.dma_semaphore, #tpu.memory_space<semaphore_mem>>)
      %dma_wait3A_112 = arith.constant 0 : i32
      %dma_wait3A_113 = tpu.memref_slice %arg15[%add3A_16, %dma_wait3A_112] : memref<10240x144xf32, #tpu.memory_space<vmem_shared>> -> memref<64x144xf32, #tpu.memory_space<vmem_shared>>
      %dma_wait3A_114 = arith.constant 0 : i32
      %dma_wait3A_115 = tpu.memref_slice %arg15[%add3A_16, %dma_wait3A_114] : memref<10240x144xf32, #tpu.memory_space<vmem_shared>> -> memref<64x144xf32, #tpu.memory_space<vmem_shared>>
      tpu.wait_dma2 semaphore(%run_scoped3A : memref<!tpu.dma_semaphore, #tpu.memory_space<semaphore_mem>>) src(%arg11 : memref<64x144xf32, #tpu.memory_space<vmem>>) dst(%dma_wait3A_115 : memref<64x144xf32, #tpu.memory_space<vmem_shared>>)
      tpu.yield
    }) : () -> ()
    %add3A_17 = arith.constant 128 : i32
    %add3A_18 = arith.addi %mul3A_12, %add3A_17 : i32
    "tpu.region"() ({
      %run_scoped3A = tpu.sem_alloc : memref<!tpu.dma_semaphore, #tpu.memory_space<semaphore_mem>>
      %dma_start3A_108 = arith.constant 0 : i32
      %dma_start3A_109 = tpu.memref_slice %arg15[%add3A_18, %dma_start3A_108] : memref<10240x144xf32, #tpu.memory_space<vmem_shared>> -> memref<64x144xf32, #tpu.memory_space<vmem_shared>>
      %dma_start3A_110 = arith.constant 0 : i32
      %dma_start3A_111 = tpu.memref_slice %arg15[%add3A_18, %dma_start3A_110] : memref<10240x144xf32, #tpu.memory_space<vmem_shared>> -> memref<64x144xf32, #tpu.memory_space<vmem_shared>>
      tpu.enqueue_dma source(%arg11 : memref<64x144xf32, #tpu.memory_space<vmem>>) target(%dma_start3A_111 : memref<64x144xf32, #tpu.memory_space<vmem_shared>>) target_semaphore(%run_scoped3A : memref<!tpu.dma_semaphore, #tpu.memory_space<semaphore_mem>>)
      %dma_wait3A_112 = arith.constant 0 : i32
      %dma_wait3A_113 = tpu.memref_slice %arg15[%add3A_18, %dma_wait3A_112] : memref<10240x144xf32, #tpu.memory_space<vmem_shared>> -> memref<64x144xf32, #tpu.memory_space<vmem_shared>>
      %dma_wait3A_114 = arith.constant 0 : i32
      %dma_wait3A_115 = tpu.memref_slice %arg15[%add3A_18, %dma_wait3A_114] : memref<10240x144xf32, #tpu.memory_space<vmem_shared>> -> memref<64x144xf32, #tpu.memory_space<vmem_shared>>
      tpu.wait_dma2 semaphore(%run_scoped3A : memref<!tpu.dma_semaphore, #tpu.memory_space<semaphore_mem>>) src(%arg11 : memref<64x144xf32, #tpu.memory_space<vmem>>) dst(%dma_wait3A_115 : memref<64x144xf32, #tpu.memory_space<vmem_shared>>)
      tpu.yield
    }) : () -> ()
    %add3A_19 = arith.constant 192 : i32
    %add3A_20 = arith.addi %mul3A_12, %add3A_19 : i32
    "tpu.region"() ({
      %run_scoped3A = tpu.sem_alloc : memref<!tpu.dma_semaphore, #tpu.memory_space<semaphore_mem>>
      %dma_start3A_108 = arith.constant 0 : i32
      %dma_start3A_109 = tpu.memref_slice %arg15[%add3A_20, %dma_start3A_108] : memref<10240x144xf32, #tpu.memory_space<vmem_shared>> -> memref<64x144xf32, #tpu.memory_space<vmem_shared>>
      %dma_start3A_110 = arith.constant 0 : i32
      %dma_start3A_111 = tpu.memref_slice %arg15[%add3A_20, %dma_start3A_110] : memref<10240x144xf32, #tpu.memory_space<vmem_shared>> -> memref<64x144xf32, #tpu.memory_space<vmem_shared>>
      tpu.enqueue_dma source(%arg11 : memref<64x144xf32, #tpu.memory_space<vmem>>) target(%dma_start3A_111 : memref<64x144xf32, #tpu.memory_space<vmem_shared>>) target_semaphore(%run_scoped3A : memref<!tpu.dma_semaphore, #tpu.memory_space<semaphore_mem>>)
      %dma_wait3A_112 = arith.constant 0 : i32
      %dma_wait3A_113 = tpu.memref_slice %arg15[%add3A_20, %dma_wait3A_112] : memref<10240x144xf32, #tpu.memory_space<vmem_shared>> -> memref<64x144xf32, #tpu.memory_space<vmem_shared>>
      %dma_wait3A_114 = arith.constant 0 : i32
      %dma_wait3A_115 = tpu.memref_slice %arg15[%add3A_20, %dma_wait3A_114] : memref<10240x144xf32, #tpu.memory_space<vmem_shared>> -> memref<64x144xf32, #tpu.memory_space<vmem_shared>>
      tpu.wait_dma2 semaphore(%run_scoped3A : memref<!tpu.dma_semaphore, #tpu.memory_space<semaphore_mem>>) src(%arg11 : memref<64x144xf32, #tpu.memory_space<vmem>>) dst(%dma_wait3A_115 : memref<64x144xf32, #tpu.memory_space<vmem_shared>>)
      tpu.yield
    }) : () -> ()
    %add3A_21 = arith.constant 256 : i32
    %add3A_22 = arith.addi %mul3A_12, %add3A_21 : i32
    "tpu.region"() ({
      %run_scoped3A = tpu.sem_alloc : memref<!tpu.dma_semaphore, #tpu.memory_space<semaphore_mem>>
      %dma_start3A_108 = arith.constant 0 : i32
      %dma_start3A_109 = tpu.memref_slice %arg15[%add3A_22, %dma_start3A_108] : memref<10240x144xf32, #tpu.memory_space<vmem_shared>> -> memref<64x144xf32, #tpu.memory_space<vmem_shared>>
      %dma_start3A_110 = arith.constant 0 : i32
      %dma_start3A_111 = tpu.memref_slice %arg15[%add3A_22, %dma_start3A_110] : memref<10240x144xf32, #tpu.memory_space<vmem_shared>> -> memref<64x144xf32, #tpu.memory_space<vmem_shared>>
      tpu.enqueue_dma source(%arg11 : memref<64x144xf32, #tpu.memory_space<vmem>>) target(%dma_start3A_111 : memref<64x144xf32, #tpu.memory_space<vmem_shared>>) target_semaphore(%run_scoped3A : memref<!tpu.dma_semaphore, #tpu.memory_space<semaphore_mem>>)
      %dma_wait3A_112 = arith.constant 0 : i32
      %dma_wait3A_113 = tpu.memref_slice %arg15[%add3A_22, %dma_wait3A_112] : memref<10240x144xf32, #tpu.memory_space<vmem_shared>> -> memref<64x144xf32, #tpu.memory_space<vmem_shared>>
      %dma_wait3A_114 = arith.constant 0 : i32
      %dma_wait3A_115 = tpu.memref_slice %arg15[%add3A_22, %dma_wait3A_114] : memref<10240x144xf32, #tpu.memory_space<vmem_shared>> -> memref<64x144xf32, #tpu.memory_space<vmem_shared>>
      tpu.wait_dma2 semaphore(%run_scoped3A : memref<!tpu.dma_semaphore, #tpu.memory_space<semaphore_mem>>) src(%arg11 : memref<64x144xf32, #tpu.memory_space<vmem>>) dst(%dma_wait3A_115 : memref<64x144xf32, #tpu.memory_space<vmem_shared>>)
      tpu.yield
    }) : () -> ()
    %add3A_23 = arith.constant 320 : i32
    %add3A_24 = arith.addi %mul3A_12, %add3A_23 : i32
    "tpu.region"() ({
      %run_scoped3A = tpu.sem_alloc : memref<!tpu.dma_semaphore, #tpu.memory_space<semaphore_mem>>
      %dma_start3A_108 = arith.constant 0 : i32
      %dma_start3A_109 = tpu.memref_slice %arg15[%add3A_24, %dma_start3A_108] : memref<10240x144xf32, #tpu.memory_space<vmem_shared>> -> memref<64x144xf32, #tpu.memory_space<vmem_shared>>
      %dma_start3A_110 = arith.constant 0 : i32
      %dma_start3A_111 = tpu.memref_slice %arg15[%add3A_24, %dma_start3A_110] : memref<10240x144xf32, #tpu.memory_space<vmem_shared>> -> memref<64x144xf32, #tpu.memory_space<vmem_shared>>
      tpu.enqueue_dma source(%arg11 : memref<64x144xf32, #tpu.memory_space<vmem>>) target(%dma_start3A_111 : memref<64x144xf32, #tpu.memory_space<vmem_shared>>) target_semaphore(%run_scoped3A : memref<!tpu.dma_semaphore, #tpu.memory_space<semaphore_mem>>)
      %dma_wait3A_112 = arith.constant 0 : i32
      %dma_wait3A_113 = tpu.memref_slice %arg15[%add3A_24, %dma_wait3A_112] : memref<10240x144xf32, #tpu.memory_space<vmem_shared>> -> memref<64x144xf32, #tpu.memory_space<vmem_shared>>
      %dma_wait3A_114 = arith.constant 0 : i32
      %dma_wait3A_115 = tpu.memref_slice %arg15[%add3A_24, %dma_wait3A_114] : memref<10240x144xf32, #tpu.memory_space<vmem_shared>> -> memref<64x144xf32, #tpu.memory_space<vmem_shared>>
      tpu.wait_dma2 semaphore(%run_scoped3A : memref<!tpu.dma_semaphore, #tpu.memory_space<semaphore_mem>>) src(%arg11 : memref<64x144xf32, #tpu.memory_space<vmem>>) dst(%dma_wait3A_115 : memref<64x144xf32, #tpu.memory_space<vmem_shared>>)
      tpu.yield
    }) : () -> ()
    %add3A_25 = arith.constant 384 : i32
    %add3A_26 = arith.addi %mul3A_12, %add3A_25 : i32
    "tpu.region"() ({
      %run_scoped3A = tpu.sem_alloc : memref<!tpu.dma_semaphore, #tpu.memory_space<semaphore_mem>>
      %dma_start3A_108 = arith.constant 0 : i32
      %dma_start3A_109 = tpu.memref_slice %arg15[%add3A_26, %dma_start3A_108] : memref<10240x144xf32, #tpu.memory_space<vmem_shared>> -> memref<64x144xf32, #tpu.memory_space<vmem_shared>>
      %dma_start3A_110 = arith.constant 0 : i32
      %dma_start3A_111 = tpu.memref_slice %arg15[%add3A_26, %dma_start3A_110] : memref<10240x144xf32, #tpu.memory_space<vmem_shared>> -> memref<64x144xf32, #tpu.memory_space<vmem_shared>>
      tpu.enqueue_dma source(%arg11 : memref<64x144xf32, #tpu.memory_space<vmem>>) target(%dma_start3A_111 : memref<64x144xf32, #tpu.memory_space<vmem_shared>>) target_semaphore(%run_scoped3A : memref<!tpu.dma_semaphore, #tpu.memory_space<semaphore_mem>>)
      %dma_wait3A_112 = arith.constant 0 : i32
      %dma_wait3A_113 = tpu.memref_slice %arg15[%add3A_26, %dma_wait3A_112] : memref<10240x144xf32, #tpu.memory_space<vmem_shared>> -> memref<64x144xf32, #tpu.memory_space<vmem_shared>>
      %dma_wait3A_114 = arith.constant 0 : i32
      %dma_wait3A_115 = tpu.memref_slice %arg15[%add3A_26, %dma_wait3A_114] : memref<10240x144xf32, #tpu.memory_space<vmem_shared>> -> memref<64x144xf32, #tpu.memory_space<vmem_shared>>
      tpu.wait_dma2 semaphore(%run_scoped3A : memref<!tpu.dma_semaphore, #tpu.memory_space<semaphore_mem>>) src(%arg11 : memref<64x144xf32, #tpu.memory_space<vmem>>) dst(%dma_wait3A_115 : memref<64x144xf32, #tpu.memory_space<vmem_shared>>)
      tpu.yield
    }) : () -> ()
    %add3A_27 = arith.constant 448 : i32
    %add3A_28 = arith.addi %mul3A_12, %add3A_27 : i32
    "tpu.region"() ({
      %run_scoped3A = tpu.sem_alloc : memref<!tpu.dma_semaphore, #tpu.memory_space<semaphore_mem>>
      %dma_start3A_108 = arith.constant 0 : i32
      %dma_start3A_109 = tpu.memref_slice %arg15[%add3A_28, %dma_start3A_108] : memref<10240x144xf32, #tpu.memory_space<vmem_shared>> -> memref<64x144xf32, #tpu.memory_space<vmem_shared>>
      %dma_start3A_110 = arith.constant 0 : i32
      %dma_start3A_111 = tpu.memref_slice %arg15[%add3A_28, %dma_start3A_110] : memref<10240x144xf32, #tpu.memory_space<vmem_shared>> -> memref<64x144xf32, #tpu.memory_space<vmem_shared>>
      tpu.enqueue_dma source(%arg11 : memref<64x144xf32, #tpu.memory_space<vmem>>) target(%dma_start3A_111 : memref<64x144xf32, #tpu.memory_space<vmem_shared>>) target_semaphore(%run_scoped3A : memref<!tpu.dma_semaphore, #tpu.memory_space<semaphore_mem>>)
      %dma_wait3A_112 = arith.constant 0 : i32
      %dma_wait3A_113 = tpu.memref_slice %arg15[%add3A_28, %dma_wait3A_112] : memref<10240x144xf32, #tpu.memory_space<vmem_shared>> -> memref<64x144xf32, #tpu.memory_space<vmem_shared>>
      %dma_wait3A_114 = arith.constant 0 : i32
      %dma_wait3A_115 = tpu.memref_slice %arg15[%add3A_28, %dma_wait3A_114] : memref<10240x144xf32, #tpu.memory_space<vmem_shared>> -> memref<64x144xf32, #tpu.memory_space<vmem_shared>>
      tpu.wait_dma2 semaphore(%run_scoped3A : memref<!tpu.dma_semaphore, #tpu.memory_space<semaphore_mem>>) src(%arg11 : memref<64x144xf32, #tpu.memory_space<vmem>>) dst(%dma_wait3A_115 : memref<64x144xf32, #tpu.memory_space<vmem_shared>>)
      tpu.yield
    }) : () -> ()
    %add3A_29 = arith.constant 512 : i32
    %add3A_30 = arith.addi %mul3A_12, %add3A_29 : i32
    "tpu.region"() ({
      %run_scoped3A = tpu.sem_alloc : memref<!tpu.dma_semaphore, #tpu.memory_space<semaphore_mem>>
      %dma_start3A_108 = arith.constant 0 : i32
      %dma_start3A_109 = tpu.memref_slice %arg15[%add3A_30, %dma_start3A_108] : memref<10240x144xf32, #tpu.memory_space<vmem_shared>> -> memref<64x144xf32, #tpu.memory_space<vmem_shared>>
      %dma_start3A_110 = arith.constant 0 : i32
      %dma_start3A_111 = tpu.memref_slice %arg15[%add3A_30, %dma_start3A_110] : memref<10240x144xf32, #tpu.memory_space<vmem_shared>> -> memref<64x144xf32, #tpu.memory_space<vmem_shared>>
      tpu.enqueue_dma source(%arg11 : memref<64x144xf32, #tpu.memory_space<vmem>>) target(%dma_start3A_111 : memref<64x144xf32, #tpu.memory_space<vmem_shared>>) target_semaphore(%run_scoped3A : memref<!tpu.dma_semaphore, #tpu.memory_space<semaphore_mem>>)
      %dma_wait3A_112 = arith.constant 0 : i32
      %dma_wait3A_113 = tpu.memref_slice %arg15[%add3A_30, %dma_wait3A_112] : memref<10240x144xf32, #tpu.memory_space<vmem_shared>> -> memref<64x144xf32, #tpu.memory_space<vmem_shared>>
      %dma_wait3A_114 = arith.constant 0 : i32
      %dma_wait3A_115 = tpu.memref_slice %arg15[%add3A_30, %dma_wait3A_114] : memref<10240x144xf32, #tpu.memory_space<vmem_shared>> -> memref<64x144xf32, #tpu.memory_space<vmem_shared>>
      tpu.wait_dma2 semaphore(%run_scoped3A : memref<!tpu.dma_semaphore, #tpu.memory_space<semaphore_mem>>) src(%arg11 : memref<64x144xf32, #tpu.memory_space<vmem>>) dst(%dma_wait3A_115 : memref<64x144xf32, #tpu.memory_space<vmem_shared>>)
      tpu.yield
    }) : () -> ()
    %add3A_31 = arith.constant 576 : i32
    %add3A_32 = arith.addi %mul3A_12, %add3A_31 : i32
    "tpu.region"() ({
      %run_scoped3A = tpu.sem_alloc : memref<!tpu.dma_semaphore, #tpu.memory_space<semaphore_mem>>
      %dma_start3A_108 = arith.constant 0 : i32
      %dma_start3A_109 = tpu.memref_slice %arg15[%add3A_32, %dma_start3A_108] : memref<10240x144xf32, #tpu.memory_space<vmem_shared>> -> memref<64x144xf32, #tpu.memory_space<vmem_shared>>
      %dma_start3A_110 = arith.constant 0 : i32
      %dma_start3A_111 = tpu.memref_slice %arg15[%add3A_32, %dma_start3A_110] : memref<10240x144xf32, #tpu.memory_space<vmem_shared>> -> memref<64x144xf32, #tpu.memory_space<vmem_shared>>
      tpu.enqueue_dma source(%arg11 : memref<64x144xf32, #tpu.memory_space<vmem>>) target(%dma_start3A_111 : memref<64x144xf32, #tpu.memory_space<vmem_shared>>) target_semaphore(%run_scoped3A : memref<!tpu.dma_semaphore, #tpu.memory_space<semaphore_mem>>)
      %dma_wait3A_112 = arith.constant 0 : i32
      %dma_wait3A_113 = tpu.memref_slice %arg15[%add3A_32, %dma_wait3A_112] : memref<10240x144xf32, #tpu.memory_space<vmem_shared>> -> memref<64x144xf32, #tpu.memory_space<vmem_shared>>
      %dma_wait3A_114 = arith.constant 0 : i32
      %dma_wait3A_115 = tpu.memref_slice %arg15[%add3A_32, %dma_wait3A_114] : memref<10240x144xf32, #tpu.memory_space<vmem_shared>> -> memref<64x144xf32, #tpu.memory_space<vmem_shared>>
      tpu.wait_dma2 semaphore(%run_scoped3A : memref<!tpu.dma_semaphore, #tpu.memory_space<semaphore_mem>>) src(%arg11 : memref<64x144xf32, #tpu.memory_space<vmem>>) dst(%dma_wait3A_115 : memref<64x144xf32, #tpu.memory_space<vmem_shared>>)
      tpu.yield
    }) : () -> ()
    %iota3A = tpu.iota {dimensions = array<i32: 0>} : vector<16xi32>
    %add3A_33 = arith.constant 10176 : i32
    %add3A_34 = vector.broadcast %add3A_33 : i32 to vector<16xi32>
    %add3A_35 = arith.addi %iota3A, %add3A_34 : vector<16xi32>
    %swap3A = arith.constant 0 : index
    %swap3A_36 = tpu.vector_load %arg10[%swap3A] {strides = array<i32>} : memref<64xi32, #tpu.memory_space<vmem>>, vector<16xi32>,
    %swap3A_37 = vector.shape_cast %swap3A_36 : vector<16xi32> to vector<16xi32>
    %swap3A_38 = vector.shape_cast %add3A_35 : vector<16xi32> to vector<16xi32>
    tpu.vector_store %arg10[%swap3A], %swap3A_38 {strides = array<i32>} : memref<64xi32, #tpu.memory_space<vmem>>, vector<16xi32>,
    %add3A_39 = arith.constant 10192 : i32
    %add3A_40 = vector.broadcast %add3A_39 : i32 to vector<16xi32>
    %add3A_41 = arith.addi %iota3A, %add3A_40 : vector<16xi32>
    %swap3A_42 = arith.constant 16 : index
    %swap3A_43 = tpu.vector_load %arg10[%swap3A_42] {strides = array<i32>} : memref<64xi32, #tpu.memory_space<vmem>>, vector<16xi32>,
    %swap3A_44 = vector.shape_cast %swap3A_43 : vector<16xi32> to vector<16xi32>
    %swap3A_45 = vector.shape_cast %add3A_41 : vector<16xi32> to vector<16xi32>
    tpu.vector_store %arg10[%swap3A_42], %swap3A_45 {strides = array<i32>} : memref<64xi32, #tpu.memory_space<vmem>>, vector<16xi32>,
    %add3A_46 = arith.constant 10208 : i32
    %add3A_47 = vector.broadcast %add3A_46 : i32 to vector<16xi32>
    %add3A_48 = arith.addi %iota3A, %add3A_47 : vector<16xi32>
    %swap3A_49 = arith.constant 32 : index
    %swap3A_50 = tpu.vector_load %arg10[%swap3A_49] {strides = array<i32>} : memref<64xi32, #tpu.memory_space<vmem>>, vector<16xi32>,
    %swap3A_51 = vector.shape_cast %swap3A_50 : vector<16xi32> to vector<16xi32>
    %swap3A_52 = vector.shape_cast %add3A_48 : vector<16xi32> to vector<16xi32>
    tpu.vector_store %arg10[%swap3A_49], %swap3A_52 {strides = array<i32>} : memref<64xi32, #tpu.memory_space<vmem>>, vector<16xi32>,
    %add3A_53 = arith.constant 10224 : i32
    %add3A_54 = vector.broadcast %add3A_53 : i32 to vector<16xi32>
    %add3A_55 = arith.addi %iota3A, %add3A_54 : vector<16xi32>
    %swap3A_56 = arith.constant 48 : index
    %swap3A_57 = tpu.vector_load %arg10[%swap3A_56] {strides = array<i32>} : memref<64xi32, #tpu.memory_space<vmem>>, vector<16xi32>,
    %swap3A_58 = vector.shape_cast %swap3A_57 : vector<16xi32> to vector<16xi32>
    %swap3A_59 = vector.shape_cast %add3A_55 : vector<16xi32> to vector<16xi32>
    tpu.vector_store %arg10[%swap3A_56], %swap3A_59 {strides = array<i32>} : memref<64xi32, #tpu.memory_space<vmem>>, vector<16xi32>,
    "tpu.region"() ({
      %run_scoped3A = tpu.sem_alloc : memref<!tpu.dma_semaphore, #tpu.memory_space<semaphore_mem>>
      %dma_start3A_108 = arith.constant 0 : i32
      %dma_start3A_109 = arith.constant 0 : i32
      %dma_start3A_110 = tpu.memref_slice %arg3[%mul3A_2, %dma_start3A_108, %dma_start3A_109] : memref<1312x4x64xi32, #tpu.memory_space<hbm>> -> memref<1x4x64xi32, #tpu.memory_space<hbm>>
      %dma_start3A_111 = tpu.memref_squeeze %dma_start3A_110 : memref<1x4x64xi32, #tpu.memory_space<hbm>> -> memref<4x64xi32, #tpu.memory_space<hbm>>
      %dma_start3A_112 = arith.constant 0 : i32
      %dma_start3A_113 = arith.constant 0 : i32
      %dma_start3A_114 = tpu.memref_slice %arg3[%mul3A_2, %dma_start3A_112, %dma_start3A_113] : memref<1312x4x64xi32, #tpu.memory_space<hbm>> -> memref<1x4x64xi32, #tpu.memory_space<hbm>>
      %dma_start3A_115 = tpu.memref_squeeze %dma_start3A_114 : memref<1x4x64xi32, #tpu.memory_space<hbm>> -> memref<4x64xi32, #tpu.memory_space<hbm>>
      tpu.enqueue_dma source(%dma_start3A_115 : memref<4x64xi32, #tpu.memory_space<hbm>>) target(%arg6 : memref<4x64xi32, #tpu.memory_space<vmem>>) target_semaphore(%run_scoped3A : memref<!tpu.dma_semaphore, #tpu.memory_space<semaphore_mem>>)
      %dma_wait3A_116 = arith.constant 0 : i32
      %dma_wait3A_117 = arith.constant 0 : i32
      %dma_wait3A_118 = tpu.memref_slice %arg3[%mul3A_2, %dma_wait3A_116, %dma_wait3A_117] : memref<1312x4x64xi32, #tpu.memory_space<hbm>> -> memref<1x4x64xi32, #tpu.memory_space<hbm>>
      %dma_wait3A_119 = tpu.memref_squeeze %dma_wait3A_118 : memref<1x4x64xi32, #tpu.memory_space<hbm>> -> memref<4x64xi32, #tpu.memory_space<hbm>>
      %dma_wait3A_120 = arith.constant 0 : i32
      %dma_wait3A_121 = arith.constant 0 : i32
      %dma_wait3A_122 = tpu.memref_slice %arg3[%mul3A_2, %dma_wait3A_120, %dma_wait3A_121] : memref<1312x4x64xi32, #tpu.memory_space<hbm>> -> memref<1x4x64xi32, #tpu.memory_space<hbm>>
      %dma_wait3A_123 = tpu.memref_squeeze %dma_wait3A_122 : memref<1x4x64xi32, #tpu.memory_space<hbm>> -> memref<4x64xi32, #tpu.memory_space<hbm>>
      tpu.wait_dma2 semaphore(%run_scoped3A : memref<!tpu.dma_semaphore, #tpu.memory_space<semaphore_mem>>) src(%dma_wait3A_123 : memref<4x64xi32, #tpu.memory_space<hbm>>) dst(%arg6 : memref<4x64xi32, #tpu.memory_space<vmem>>)
      tpu.yield
    }) : () -> ()
    "tpu.region"() ({
      %run_scoped3A = tpu.sem_alloc : memref<!tpu.dma_semaphore, #tpu.memory_space<semaphore_mem>>
      %dma_start3A_108 = arith.constant 0 : i32
      %dma_start3A_109 = arith.constant 0 : i32
      %dma_start3A_110 = tpu.memref_slice %arg4[%mul3A_2, %dma_start3A_108, %dma_start3A_109] : memref<1312x4x64xi32, #tpu.memory_space<hbm>> -> memref<1x4x64xi32, #tpu.memory_space<hbm>>
      %dma_start3A_111 = tpu.memref_squeeze %dma_start3A_110 : memref<1x4x64xi32, #tpu.memory_space<hbm>> -> memref<4x64xi32, #tpu.memory_space<hbm>>
      %dma_start3A_112 = arith.constant 0 : i32
      %dma_start3A_113 = arith.constant 0 : i32
      %dma_start3A_114 = tpu.memref_slice %arg4[%mul3A_2, %dma_start3A_112, %dma_start3A_113] : memref<1312x4x64xi32, #tpu.memory_space<hbm>> -> memref<1x4x64xi32, #tpu.memory_space<hbm>>
      %dma_start3A_115 = tpu.memref_squeeze %dma_start3A_114 : memref<1x4x64xi32, #tpu.memory_space<hbm>> -> memref<4x64xi32, #tpu.memory_space<hbm>>
      tpu.enqueue_dma source(%dma_start3A_115 : memref<4x64xi32, #tpu.memory_space<hbm>>) target(%arg8 : memref<4x64xi32, #tpu.memory_space<vmem>>) target_semaphore(%run_scoped3A : memref<!tpu.dma_semaphore, #tpu.memory_space<semaphore_mem>>)
      %dma_wait3A_116 = arith.constant 0 : i32
      %dma_wait3A_117 = arith.constant 0 : i32
      %dma_wait3A_118 = tpu.memref_slice %arg4[%mul3A_2, %dma_wait3A_116, %dma_wait3A_117] : memref<1312x4x64xi32, #tpu.memory_space<hbm>> -> memref<1x4x64xi32, #tpu.memory_space<hbm>>
      %dma_wait3A_119 = tpu.memref_squeeze %dma_wait3A_118 : memref<1x4x64xi32, #tpu.memory_space<hbm>> -> memref<4x64xi32, #tpu.memory_space<hbm>>
      %dma_wait3A_120 = arith.constant 0 : i32
      %dma_wait3A_121 = arith.constant 0 : i32
      %dma_wait3A_122 = tpu.memref_slice %arg4[%mul3A_2, %dma_wait3A_120, %dma_wait3A_121] : memref<1312x4x64xi32, #tpu.memory_space<hbm>> -> memref<1x4x64xi32, #tpu.memory_space<hbm>>
      %dma_wait3A_123 = tpu.memref_squeeze %dma_wait3A_122 : memref<1x4x64xi32, #tpu.memory_space<hbm>> -> memref<4x64xi32, #tpu.memory_space<hbm>>
      tpu.wait_dma2 semaphore(%run_scoped3A : memref<!tpu.dma_semaphore, #tpu.memory_space<semaphore_mem>>) src(%dma_wait3A_123 : memref<4x64xi32, #tpu.memory_space<hbm>>) dst(%arg8 : memref<4x64xi32, #tpu.memory_space<vmem>>)
      tpu.yield
    }) : () -> ()
    %barrier3A = arith.constant 0 : index
    tpu.barrier barrier_id(%barrier3A)
    %dma_start3A = arith.constant 0 : i32
    %dma_start3A_60 = arith.constant 0 : i32
    %dma_start3A_61 = tpu.memref_slice %arg15[%dma_start3A, %dma_start3A_60] : memref<10240x144xf32, #tpu.memory_space<vmem_shared>> -> memref<10240x144xf32, #tpu.memory_space<vmem_shared>>
    tpu.enqueue_indirect_dma source(%arg11 : memref<64x144xf32, #tpu.memory_space<vmem>>) target(%dma_start3A_61 : memref<10240x144xf32, #tpu.memory_space<vmem_shared>>) offsets(%arg10 : memref<64xi32, #tpu.memory_space<vmem>>) semaphore(%arg22 : memref<!tpu.dma_semaphore, #tpu.memory_space<semaphore_mem>>) {add = true}
    %dma_start3A_62 = arith.constant 0 : i32
    %dma_start3A_63 = arith.constant 0 : i32
    %dma_start3A_64 = tpu.memref_slice %arg15[%dma_start3A_62, %dma_start3A_63] : memref<10240x144xf32, #tpu.memory_space<vmem_shared>> -> memref<10240x144xf32, #tpu.memory_space<vmem_shared>>
    tpu.enqueue_indirect_dma source(%arg11 : memref<64x144xf32, #tpu.memory_space<vmem>>) target(%dma_start3A_64 : memref<10240x144xf32, #tpu.memory_space<vmem_shared>>) offsets(%arg10 : memref<64xi32, #tpu.memory_space<vmem>>) semaphore(%arg23 : memref<!tpu.dma_semaphore, #tpu.memory_space<semaphore_mem>>) {add = true}
    %dma_start3A_65 = arith.constant 0 : i32
    %dma_start3A_66 = arith.constant 0 : i32
    %dma_start3A_67 = tpu.memref_slice %arg6[%dma_start3A_65, %dma_start3A_66] : memref<4x64xi32, #tpu.memory_space<vmem>> -> memref<1x64xi32, #tpu.memory_space<vmem>>
    %dma_start3A_68 = tpu.memref_squeeze %dma_start3A_67 : memref<1x64xi32, #tpu.memory_space<vmem>> -> memref<64xi32, #tpu.memory_space<vmem>>
    %dma_start3A_69 = arith.constant 0 : i32
    %dma_start3A_70 = arith.constant 0 : i32
    %dma_start3A_71 = tpu.memref_slice %arg2[%dma_start3A_69, %dma_start3A_70] : memref<10240x144xf32, #tpu.memory_space<hbm>> -> memref<10240x144xf32, #tpu.memory_space<hbm>>
    tpu.enqueue_indirect_dma source(%dma_start3A_71 : memref<10240x144xf32, #tpu.memory_space<hbm>>) target(%arg11 : memref<64x144xf32, #tpu.memory_space<vmem>>) offsets(%dma_start3A_68 : memref<64xi32, #tpu.memory_space<vmem>>) semaphore(%arg16 : memref<!tpu.dma_semaphore, #tpu.memory_space<semaphore_mem>>)
    %dma_start3A_72 = arith.constant 1 : i32
    %dma_start3A_73 = arith.constant 0 : i32
    %dma_start3A_74 = tpu.memref_slice %arg6[%dma_start3A_72, %dma_start3A_73] : memref<4x64xi32, #tpu.memory_space<vmem>> -> memref<1x64xi32, #tpu.memory_space<vmem>>
    %dma_start3A_75 = tpu.memref_squeeze %dma_start3A_74 : memref<1x64xi32, #tpu.memory_space<vmem>> -> memref<64xi32, #tpu.memory_space<vmem>>
    %dma_start3A_76 = arith.constant 0 : i32
    %dma_start3A_77 = arith.constant 0 : i32
    %dma_start3A_78 = tpu.memref_slice %arg2[%dma_start3A_76, %dma_start3A_77] : memref<10240x144xf32, #tpu.memory_space<hbm>> -> memref<10240x144xf32, #tpu.memory_space<hbm>>
    tpu.enqueue_indirect_dma source(%dma_start3A_78 : memref<10240x144xf32, #tpu.memory_space<hbm>>) target(%arg12 : memref<64x144xf32, #tpu.memory_space<vmem>>) offsets(%dma_start3A_75 : memref<64xi32, #tpu.memory_space<vmem>>) semaphore(%arg17 : memref<!tpu.dma_semaphore, #tpu.memory_space<semaphore_mem>>)
    %scan3A_79 = arith.constant 0 : i32
    %scan3A_80 = arith.constant 0 : i32
    %scan3A_81 = arith.constant 20 : i32
    %scan3A_82 = arith.addi %scan3A_80, %scan3A_81 : i32
    %scan3A_83 = arith.constant 1 : i32
    scf.for %scan3A_108 = %scan3A_80 to %scan3A_82 step %scan3A_83  : i32 {
      %mul3A_109 = arith.constant 2 : i32
      %mul3A_110 = arith.muli %scan3A_108, %mul3A_109 : i32
      %add3A_111 = arith.constant 0 : i32
      %add3A_112 = arith.addi %mul3A_110, %add3A_111 : i32
      %add3A_113 = arith.constant 1 : i32
      %add3A_114 = arith.addi %add3A_112, %add3A_113 : i32
      %eq3A = arith.constant 40 : i32
      %eq3A_115 = arith.cmpi eq, %add3A_114, %eq3A : i32
      %add3A_116 = arith.addi %mul3A_2, %add3A_112 : i32
      %add3A_117 = arith.constant 1 : i32
      %add3A_118 = arith.addi %add3A_116, %add3A_117 : i32
      %select_n3A = arith.select %eq3A_115, %add3A_4, %add3A_118 : i32
      %dma_start3A_119 = arith.constant 0 : i32
      %dma_start3A_120 = arith.constant 0 : i32
      %dma_start3A_121 = tpu.memref_slice %arg3[%select_n3A, %dma_start3A_119, %dma_start3A_120] : memref<1312x4x64xi32, #tpu.memory_space<hbm>> -> memref<1x4x64xi32, #tpu.memory_space<hbm>>
      %dma_start3A_122 = tpu.memref_squeeze %dma_start3A_121 : memref<1x4x64xi32, #tpu.memory_space<hbm>> -> memref<4x64xi32, #tpu.memory_space<hbm>>
      %dma_start3A_123 = arith.constant 0 : i32
      %dma_start3A_124 = arith.constant 0 : i32
      %dma_start3A_125 = tpu.memref_slice %arg3[%select_n3A, %dma_start3A_123, %dma_start3A_124] : memref<1312x4x64xi32, #tpu.memory_space<hbm>> -> memref<1x4x64xi32, #tpu.memory_space<hbm>>
      %dma_start3A_126 = tpu.memref_squeeze %dma_start3A_125 : memref<1x4x64xi32, #tpu.memory_space<hbm>> -> memref<4x64xi32, #tpu.memory_space<hbm>>
      tpu.enqueue_dma source(%dma_start3A_126 : memref<4x64xi32, #tpu.memory_space<hbm>>) target(%arg7 : memref<4x64xi32, #tpu.memory_space<vmem>>) target_semaphore(%arg24 : memref<!tpu.dma_semaphore, #tpu.memory_space<semaphore_mem>>)
      %dma_start3A_127 = arith.constant 0 : i32
      %dma_start3A_128 = arith.constant 0 : i32
      %dma_start3A_129 = tpu.memref_slice %arg4[%select_n3A, %dma_start3A_127, %dma_start3A_128] : memref<1312x4x64xi32, #tpu.memory_space<hbm>> -> memref<1x4x64xi32, #tpu.memory_space<hbm>>
      %dma_start3A_130 = tpu.memref_squeeze %dma_start3A_129 : memref<1x4x64xi32, #tpu.memory_space<hbm>> -> memref<4x64xi32, #tpu.memory_space<hbm>>
      %dma_start3A_131 = arith.constant 0 : i32
      %dma_start3A_132 = arith.constant 0 : i32
      %dma_start3A_133 = tpu.memref_slice %arg4[%select_n3A, %dma_start3A_131, %dma_start3A_132] : memref<1312x4x64xi32, #tpu.memory_space<hbm>> -> memref<1x4x64xi32, #tpu.memory_space<hbm>>
      %dma_start3A_134 = tpu.memref_squeeze %dma_start3A_133 : memref<1x4x64xi32, #tpu.memory_space<hbm>> -> memref<4x64xi32, #tpu.memory_space<hbm>>
      tpu.enqueue_dma source(%dma_start3A_134 : memref<4x64xi32, #tpu.memory_space<hbm>>) target(%arg9 : memref<4x64xi32, #tpu.memory_space<vmem>>) target_semaphore(%arg25 : memref<!tpu.dma_semaphore, #tpu.memory_space<semaphore_mem>>)
      %dma_wait3A_135 = arith.constant 0 : i32
      %dma_wait3A_136 = arith.constant 0 : i32
      %dma_wait3A_137 = tpu.memref_slice %arg15[%dma_wait3A_135, %dma_wait3A_136] : memref<10240x144xf32, #tpu.memory_space<vmem_shared>> -> memref<10240x144xf32, #tpu.memory_space<vmem_shared>>
      tpu.wait_indirect_dma semaphore(%arg22 : memref<!tpu.dma_semaphore, #tpu.memory_space<semaphore_mem>>) src(%arg13 : memref<64x144xf32, #tpu.memory_space<vmem>>) dst(%dma_wait3A_137 : memref<10240x144xf32, #tpu.memory_space<vmem_shared>>)
      %dma_start3A_138 = arith.constant 2 : i32
      %dma_start3A_139 = arith.constant 0 : i32
      %dma_start3A_140 = tpu.memref_slice %arg6[%dma_start3A_138, %dma_start3A_139] : memref<4x64xi32, #tpu.memory_space<vmem>> -> memref<1x64xi32, #tpu.memory_space<vmem>>
      %dma_start3A_141 = tpu.memref_squeeze %dma_start3A_140 : memref<1x64xi32, #tpu.memory_space<vmem>> -> memref<64xi32, #tpu.memory_space<vmem>>
      %dma_start3A_142 = arith.constant 0 : i32
      %dma_start3A_143 = arith.constant 0 : i32
      %dma_start3A_144 = tpu.memref_slice %arg2[%dma_start3A_142, %dma_start3A_143] : memref<10240x144xf32, #tpu.memory_space<hbm>> -> memref<10240x144xf32, #tpu.memory_space<hbm>>
      tpu.enqueue_indirect_dma source(%dma_start3A_144 : memref<10240x144xf32, #tpu.memory_space<hbm>>) target(%arg13 : memref<64x144xf32, #tpu.memory_space<vmem>>) offsets(%dma_start3A_141 : memref<64xi32, #tpu.memory_space<vmem>>) semaphore(%arg18 : memref<!tpu.dma_semaphore, #tpu.memory_space<semaphore_mem>>)
      %dma_wait3A_145 = arith.constant 0 : i32
      %dma_wait3A_146 = arith.constant 0 : i32
      %dma_wait3A_147 = tpu.memref_slice %arg6[%dma_wait3A_145, %dma_wait3A_146] : memref<4x64xi32, #tpu.memory_space<vmem>> -> memref<1x64xi32, #tpu.memory_space<vmem>>
      %dma_wait3A_148 = tpu.memref_squeeze %dma_wait3A_147 : memref<1x64xi32, #tpu.memory_space<vmem>> -> memref<64xi32, #tpu.memory_space<vmem>>
      %dma_wait3A_149 = arith.constant 0 : i32
      %dma_wait3A_150 = arith.constant 0 : i32
      %dma_wait3A_151 = tpu.memref_slice %arg2[%dma_wait3A_149, %dma_wait3A_150] : memref<10240x144xf32, #tpu.memory_space<hbm>> -> memref<10240x144xf32, #tpu.memory_space<hbm>>
      tpu.wait_indirect_dma semaphore(%arg16 : memref<!tpu.dma_semaphore, #tpu.memory_space<semaphore_mem>>) src(%dma_wait3A_151 : memref<10240x144xf32, #tpu.memory_space<hbm>>) dst(%arg11 : memref<64x144xf32, #tpu.memory_space<vmem>>)
      %dma_start3A_152 = arith.constant 0 : i32
      %dma_start3A_153 = arith.constant 0 : i32
      %dma_start3A_154 = tpu.memref_slice %arg8[%dma_start3A_152, %dma_start3A_153] : memref<4x64xi32, #tpu.memory_space<vmem>> -> memref<1x64xi32, #tpu.memory_space<vmem>>
      %dma_start3A_155 = tpu.memref_squeeze %dma_start3A_154 : memref<1x64xi32, #tpu.memory_space<vmem>> -> memref<64xi32, #tpu.memory_space<vmem>>
      %dma_start3A_156 = arith.constant 0 : i32
      %dma_start3A_157 = arith.constant 0 : i32
      %dma_start3A_158 = tpu.memref_slice %arg15[%dma_start3A_156, %dma_start3A_157] : memref<10240x144xf32, #tpu.memory_space<vmem_shared>> -> memref<10240x144xf32, #tpu.memory_space<vmem_shared>>
      tpu.enqueue_indirect_dma source(%arg11 : memref<64x144xf32, #tpu.memory_space<vmem>>) target(%dma_start3A_158 : memref<10240x144xf32, #tpu.memory_space<vmem_shared>>) offsets(%dma_start3A_155 : memref<64xi32, #tpu.memory_space<vmem>>) semaphore(%arg20 : memref<!tpu.dma_semaphore, #tpu.memory_space<semaphore_mem>>) {add = true}
      %dma_wait3A_159 = arith.constant 0 : i32
      %dma_wait3A_160 = arith.constant 0 : i32
      %dma_wait3A_161 = tpu.memref_slice %arg15[%dma_wait3A_159, %dma_wait3A_160] : memref<10240x144xf32, #tpu.memory_space<vmem_shared>> -> memref<10240x144xf32, #tpu.memory_space<vmem_shared>>
      tpu.wait_indirect_dma semaphore(%arg23 : memref<!tpu.dma_semaphore, #tpu.memory_space<semaphore_mem>>) src(%arg14 : memref<64x144xf32, #tpu.memory_space<vmem>>) dst(%dma_wait3A_161 : memref<10240x144xf32, #tpu.memory_space<vmem_shared>>)
      %dma_start3A_162 = arith.constant 3 : i32
      %dma_start3A_163 = arith.constant 0 : i32
      %dma_start3A_164 = tpu.memref_slice %arg6[%dma_start3A_162, %dma_start3A_163] : memref<4x64xi32, #tpu.memory_space<vmem>> -> memref<1x64xi32, #tpu.memory_space<vmem>>
      %dma_start3A_165 = tpu.memref_squeeze %dma_start3A_164 : memref<1x64xi32, #tpu.memory_space<vmem>> -> memref<64xi32, #tpu.memory_space<vmem>>
      %dma_start3A_166 = arith.constant 0 : i32
      %dma_start3A_167 = arith.constant 0 : i32
      %dma_start3A_168 = tpu.memref_slice %arg2[%dma_start3A_166, %dma_start3A_167] : memref<10240x144xf32, #tpu.memory_space<hbm>> -> memref<10240x144xf32, #tpu.memory_space<hbm>>
      tpu.enqueue_indirect_dma source(%dma_start3A_168 : memref<10240x144xf32, #tpu.memory_space<hbm>>) target(%arg14 : memref<64x144xf32, #tpu.memory_space<vmem>>) offsets(%dma_start3A_165 : memref<64xi32, #tpu.memory_space<vmem>>) semaphore(%arg19 : memref<!tpu.dma_semaphore, #tpu.memory_space<semaphore_mem>>)
      %dma_wait3A_169 = arith.constant 1 : i32
      %dma_wait3A_170 = arith.constant 0 : i32
      %dma_wait3A_171 = tpu.memref_slice %arg6[%dma_wait3A_169, %dma_wait3A_170] : memref<4x64xi32, #tpu.memory_space<vmem>> -> memref<1x64xi32, #tpu.memory_space<vmem>>
      %dma_wait3A_172 = tpu.memref_squeeze %dma_wait3A_171 : memref<1x64xi32, #tpu.memory_space<vmem>> -> memref<64xi32, #tpu.memory_space<vmem>>
      %dma_wait3A_173 = arith.constant 0 : i32
      %dma_wait3A_174 = arith.constant 0 : i32
      %dma_wait3A_175 = tpu.memref_slice %arg2[%dma_wait3A_173, %dma_wait3A_174] : memref<10240x144xf32, #tpu.memory_space<hbm>> -> memref<10240x144xf32, #tpu.memory_space<hbm>>
      tpu.wait_indirect_dma semaphore(%arg17 : memref<!tpu.dma_semaphore, #tpu.memory_space<semaphore_mem>>) src(%dma_wait3A_175 : memref<10240x144xf32, #tpu.memory_space<hbm>>) dst(%arg12 : memref<64x144xf32, #tpu.memory_space<vmem>>)
      %dma_start3A_176 = arith.constant 1 : i32
      %dma_start3A_177 = arith.constant 0 : i32
      %dma_start3A_178 = tpu.memref_slice %arg8[%dma_start3A_176, %dma_start3A_177] : memref<4x64xi32, #tpu.memory_space<vmem>> -> memref<1x64xi32, #tpu.memory_space<vmem>>
      %dma_start3A_179 = tpu.memref_squeeze %dma_start3A_178 : memref<1x64xi32, #tpu.memory_space<vmem>> -> memref<64xi32, #tpu.memory_space<vmem>>
      %dma_start3A_180 = arith.constant 0 : i32
      %dma_start3A_181 = arith.constant 0 : i32
      %dma_start3A_182 = tpu.memref_slice %arg15[%dma_start3A_180, %dma_start3A_181] : memref<10240x144xf32, #tpu.memory_space<vmem_shared>> -> memref<10240x144xf32, #tpu.memory_space<vmem_shared>>
      tpu.enqueue_indirect_dma source(%arg12 : memref<64x144xf32, #tpu.memory_space<vmem>>) target(%dma_start3A_182 : memref<10240x144xf32, #tpu.memory_space<vmem_shared>>) offsets(%dma_start3A_179 : memref<64xi32, #tpu.memory_space<vmem>>) semaphore(%arg21 : memref<!tpu.dma_semaphore, #tpu.memory_space<semaphore_mem>>) {add = true}
      %dma_wait3A_183 = arith.constant 0 : i32
      %dma_wait3A_184 = arith.constant 0 : i32
      %dma_wait3A_185 = tpu.memref_slice %arg15[%dma_wait3A_183, %dma_wait3A_184] : memref<10240x144xf32, #tpu.memory_space<vmem_shared>> -> memref<10240x144xf32, #tpu.memory_space<vmem_shared>>
      tpu.wait_indirect_dma semaphore(%arg20 : memref<!tpu.dma_semaphore, #tpu.memory_space<semaphore_mem>>) src(%arg11 : memref<64x144xf32, #tpu.memory_space<vmem>>) dst(%dma_wait3A_185 : memref<10240x144xf32, #tpu.memory_space<vmem_shared>>)
      %dma_wait3A_186 = arith.constant 0 : i32
      %dma_wait3A_187 = arith.constant 0 : i32
      %dma_wait3A_188 = tpu.memref_slice %arg3[%select_n3A, %dma_wait3A_186, %dma_wait3A_187] : memref<1312x4x64xi32, #tpu.memory_space<hbm>> -> memref<1x4x64xi32, #tpu.memory_space<hbm>>
      %dma_wait3A_189 = tpu.memref_squeeze %dma_wait3A_188 : memref<1x4x64xi32, #tpu.memory_space<hbm>> -> memref<4x64xi32, #tpu.memory_space<hbm>>
      %dma_wait3A_190 = arith.constant 0 : i32
      %dma_wait3A_191 = arith.constant 0 : i32
      %dma_wait3A_192 = tpu.memref_slice %arg3[%select_n3A, %dma_wait3A_190, %dma_wait3A_191] : memref<1312x4x64xi32, #tpu.memory_space<hbm>> -> memref<1x4x64xi32, #tpu.memory_space<hbm>>
      %dma_wait3A_193 = tpu.memref_squeeze %dma_wait3A_192 : memref<1x4x64xi32, #tpu.memory_space<hbm>> -> memref<4x64xi32, #tpu.memory_space<hbm>>
      tpu.wait_dma2 semaphore(%arg24 : memref<!tpu.dma_semaphore, #tpu.memory_space<semaphore_mem>>) src(%dma_wait3A_193 : memref<4x64xi32, #tpu.memory_space<hbm>>) dst(%arg7 : memref<4x64xi32, #tpu.memory_space<vmem>>)
      %dma_wait3A_194 = arith.constant 0 : i32
      %dma_wait3A_195 = arith.constant 0 : i32
      %dma_wait3A_196 = tpu.memref_slice %arg4[%select_n3A, %dma_wait3A_194, %dma_wait3A_195] : memref<1312x4x64xi32, #tpu.memory_space<hbm>> -> memref<1x4x64xi32, #tpu.memory_space<hbm>>
      %dma_wait3A_197 = tpu.memref_squeeze %dma_wait3A_196 : memref<1x4x64xi32, #tpu.memory_space<hbm>> -> memref<4x64xi32, #tpu.memory_space<hbm>>
      %dma_wait3A_198 = arith.constant 0 : i32
      %dma_wait3A_199 = arith.constant 0 : i32
      %dma_wait3A_200 = tpu.memref_slice %arg4[%select_n3A, %dma_wait3A_198, %dma_wait3A_199] : memref<1312x4x64xi32, #tpu.memory_space<hbm>> -> memref<1x4x64xi32, #tpu.memory_space<hbm>>
      %dma_wait3A_201 = tpu.memref_squeeze %dma_wait3A_200 : memref<1x4x64xi32, #tpu.memory_space<hbm>> -> memref<4x64xi32, #tpu.memory_space<hbm>>
      tpu.wait_dma2 semaphore(%arg25 : memref<!tpu.dma_semaphore, #tpu.memory_space<semaphore_mem>>) src(%dma_wait3A_201 : memref<4x64xi32, #tpu.memory_space<hbm>>) dst(%arg9 : memref<4x64xi32, #tpu.memory_space<vmem>>)
      %dma_start3A_202 = arith.constant 0 : i32
      %dma_start3A_203 = arith.constant 0 : i32
      %dma_start3A_204 = tpu.memref_slice %arg7[%dma_start3A_202, %dma_start3A_203] : memref<4x64xi32, #tpu.memory_space<vmem>> -> memref<1x64xi32, #tpu.memory_space<vmem>>
      %dma_start3A_205 = tpu.memref_squeeze %dma_start3A_204 : memref<1x64xi32, #tpu.memory_space<vmem>> -> memref<64xi32, #tpu.memory_space<vmem>>
      %dma_start3A_206 = arith.constant 0 : i32
      %dma_start3A_207 = arith.constant 0 : i32
      %dma_start3A_208 = tpu.memref_slice %arg2[%dma_start3A_206, %dma_start3A_207] : memref<10240x144xf32, #tpu.memory_space<hbm>> -> memref<10240x144xf32, #tpu.memory_space<hbm>>
      tpu.enqueue_indirect_dma source(%dma_start3A_208 : memref<10240x144xf32, #tpu.memory_space<hbm>>) target(%arg11 : memref<64x144xf32, #tpu.memory_space<vmem>>) offsets(%dma_start3A_205 : memref<64xi32, #tpu.memory_space<vmem>>) semaphore(%arg16 : memref<!tpu.dma_semaphore, #tpu.memory_space<semaphore_mem>>)
      %dma_wait3A_209 = arith.constant 2 : i32
      %dma_wait3A_210 = arith.constant 0 : i32
      %dma_wait3A_211 = tpu.memref_slice %arg6[%dma_wait3A_209, %dma_wait3A_210] : memref<4x64xi32, #tpu.memory_space<vmem>> -> memref<1x64xi32, #tpu.memory_space<vmem>>
      %dma_wait3A_212 = tpu.memref_squeeze %dma_wait3A_211 : memref<1x64xi32, #tpu.memory_space<vmem>> -> memref<64xi32, #tpu.memory_space<vmem>>
      %dma_wait3A_213 = arith.constant 0 : i32
      %dma_wait3A_214 = arith.constant 0 : i32
      %dma_wait3A_215 = tpu.memref_slice %arg2[%dma_wait3A_213, %dma_wait3A_214] : memref<10240x144xf32, #tpu.memory_space<hbm>> -> memref<10240x144xf32, #tpu.memory_space<hbm>>
      tpu.wait_indirect_dma semaphore(%arg18 : memref<!tpu.dma_semaphore, #tpu.memory_space<semaphore_mem>>) src(%dma_wait3A_215 : memref<10240x144xf32, #tpu.memory_space<hbm>>) dst(%arg13 : memref<64x144xf32, #tpu.memory_space<vmem>>)
      %dma_start3A_216 = arith.constant 2 : i32
      %dma_start3A_217 = arith.constant 0 : i32
      %dma_start3A_218 = tpu.memref_slice %arg8[%dma_start3A_216, %dma_start3A_217] : memref<4x64xi32, #tpu.memory_space<vmem>> -> memref<1x64xi32, #tpu.memory_space<vmem>>
      %dma_start3A_219 = tpu.memref_squeeze %dma_start3A_218 : memref<1x64xi32, #tpu.memory_space<vmem>> -> memref<64xi32, #tpu.memory_space<vmem>>
      %dma_start3A_220 = arith.constant 0 : i32
      %dma_start3A_221 = arith.constant 0 : i32
      %dma_start3A_222 = tpu.memref_slice %arg15[%dma_start3A_220, %dma_start3A_221] : memref<10240x144xf32, #tpu.memory_space<vmem_shared>> -> memref<10240x144xf32, #tpu.memory_space<vmem_shared>>
      tpu.enqueue_indirect_dma source(%arg13 : memref<64x144xf32, #tpu.memory_space<vmem>>) target(%dma_start3A_222 : memref<10240x144xf32, #tpu.memory_space<vmem_shared>>) offsets(%dma_start3A_219 : memref<64xi32, #tpu.memory_space<vmem>>) semaphore(%arg22 : memref<!tpu.dma_semaphore, #tpu.memory_space<semaphore_mem>>) {add = true}
      %dma_wait3A_223 = arith.constant 0 : i32
      %dma_wait3A_224 = arith.constant 0 : i32
      %dma_wait3A_225 = tpu.memref_slice %arg15[%dma_wait3A_223, %dma_wait3A_224] : memref<10240x144xf32, #tpu.memory_space<vmem_shared>> -> memref<10240x144xf32, #tpu.memory_space<vmem_shared>>
      tpu.wait_indirect_dma semaphore(%arg21 : memref<!tpu.dma_semaphore, #tpu.memory_space<semaphore_mem>>) src(%arg12 : memref<64x144xf32, #tpu.memory_space<vmem>>) dst(%dma_wait3A_225 : memref<10240x144xf32, #tpu.memory_space<vmem_shared>>)
      %dma_start3A_226 = arith.constant 1 : i32
      %dma_start3A_227 = arith.constant 0 : i32
      %dma_start3A_228 = tpu.memref_slice %arg7[%dma_start3A_226, %dma_start3A_227] : memref<4x64xi32, #tpu.memory_space<vmem>> -> memref<1x64xi32, #tpu.memory_space<vmem>>
      %dma_start3A_229 = tpu.memref_squeeze %dma_start3A_228 : memref<1x64xi32, #tpu.memory_space<vmem>> -> memref<64xi32, #tpu.memory_space<vmem>>
      %dma_start3A_230 = arith.constant 0 : i32
      %dma_start3A_231 = arith.constant 0 : i32
      %dma_start3A_232 = tpu.memref_slice %arg2[%dma_start3A_230, %dma_start3A_231] : memref<10240x144xf32, #tpu.memory_space<hbm>> -> memref<10240x144xf32, #tpu.memory_space<hbm>>
      tpu.enqueue_indirect_dma source(%dma_start3A_232 : memref<10240x144xf32, #tpu.memory_space<hbm>>) target(%arg12 : memref<64x144xf32, #tpu.memory_space<vmem>>) offsets(%dma_start3A_229 : memref<64xi32, #tpu.memory_space<vmem>>) semaphore(%arg17 : memref<!tpu.dma_semaphore, #tpu.memory_space<semaphore_mem>>)
      %dma_wait3A_233 = arith.constant 3 : i32
      %dma_wait3A_234 = arith.constant 0 : i32
      %dma_wait3A_235 = tpu.memref_slice %arg6[%dma_wait3A_233, %dma_wait3A_234] : memref<4x64xi32, #tpu.memory_space<vmem>> -> memref<1x64xi32, #tpu.memory_space<vmem>>
      %dma_wait3A_236 = tpu.memref_squeeze %dma_wait3A_235 : memref<1x64xi32, #tpu.memory_space<vmem>> -> memref<64xi32, #tpu.memory_space<vmem>>
      %dma_wait3A_237 = arith.constant 0 : i32
      %dma_wait3A_238 = arith.constant 0 : i32
      %dma_wait3A_239 = tpu.memref_slice %arg2[%dma_wait3A_237, %dma_wait3A_238] : memref<10240x144xf32, #tpu.memory_space<hbm>> -> memref<10240x144xf32, #tpu.memory_space<hbm>>
      tpu.wait_indirect_dma semaphore(%arg19 : memref<!tpu.dma_semaphore, #tpu.memory_space<semaphore_mem>>) src(%dma_wait3A_239 : memref<10240x144xf32, #tpu.memory_space<hbm>>) dst(%arg14 : memref<64x144xf32, #tpu.memory_space<vmem>>)
      %dma_start3A_240 = arith.constant 3 : i32
      %dma_start3A_241 = arith.constant 0 : i32
      %dma_start3A_242 = tpu.memref_slice %arg8[%dma_start3A_240, %dma_start3A_241] : memref<4x64xi32, #tpu.memory_space<vmem>> -> memref<1x64xi32, #tpu.memory_space<vmem>>
      %dma_start3A_243 = tpu.memref_squeeze %dma_start3A_242 : memref<1x64xi32, #tpu.memory_space<vmem>> -> memref<64xi32, #tpu.memory_space<vmem>>
      %dma_start3A_244 = arith.constant 0 : i32
      %dma_start3A_245 = arith.constant 0 : i32
      %dma_start3A_246 = tpu.memref_slice %arg15[%dma_start3A_244, %dma_start3A_245] : memref<10240x144xf32, #tpu.memory_space<vmem_shared>> -> memref<10240x144xf32, #tpu.memory_space<vmem_shared>>
      tpu.enqueue_indirect_dma source(%arg14 : memref<64x144xf32, #tpu.memory_space<vmem>>) target(%dma_start3A_246 : memref<10240x144xf32, #tpu.memory_space<vmem_shared>>) offsets(%dma_start3A_243 : memref<64xi32, #tpu.memory_space<vmem>>) semaphore(%arg23 : memref<!tpu.dma_semaphore, #tpu.memory_space<semaphore_mem>>) {add = true}
      %mul3A_247 = arith.constant 2 : i32
      %mul3A_248 = arith.muli %scan3A_108, %mul3A_247 : i32
      %add3A_249 = arith.constant 1 : i32
      %add3A_250 = arith.addi %mul3A_248, %add3A_249 : i32
      %add3A_251 = arith.constant 1 : i32
      %add3A_252 = arith.addi %add3A_250, %add3A_251 : i32
      %eq3A_253 = arith.constant 40 : i32
      %eq3A_254 = arith.cmpi eq, %add3A_252, %eq3A_253 : i32
      %add3A_255 = arith.addi %mul3A_2, %add3A_250 : i32
      %add3A_256 = arith.constant 1 : i32
      %add3A_257 = arith.addi %add3A_255, %add3A_256 : i32
      %select_n3A_258 = arith.select %eq3A_254, %add3A_4, %add3A_257 : i32
      %dma_start3A_259 = arith.constant 0 : i32
      %dma_start3A_260 = arith.constant 0 : i32
      %dma_start3A_261 = tpu.memref_slice %arg3[%select_n3A_258, %dma_start3A_259, %dma_start3A_260] : memref<1312x4x64xi32, #tpu.memory_space<hbm>> -> memref<1x4x64xi32, #tpu.memory_space<hbm>>
      %dma_start3A_262 = tpu.memref_squeeze %dma_start3A_261 : memref<1x4x64xi32, #tpu.memory_space<hbm>> -> memref<4x64xi32, #tpu.memory_space<hbm>>
      %dma_start3A_263 = arith.constant 0 : i32
      %dma_start3A_264 = arith.constant 0 : i32
      %dma_start3A_265 = tpu.memref_slice %arg3[%select_n3A_258, %dma_start3A_263, %dma_start3A_264] : memref<1312x4x64xi32, #tpu.memory_space<hbm>> -> memref<1x4x64xi32, #tpu.memory_space<hbm>>
      %dma_start3A_266 = tpu.memref_squeeze %dma_start3A_265 : memref<1x4x64xi32, #tpu.memory_space<hbm>> -> memref<4x64xi32, #tpu.memory_space<hbm>>
      tpu.enqueue_dma source(%dma_start3A_266 : memref<4x64xi32, #tpu.memory_space<hbm>>) target(%arg6 : memref<4x64xi32, #tpu.memory_space<vmem>>) target_semaphore(%arg24 : memref<!tpu.dma_semaphore, #tpu.memory_space<semaphore_mem>>)
      %dma_start3A_267 = arith.constant 0 : i32
      %dma_start3A_268 = arith.constant 0 : i32
      %dma_start3A_269 = tpu.memref_slice %arg4[%select_n3A_258, %dma_start3A_267, %dma_start3A_268] : memref<1312x4x64xi32, #tpu.memory_space<hbm>> -> memref<1x4x64xi32, #tpu.memory_space<hbm>>
      %dma_start3A_270 = tpu.memref_squeeze %dma_start3A_269 : memref<1x4x64xi32, #tpu.memory_space<hbm>> -> memref<4x64xi32, #tpu.memory_space<hbm>>
      %dma_start3A_271 = arith.constant 0 : i32
      %dma_start3A_272 = arith.constant 0 : i32
      %dma_start3A_273 = tpu.memref_slice %arg4[%select_n3A_258, %dma_start3A_271, %dma_start3A_272] : memref<1312x4x64xi32, #tpu.memory_space<hbm>> -> memref<1x4x64xi32, #tpu.memory_space<hbm>>
      %dma_start3A_274 = tpu.memref_squeeze %dma_start3A_273 : memref<1x4x64xi32, #tpu.memory_space<hbm>> -> memref<4x64xi32, #tpu.memory_space<hbm>>
      tpu.enqueue_dma source(%dma_start3A_274 : memref<4x64xi32, #tpu.memory_space<hbm>>) target(%arg8 : memref<4x64xi32, #tpu.memory_space<vmem>>) target_semaphore(%arg25 : memref<!tpu.dma_semaphore, #tpu.memory_space<semaphore_mem>>)
      %dma_wait3A_275 = arith.constant 0 : i32
      %dma_wait3A_276 = arith.constant 0 : i32
      %dma_wait3A_277 = tpu.memref_slice %arg15[%dma_wait3A_275, %dma_wait3A_276] : memref<10240x144xf32, #tpu.memory_space<vmem_shared>> -> memref<10240x144xf32, #tpu.memory_space<vmem_shared>>
      tpu.wait_indirect_dma semaphore(%arg22 : memref<!tpu.dma_semaphore, #tpu.memory_space<semaphore_mem>>) src(%arg13 : memref<64x144xf32, #tpu.memory_space<vmem>>) dst(%dma_wait3A_277 : memref<10240x144xf32, #tpu.memory_space<vmem_shared>>)
      %dma_start3A_278 = arith.constant 2 : i32
      %dma_start3A_279 = arith.constant 0 : i32
      %dma_start3A_280 = tpu.memref_slice %arg7[%dma_start3A_278, %dma_start3A_279] : memref<4x64xi32, #tpu.memory_space<vmem>> -> memref<1x64xi32, #tpu.memory_space<vmem>>
      %dma_start3A_281 = tpu.memref_squeeze %dma_start3A_280 : memref<1x64xi32, #tpu.memory_space<vmem>> -> memref<64xi32, #tpu.memory_space<vmem>>
      %dma_start3A_282 = arith.constant 0 : i32
      %dma_start3A_283 = arith.constant 0 : i32
      %dma_start3A_284 = tpu.memref_slice %arg2[%dma_start3A_282, %dma_start3A_283] : memref<10240x144xf32, #tpu.memory_space<hbm>> -> memref<10240x144xf32, #tpu.memory_space<hbm>>
      tpu.enqueue_indirect_dma source(%dma_start3A_284 : memref<10240x144xf32, #tpu.memory_space<hbm>>) target(%arg13 : memref<64x144xf32, #tpu.memory_space<vmem>>) offsets(%dma_start3A_281 : memref<64xi32, #tpu.memory_space<vmem>>) semaphore(%arg18 : memref<!tpu.dma_semaphore, #tpu.memory_space<semaphore_mem>>)
      %dma_wait3A_285 = arith.constant 0 : i32
      %dma_wait3A_286 = arith.constant 0 : i32
      %dma_wait3A_287 = tpu.memref_slice %arg7[%dma_wait3A_285, %dma_wait3A_286] : memref<4x64xi32, #tpu.memory_space<vmem>> -> memref<1x64xi32, #tpu.memory_space<vmem>>
      %dma_wait3A_288 = tpu.memref_squeeze %dma_wait3A_287 : memref<1x64xi32, #tpu.memory_space<vmem>> -> memref<64xi32, #tpu.memory_space<vmem>>
      %dma_wait3A_289 = arith.constant 0 : i32
      %dma_wait3A_290 = arith.constant 0 : i32
      %dma_wait3A_291 = tpu.memref_slice %arg2[%dma_wait3A_289, %dma_wait3A_290] : memref<10240x144xf32, #tpu.memory_space<hbm>> -> memref<10240x144xf32, #tpu.memory_space<hbm>>
      tpu.wait_indirect_dma semaphore(%arg16 : memref<!tpu.dma_semaphore, #tpu.memory_space<semaphore_mem>>) src(%dma_wait3A_291 : memref<10240x144xf32, #tpu.memory_space<hbm>>) dst(%arg11 : memref<64x144xf32, #tpu.memory_space<vmem>>)
      %dma_start3A_292 = arith.constant 0 : i32
      %dma_start3A_293 = arith.constant 0 : i32
      %dma_start3A_294 = tpu.memref_slice %arg9[%dma_start3A_292, %dma_start3A_293] : memref<4x64xi32, #tpu.memory_space<vmem>> -> memref<1x64xi32, #tpu.memory_space<vmem>>
      %dma_start3A_295 = tpu.memref_squeeze %dma_start3A_294 : memref<1x64xi32, #tpu.memory_space<vmem>> -> memref<64xi32, #tpu.memory_space<vmem>>
      %dma_start3A_296 = arith.constant 0 : i32
      %dma_start3A_297 = arith.constant 0 : i32
      %dma_start3A_298 = tpu.memref_slice %arg15[%dma_start3A_296, %dma_start3A_297] : memref<10240x144xf32, #tpu.memory_space<vmem_shared>> -> memref<10240x144xf32, #tpu.memory_space<vmem_shared>>
      tpu.enqueue_indirect_dma source(%arg11 : memref<64x144xf32, #tpu.memory_space<vmem>>) target(%dma_start3A_298 : memref<10240x144xf32, #tpu.memory_space<vmem_shared>>) offsets(%dma_start3A_295 : memref<64xi32, #tpu.memory_space<vmem>>) semaphore(%arg20 : memref<!tpu.dma_semaphore, #tpu.memory_space<semaphore_mem>>) {add = true}
      %dma_wait3A_299 = arith.constant 0 : i32
      %dma_wait3A_300 = arith.constant 0 : i32
      %dma_wait3A_301 = tpu.memref_slice %arg15[%dma_wait3A_299, %dma_wait3A_300] : memref<10240x144xf32, #tpu.memory_space<vmem_shared>> -> memref<10240x144xf32, #tpu.memory_space<vmem_shared>>
      tpu.wait_indirect_dma semaphore(%arg23 : memref<!tpu.dma_semaphore, #tpu.memory_space<semaphore_mem>>) src(%arg14 : memref<64x144xf32, #tpu.memory_space<vmem>>) dst(%dma_wait3A_301 : memref<10240x144xf32, #tpu.memory_space<vmem_shared>>)
      %dma_start3A_302 = arith.constant 3 : i32
      %dma_start3A_303 = arith.constant 0 : i32
      %dma_start3A_304 = tpu.memref_slice %arg7[%dma_start3A_302, %dma_start3A_303] : memref<4x64xi32, #tpu.memory_space<vmem>> -> memref<1x64xi32, #tpu.memory_space<vmem>>
      %dma_start3A_305 = tpu.memref_squeeze %dma_start3A_304 : memref<1x64xi32, #tpu.memory_space<vmem>> -> memref<64xi32, #tpu.memory_space<vmem>>
      %dma_start3A_306 = arith.constant 0 : i32
      %dma_start3A_307 = arith.constant 0 : i32
      %dma_start3A_308 = tpu.memref_slice %arg2[%dma_start3A_306, %dma_start3A_307] : memref<10240x144xf32, #tpu.memory_space<hbm>> -> memref<10240x144xf32, #tpu.memory_space<hbm>>
      tpu.enqueue_indirect_dma source(%dma_start3A_308 : memref<10240x144xf32, #tpu.memory_space<hbm>>) target(%arg14 : memref<64x144xf32, #tpu.memory_space<vmem>>) offsets(%dma_start3A_305 : memref<64xi32, #tpu.memory_space<vmem>>) semaphore(%arg19 : memref<!tpu.dma_semaphore, #tpu.memory_space<semaphore_mem>>)
      %dma_wait3A_309 = arith.constant 1 : i32
      %dma_wait3A_310 = arith.constant 0 : i32
      %dma_wait3A_311 = tpu.memref_slice %arg7[%dma_wait3A_309, %dma_wait3A_310] : memref<4x64xi32, #tpu.memory_space<vmem>> -> memref<1x64xi32, #tpu.memory_space<vmem>>
      %dma_wait3A_312 = tpu.memref_squeeze %dma_wait3A_311 : memref<1x64xi32, #tpu.memory_space<vmem>> -> memref<64xi32, #tpu.memory_space<vmem>>
      %dma_wait3A_313 = arith.constant 0 : i32
      %dma_wait3A_314 = arith.constant 0 : i32
      %dma_wait3A_315 = tpu.memref_slice %arg2[%dma_wait3A_313, %dma_wait3A_314] : memref<10240x144xf32, #tpu.memory_space<hbm>> -> memref<10240x144xf32, #tpu.memory_space<hbm>>
      tpu.wait_indirect_dma semaphore(%arg17 : memref<!tpu.dma_semaphore, #tpu.memory_space<semaphore_mem>>) src(%dma_wait3A_315 : memref<10240x144xf32, #tpu.memory_space<hbm>>) dst(%arg12 : memref<64x144xf32, #tpu.memory_space<vmem>>)
      %dma_start3A_316 = arith.constant 1 : i32
      %dma_start3A_317 = arith.constant 0 : i32
      %dma_start3A_318 = tpu.memref_slice %arg9[%dma_start3A_316, %dma_start3A_317] : memref<4x64xi32, #tpu.memory_space<vmem>> -> memref<1x64xi32, #tpu.memory_space<vmem>>
      %dma_start3A_319 = tpu.memref_squeeze %dma_start3A_318 : memref<1x64xi32, #tpu.memory_space<vmem>> -> memref<64xi32, #tpu.memory_space<vmem>>
      %dma_start3A_320 = arith.constant 0 : i32
      %dma_start3A_321 = arith.constant 0 : i32
      %dma_start3A_322 = tpu.memref_slice %arg15[%dma_start3A_320, %dma_start3A_321] : memref<10240x144xf32, #tpu.memory_space<vmem_shared>> -> memref<10240x144xf32, #tpu.memory_space<vmem_shared>>
      tpu.enqueue_indirect_dma source(%arg12 : memref<64x144xf32, #tpu.memory_space<vmem>>) target(%dma_start3A_322 : memref<10240x144xf32, #tpu.memory_space<vmem_shared>>) offsets(%dma_start3A_319 : memref<64xi32, #tpu.memory_space<vmem>>) semaphore(%arg21 : memref<!tpu.dma_semaphore, #tpu.memory_space<semaphore_mem>>) {add = true}
      %dma_wait3A_323 = arith.constant 0 : i32
      %dma_wait3A_324 = arith.constant 0 : i32
      %dma_wait3A_325 = tpu.memref_slice %arg15[%dma_wait3A_323, %dma_wait3A_324] : memref<10240x144xf32, #tpu.memory_space<vmem_shared>> -> memref<10240x144xf32, #tpu.memory_space<vmem_shared>>
      tpu.wait_indirect_dma semaphore(%arg20 : memref<!tpu.dma_semaphore, #tpu.memory_space<semaphore_mem>>) src(%arg11 : memref<64x144xf32, #tpu.memory_space<vmem>>) dst(%dma_wait3A_325 : memref<10240x144xf32, #tpu.memory_space<vmem_shared>>)
      %dma_wait3A_326 = arith.constant 0 : i32
      %dma_wait3A_327 = arith.constant 0 : i32
      %dma_wait3A_328 = tpu.memref_slice %arg3[%select_n3A_258, %dma_wait3A_326, %dma_wait3A_327] : memref<1312x4x64xi32, #tpu.memory_space<hbm>> -> memref<1x4x64xi32, #tpu.memory_space<hbm>>
      %dma_wait3A_329 = tpu.memref_squeeze %dma_wait3A_328 : memref<1x4x64xi32, #tpu.memory_space<hbm>> -> memref<4x64xi32, #tpu.memory_space<hbm>>
      %dma_wait3A_330 = arith.constant 0 : i32
      %dma_wait3A_331 = arith.constant 0 : i32
      %dma_wait3A_332 = tpu.memref_slice %arg3[%select_n3A_258, %dma_wait3A_330, %dma_wait3A_331] : memref<1312x4x64xi32, #tpu.memory_space<hbm>> -> memref<1x4x64xi32, #tpu.memory_space<hbm>>
      %dma_wait3A_333 = tpu.memref_squeeze %dma_wait3A_332 : memref<1x4x64xi32, #tpu.memory_space<hbm>> -> memref<4x64xi32, #tpu.memory_space<hbm>>
      tpu.wait_dma2 semaphore(%arg24 : memref<!tpu.dma_semaphore, #tpu.memory_space<semaphore_mem>>) src(%dma_wait3A_333 : memref<4x64xi32, #tpu.memory_space<hbm>>) dst(%arg6 : memref<4x64xi32, #tpu.memory_space<vmem>>)
      %dma_wait3A_334 = arith.constant 0 : i32
      %dma_wait3A_335 = arith.constant 0 : i32
      %dma_wait3A_336 = tpu.memref_slice %arg4[%select_n3A_258, %dma_wait3A_334, %dma_wait3A_335] : memref<1312x4x64xi32, #tpu.memory_space<hbm>> -> memref<1x4x64xi32, #tpu.memory_space<hbm>>
      %dma_wait3A_337 = tpu.memref_squeeze %dma_wait3A_336 : memref<1x4x64xi32, #tpu.memory_space<hbm>> -> memref<4x64xi32, #tpu.memory_space<hbm>>
      %dma_wait3A_338 = arith.constant 0 : i32
      %dma_wait3A_339 = arith.constant 0 : i32
      %dma_wait3A_340 = tpu.memref_slice %arg4[%select_n3A_258, %dma_wait3A_338, %dma_wait3A_339] : memref<1312x4x64xi32, #tpu.memory_space<hbm>> -> memref<1x4x64xi32, #tpu.memory_space<hbm>>
      %dma_wait3A_341 = tpu.memref_squeeze %dma_wait3A_340 : memref<1x4x64xi32, #tpu.memory_space<hbm>> -> memref<4x64xi32, #tpu.memory_space<hbm>>
      tpu.wait_dma2 semaphore(%arg25 : memref<!tpu.dma_semaphore, #tpu.memory_space<semaphore_mem>>) src(%dma_wait3A_341 : memref<4x64xi32, #tpu.memory_space<hbm>>) dst(%arg8 : memref<4x64xi32, #tpu.memory_space<vmem>>)
      %dma_start3A_342 = arith.constant 0 : i32
      %dma_start3A_343 = arith.constant 0 : i32
      %dma_start3A_344 = tpu.memref_slice %arg6[%dma_start3A_342, %dma_start3A_343] : memref<4x64xi32, #tpu.memory_space<vmem>> -> memref<1x64xi32, #tpu.memory_space<vmem>>
      %dma_start3A_345 = tpu.memref_squeeze %dma_start3A_344 : memref<1x64xi32, #tpu.memory_space<vmem>> -> memref<64xi32, #tpu.memory_space<vmem>>
      %dma_start3A_346 = arith.constant 0 : i32
      %dma_start3A_347 = arith.constant 0 : i32
      %dma_start3A_348 = tpu.memref_slice %arg2[%dma_start3A_346, %dma_start3A_347] : memref<10240x144xf32, #tpu.memory_space<hbm>> -> memref<10240x144xf32, #tpu.memory_space<hbm>>
      tpu.enqueue_indirect_dma source(%dma_start3A_348 : memref<10240x144xf32, #tpu.memory_space<hbm>>) target(%arg11 : memref<64x144xf32, #tpu.memory_space<vmem>>) offsets(%dma_start3A_345 : memref<64xi32, #tpu.memory_space<vmem>>) semaphore(%arg16 : memref<!tpu.dma_semaphore, #tpu.memory_space<semaphore_mem>>)
      %dma_wait3A_349 = arith.constant 2 : i32
      %dma_wait3A_350 = arith.constant 0 : i32
      %dma_wait3A_351 = tpu.memref_slice %arg7[%dma_wait3A_349, %dma_wait3A_350] : memref<4x64xi32, #tpu.memory_space<vmem>> -> memref<1x64xi32, #tpu.memory_space<vmem>>
      %dma_wait3A_352 = tpu.memref_squeeze %dma_wait3A_351 : memref<1x64xi32, #tpu.memory_space<vmem>> -> memref<64xi32, #tpu.memory_space<vmem>>
      %dma_wait3A_353 = arith.constant 0 : i32
      %dma_wait3A_354 = arith.constant 0 : i32
      %dma_wait3A_355 = tpu.memref_slice %arg2[%dma_wait3A_353, %dma_wait3A_354] : memref<10240x144xf32, #tpu.memory_space<hbm>> -> memref<10240x144xf32, #tpu.memory_space<hbm>>
      tpu.wait_indirect_dma semaphore(%arg18 : memref<!tpu.dma_semaphore, #tpu.memory_space<semaphore_mem>>) src(%dma_wait3A_355 : memref<10240x144xf32, #tpu.memory_space<hbm>>) dst(%arg13 : memref<64x144xf32, #tpu.memory_space<vmem>>)
      %dma_start3A_356 = arith.constant 2 : i32
      %dma_start3A_357 = arith.constant 0 : i32
      %dma_start3A_358 = tpu.memref_slice %arg9[%dma_start3A_356, %dma_start3A_357] : memref<4x64xi32, #tpu.memory_space<vmem>> -> memref<1x64xi32, #tpu.memory_space<vmem>>
      %dma_start3A_359 = tpu.memref_squeeze %dma_start3A_358 : memref<1x64xi32, #tpu.memory_space<vmem>> -> memref<64xi32, #tpu.memory_space<vmem>>
      %dma_start3A_360 = arith.constant 0 : i32
      %dma_start3A_361 = arith.constant 0 : i32
      %dma_start3A_362 = tpu.memref_slice %arg15[%dma_start3A_360, %dma_start3A_361] : memref<10240x144xf32, #tpu.memory_space<vmem_shared>> -> memref<10240x144xf32, #tpu.memory_space<vmem_shared>>
      tpu.enqueue_indirect_dma source(%arg13 : memref<64x144xf32, #tpu.memory_space<vmem>>) target(%dma_start3A_362 : memref<10240x144xf32, #tpu.memory_space<vmem_shared>>) offsets(%dma_start3A_359 : memref<64xi32, #tpu.memory_space<vmem>>) semaphore(%arg22 : memref<!tpu.dma_semaphore, #tpu.memory_space<semaphore_mem>>) {add = true}
      %dma_wait3A_363 = arith.constant 0 : i32
      %dma_wait3A_364 = arith.constant 0 : i32
      %dma_wait3A_365 = tpu.memref_slice %arg15[%dma_wait3A_363, %dma_wait3A_364] : memref<10240x144xf32, #tpu.memory_space<vmem_shared>> -> memref<10240x144xf32, #tpu.memory_space<vmem_shared>>
      tpu.wait_indirect_dma semaphore(%arg21 : memref<!tpu.dma_semaphore, #tpu.memory_space<semaphore_mem>>) src(%arg12 : memref<64x144xf32, #tpu.memory_space<vmem>>) dst(%dma_wait3A_365 : memref<10240x144xf32, #tpu.memory_space<vmem_shared>>)
      %dma_start3A_366 = arith.constant 1 : i32
      %dma_start3A_367 = arith.constant 0 : i32
      %dma_start3A_368 = tpu.memref_slice %arg6[%dma_start3A_366, %dma_start3A_367] : memref<4x64xi32, #tpu.memory_space<vmem>> -> memref<1x64xi32, #tpu.memory_space<vmem>>
      %dma_start3A_369 = tpu.memref_squeeze %dma_start3A_368 : memref<1x64xi32, #tpu.memory_space<vmem>> -> memref<64xi32, #tpu.memory_space<vmem>>
      %dma_start3A_370 = arith.constant 0 : i32
      %dma_start3A_371 = arith.constant 0 : i32
      %dma_start3A_372 = tpu.memref_slice %arg2[%dma_start3A_370, %dma_start3A_371] : memref<10240x144xf32, #tpu.memory_space<hbm>> -> memref<10240x144xf32, #tpu.memory_space<hbm>>
      tpu.enqueue_indirect_dma source(%dma_start3A_372 : memref<10240x144xf32, #tpu.memory_space<hbm>>) target(%arg12 : memref<64x144xf32, #tpu.memory_space<vmem>>) offsets(%dma_start3A_369 : memref<64xi32, #tpu.memory_space<vmem>>) semaphore(%arg17 : memref<!tpu.dma_semaphore, #tpu.memory_space<semaphore_mem>>)
      %dma_wait3A_373 = arith.constant 3 : i32
      %dma_wait3A_374 = arith.constant 0 : i32
      %dma_wait3A_375 = tpu.memref_slice %arg7[%dma_wait3A_373, %dma_wait3A_374] : memref<4x64xi32, #tpu.memory_space<vmem>> -> memref<1x64xi32, #tpu.memory_space<vmem>>
      %dma_wait3A_376 = tpu.memref_squeeze %dma_wait3A_375 : memref<1x64xi32, #tpu.memory_space<vmem>> -> memref<64xi32, #tpu.memory_space<vmem>>
      %dma_wait3A_377 = arith.constant 0 : i32
      %dma_wait3A_378 = arith.constant 0 : i32
      %dma_wait3A_379 = tpu.memref_slice %arg2[%dma_wait3A_377, %dma_wait3A_378] : memref<10240x144xf32, #tpu.memory_space<hbm>> -> memref<10240x144xf32, #tpu.memory_space<hbm>>
      tpu.wait_indirect_dma semaphore(%arg19 : memref<!tpu.dma_semaphore, #tpu.memory_space<semaphore_mem>>) src(%dma_wait3A_379 : memref<10240x144xf32, #tpu.memory_space<hbm>>) dst(%arg14 : memref<64x144xf32, #tpu.memory_space<vmem>>)
      %dma_start3A_380 = arith.constant 3 : i32
      %dma_start3A_381 = arith.constant 0 : i32
      %dma_start3A_382 = tpu.memref_slice %arg9[%dma_start3A_380, %dma_start3A_381] : memref<4x64xi32, #tpu.memory_space<vmem>> -> memref<1x64xi32, #tpu.memory_space<vmem>>
      %dma_start3A_383 = tpu.memref_squeeze %dma_start3A_382 : memref<1x64xi32, #tpu.memory_space<vmem>> -> memref<64xi32, #tpu.memory_space<vmem>>
      %dma_start3A_384 = arith.constant 0 : i32
      %dma_start3A_385 = arith.constant 0 : i32
      %dma_start3A_386 = tpu.memref_slice %arg15[%dma_start3A_384, %dma_start3A_385] : memref<10240x144xf32, #tpu.memory_space<vmem_shared>> -> memref<10240x144xf32, #tpu.memory_space<vmem_shared>>
      tpu.enqueue_indirect_dma source(%arg14 : memref<64x144xf32, #tpu.memory_space<vmem>>) target(%dma_start3A_386 : memref<10240x144xf32, #tpu.memory_space<vmem_shared>>) offsets(%dma_start3A_383 : memref<64xi32, #tpu.memory_space<vmem>>) semaphore(%arg23 : memref<!tpu.dma_semaphore, #tpu.memory_space<semaphore_mem>>) {add = true}
    }
    %scan3A_84 = arith.constant 20 : i32
    %dma_wait3A = arith.constant 0 : i32
    %dma_wait3A_85 = arith.constant 0 : i32
    %dma_wait3A_86 = tpu.memref_slice %arg6[%dma_wait3A, %dma_wait3A_85] : memref<4x64xi32, #tpu.memory_space<vmem>> -> memref<1x64xi32, #tpu.memory_space<vmem>>
    %dma_wait3A_87 = tpu.memref_squeeze %dma_wait3A_86 : memref<1x64xi32, #tpu.memory_space<vmem>> -> memref<64xi32, #tpu.memory_space<vmem>>
    %dma_wait3A_88 = arith.constant 0 : i32
    %dma_wait3A_89 = arith.constant 0 : i32
    %dma_wait3A_90 = tpu.memref_slice %arg2[%dma_wait3A_88, %dma_wait3A_89] : memref<10240x144xf32, #tpu.memory_space<hbm>> -> memref<10240x144xf32, #tpu.memory_space<hbm>>
    tpu.wait_indirect_dma semaphore(%arg16 : memref<!tpu.dma_semaphore, #tpu.memory_space<semaphore_mem>>) src(%dma_wait3A_90 : memref<10240x144xf32, #tpu.memory_space<hbm>>) dst(%arg11 : memref<64x144xf32, #tpu.memory_space<vmem>>)
    %dma_wait3A_91 = arith.constant 1 : i32
    %dma_wait3A_92 = arith.constant 0 : i32
    %dma_wait3A_93 = tpu.memref_slice %arg6[%dma_wait3A_91, %dma_wait3A_92] : memref<4x64xi32, #tpu.memory_space<vmem>> -> memref<1x64xi32, #tpu.memory_space<vmem>>
    %dma_wait3A_94 = tpu.memref_squeeze %dma_wait3A_93 : memref<1x64xi32, #tpu.memory_space<vmem>> -> memref<64xi32, #tpu.memory_space<vmem>>
    %dma_wait3A_95 = arith.constant 0 : i32
    %dma_wait3A_96 = arith.constant 0 : i32
    %dma_wait3A_97 = tpu.memref_slice %arg2[%dma_wait3A_95, %dma_wait3A_96] : memref<10240x144xf32, #tpu.memory_space<hbm>> -> memref<10240x144xf32, #tpu.memory_space<hbm>>
    tpu.wait_indirect_dma semaphore(%arg17 : memref<!tpu.dma_semaphore, #tpu.memory_space<semaphore_mem>>) src(%dma_wait3A_97 : memref<10240x144xf32, #tpu.memory_space<hbm>>) dst(%arg12 : memref<64x144xf32, #tpu.memory_space<vmem>>)
    %dma_wait3A_98 = arith.constant 0 : i32
    %dma_wait3A_99 = arith.constant 0 : i32
    %dma_wait3A_100 = tpu.memref_slice %arg15[%dma_wait3A_98, %dma_wait3A_99] : memref<10240x144xf32, #tpu.memory_space<vmem_shared>> -> memref<10240x144xf32, #tpu.memory_space<vmem_shared>>
    tpu.wait_indirect_dma semaphore(%arg22 : memref<!tpu.dma_semaphore, #tpu.memory_space<semaphore_mem>>) src(%arg13 : memref<64x144xf32, #tpu.memory_space<vmem>>) dst(%dma_wait3A_100 : memref<10240x144xf32, #tpu.memory_space<vmem_shared>>)
    %dma_wait3A_101 = arith.constant 0 : i32
    %dma_wait3A_102 = arith.constant 0 : i32
    %dma_wait3A_103 = tpu.memref_slice %arg15[%dma_wait3A_101, %dma_wait3A_102] : memref<10240x144xf32, #tpu.memory_space<vmem_shared>> -> memref<10240x144xf32, #tpu.memory_space<vmem_shared>>
    tpu.wait_indirect_dma semaphore(%arg23 : memref<!tpu.dma_semaphore, #tpu.memory_space<semaphore_mem>>) src(%arg14 : memref<64x144xf32, #tpu.memory_space<vmem>>) dst(%dma_wait3A_103 : memref<10240x144xf32, #tpu.memory_space<vmem_shared>>)
    %barrier3A_104 = arith.constant 0 : index
    tpu.barrier barrier_id(%barrier3A_104)
    %mul3A_105 = arith.constant 10240 : i32
    %mul3A_106 = arith.muli %arg0, %mul3A_105 : i32
    %add3A_107 = arith.addi %mul3A_106, %mul3A_12 : i32
    "tpu.region"() ({
      %run_scoped3A = tpu.sem_alloc : memref<!tpu.dma_semaphore, #tpu.memory_space<semaphore_mem>>
      %dma_start3A_108 = arith.constant 0 : i32
      %dma_start3A_109 = tpu.memref_slice %arg5[%add3A_107, %dma_start3A_108] : memref<20480x144xf32, #tpu.memory_space<hbm>> -> memref<640x144xf32, #tpu.memory_space<hbm>>
      %dma_start3A_110 = arith.constant 0 : i32
      %dma_start3A_111 = tpu.memref_slice %arg15[%mul3A_12, %dma_start3A_110] : memref<10240x144xf32, #tpu.memory_space<vmem_shared>> -> memref<640x144xf32, #tpu.memory_space<vmem_shared>>
      tpu.enqueue_dma source(%dma_start3A_111 : memref<640x144xf32, #tpu.memory_space<vmem_shared>>) target(%dma_start3A_109 : memref<640x144xf32, #tpu.memory_space<hbm>>) target_semaphore(%run_scoped3A : memref<!tpu.dma_semaphore, #tpu.memory_space<semaphore_mem>>)
      %dma_wait3A_112 = arith.constant 0 : i32
      %dma_wait3A_113 = tpu.memref_slice %arg5[%add3A_107, %dma_wait3A_112] : memref<20480x144xf32, #tpu.memory_space<hbm>> -> memref<640x144xf32, #tpu.memory_space<hbm>>
      %dma_wait3A_114 = arith.constant 0 : i32
      %dma_wait3A_115 = tpu.memref_slice %arg15[%mul3A_12, %dma_wait3A_114] : memref<10240x144xf32, #tpu.memory_space<vmem_shared>> -> memref<640x144xf32, #tpu.memory_space<vmem_shared>>
      tpu.wait_dma2 semaphore(%run_scoped3A : memref<!tpu.dma_semaphore, #tpu.memory_space<semaphore_mem>>) src(%dma_wait3A_115 : memref<640x144xf32, #tpu.memory_space<vmem_shared>>) dst(%dma_wait3A_113 : memref<640x144xf32, #tpu.memory_space<hbm>>)
      tpu.yield
    }) : () -> ()
    return
  }
}

module attributes {stable_mosaic.version = 14 : i64} {
  func.func @_lstm_body(%arg0: i32, %arg1: memref<1024x128xf32, #tpu.memory_space<vmem>>, %arg2: memref<128x512xf32, #tpu.memory_space<vmem>>, %arg3: memref<1x512xf32, #tpu.memory_space<vmem>>, %arg4: memref<128x128xf32, #tpu.memory_space<vmem>>, %arg5: memref<1024x144xf32, #tpu.memory_space<vmem>>) attributes {dimension_semantics = [#tpu.dimension_semantics<arbitrary>], iteration_bounds = array<i64: 10>, scalar_prefetch = 0 : i64, scratch_operands = 0 : i64, tpu.core_type = #tpu.core_type<tc>, window_params = [{transform_indices = @transform_0, window_bounds = array<i64: 1024, 128>}, {pipeline_mode = #tpu.pipeline_mode<synchronous>, transform_indices = @transform_1, window_bounds = array<i64: 128, 512>}, {pipeline_mode = #tpu.pipeline_mode<synchronous>, transform_indices = @transform_2, window_bounds = array<i64: 1, 512>}, {pipeline_mode = #tpu.pipeline_mode<synchronous>, transform_indices = @transform_3, window_bounds = array<i64: 128, 128>}, {transform_indices = @transform_4, window_bounds = array<i64: 1024, 144>}]} {
    %get3A = arith.constant 0 : index
    %get3A_0 = arith.constant 0 : index
    %get3A_1 = vector.load %arg1[%get3A, %get3A_0] : memref<1024x128xf32, #tpu.memory_space<vmem>>, vector<1024x128xf32>
    %get3A_2 = arith.constant 0 : index
    %get3A_3 = arith.constant 0 : index
    %get3A_4 = vector.load %arg2[%get3A_2, %get3A_3] : memref<128x512xf32, #tpu.memory_space<vmem>>, vector<128x512xf32>
    %dot_general3A = arith.constant dense<0.000000e+00> : vector<1024x512xf32>
    %dot_general3A_5 = tpu.matmul %get3A_1, %get3A_4, %dot_general3A {dimension_numbers = #tpu.dot_dimension_numbers<[1], [0], [0], [1], [0, 0, 1, 1], [], []>, transpose_lhs_hint = false} : vector<1024x128xf32>, vector<128x512xf32>, vector<1024x512xf32> -> vector<1024x512xf32>
    %get3A_6 = arith.constant 0 : index
    %get3A_7 = arith.constant 0 : index
    %get3A_8 = vector.load %arg3[%get3A_6, %get3A_7] : memref<1x512xf32, #tpu.memory_space<vmem>>, vector<1x512xf32>
    %add3A = vector.broadcast %get3A_8 : vector<1x512xf32> to vector<1024x512xf32>
    %add3A_9 = arith.addf %dot_general3A_5, %add3A : vector<1024x512xf32>
    %slice3A = vector.extract_strided_slice %add3A_9 {offsets = [0, 256], sizes = [1024, 128], strides = [1, 1]} : vector<1024x512xf32> to vector<1024x128xf32>
    %slice3A_10 = vector.extract_strided_slice %add3A_9 {offsets = [0, 384], sizes = [1024, 128], strides = [1, 1]} : vector<1024x512xf32> to vector<1024x128xf32>
    %slice3A_11 = vector.extract_strided_slice %add3A_9 {offsets = [0, 0], sizes = [1024, 128], strides = [1, 1]} : vector<1024x512xf32> to vector<1024x128xf32>
    %logistic3A = arith.negf %slice3A_11 : vector<1024x128xf32>
    %logistic3A_12 = math.exp %logistic3A : vector<1024x128xf32>
    %logistic3A_13 = arith.constant 1.000000e+00 : f32
    %logistic3A_14 = vector.broadcast %logistic3A_13 : f32 to vector<1024x128xf32>
    %logistic3A_15 = arith.addf %logistic3A_14, %logistic3A_12 : vector<1024x128xf32>
    %logistic3A_16 = arith.divf %logistic3A_14, %logistic3A_15 : vector<1024x128xf32>
    %tanh3A = math.tanh %slice3A : vector<1024x128xf32>
    %mul3A = arith.mulf %logistic3A_16, %tanh3A : vector<1024x128xf32>
    %logistic3A_17 = arith.negf %slice3A_10 : vector<1024x128xf32>
    %logistic3A_18 = math.exp %logistic3A_17 : vector<1024x128xf32>
    %logistic3A_19 = arith.constant 1.000000e+00 : f32
    %logistic3A_20 = vector.broadcast %logistic3A_19 : f32 to vector<1024x128xf32>
    %logistic3A_21 = arith.addf %logistic3A_20, %logistic3A_18 : vector<1024x128xf32>
    %logistic3A_22 = arith.divf %logistic3A_20, %logistic3A_21 : vector<1024x128xf32>
    %tanh3A_23 = math.tanh %mul3A : vector<1024x128xf32>
    %mul3A_24 = arith.mulf %logistic3A_22, %tanh3A_23 : vector<1024x128xf32>
    %get3A_25 = arith.constant 0 : index
    %get3A_26 = arith.constant 0 : index
    %get3A_27 = vector.load %arg4[%get3A_25, %get3A_26] : memref<128x128xf32, #tpu.memory_space<vmem>>, vector<128x128xf32>
    %dot_general3A_28 = arith.constant dense<0.000000e+00> : vector<1024x128xf32>
    %dot_general3A_29 = tpu.matmul %mul3A_24, %get3A_27, %dot_general3A_28 {dimension_numbers = #tpu.dot_dimension_numbers<[1], [0], [0], [1], [0, 0, 1, 1], [], []>, transpose_lhs_hint = false} : vector<1024x128xf32>, vector<128x128xf32>, vector<1024x128xf32> -> vector<1024x128xf32>
    %reduce_max3A = arith.constant dense<0xFF800000> : vector<1024xf32>
    %reduce_max3A_30 = vector.multi_reduction <maximumf>, %dot_general3A_29, %reduce_max3A [1] : vector<1024x128xf32> to vector<1024xf32>
    %broadcast_in_dim3A = vector.shape_cast %reduce_max3A_30 : vector<1024xf32> to vector<1024x1xf32>
    %sub3A = vector.broadcast %broadcast_in_dim3A : vector<1024x1xf32> to vector<1024x128xf32>
    %sub3A_31 = arith.subf %dot_general3A_29, %sub3A : vector<1024x128xf32>
    %exp3A = math.exp %sub3A_31 : vector<1024x128xf32>
    %reduce_sum3A = arith.constant dense<0.000000e+00> : vector<1024xf32>
    %reduce_sum3A_32 = vector.multi_reduction <add>, %exp3A, %reduce_sum3A [1] : vector<1024x128xf32> to vector<1024xf32>
    %broadcast_in_dim3A_33 = vector.shape_cast %reduce_sum3A_32 : vector<1024xf32> to vector<1024x1xf32>
    %div3A = vector.broadcast %broadcast_in_dim3A_33 : vector<1024x1xf32> to vector<1024x128xf32>
    %div3A_34 = arith.divf %exp3A, %div3A : vector<1024x128xf32>
    %mul3A_35 = arith.mulf %div3A_34, %mul3A_24 : vector<1024x128xf32>
    %broadcast_in_dim3A_36 = arith.constant 1.000000e+00 : f32
    %broadcast_in_dim3A_37 = vector.broadcast %broadcast_in_dim3A_36 : f32 to vector<1024x16xf32>
    %concatenate3A = tpu.concatenate %mul3A_35, %broadcast_in_dim3A_37 in 1 : vector<1024x128xf32>, vector<1024x16xf32> -> vector<1024x144xf32>
    %swap3A = arith.constant 0 : index
    %swap3A_38 = arith.constant 0 : index
    %swap3A_39 = vector.load %arg5[%swap3A, %swap3A_38] : memref<1024x144xf32, #tpu.memory_space<vmem>>, vector<1024x144xf32>
    tpu.vector_store %arg5[%swap3A, %swap3A_38], %concatenate3A {strides = array<i32>} : memref<1024x144xf32, #tpu.memory_space<vmem>>, vector<1024x144xf32>,
    return
  }
  func.func @transform_0(%arg0: i32) -> (i32, i32) {
    %c0_i32 = arith.constant 0 : i32
    %c0_i32_0 = arith.constant 0 : i32
    return %arg0, %c0_i32 : i32, i32
  }
  func.func @transform_1(%arg0: i32) -> (i32, i32) {
    %c0_i32 = arith.constant 0 : i32
    %c0_i32_0 = arith.constant 0 : i32
    %c0_i32_1 = arith.constant 0 : i32
    return %c0_i32, %c0_i32_0 : i32, i32
  }
  func.func @transform_2(%arg0: i32) -> (i32, i32) {
    %c0_i32 = arith.constant 0 : i32
    %c0_i32_0 = arith.constant 0 : i32
    %c0_i32_1 = arith.constant 0 : i32
    return %c0_i32, %c0_i32_0 : i32, i32
  }
  func.func @transform_3(%arg0: i32) -> (i32, i32) {
    %c0_i32 = arith.constant 0 : i32
    %c0_i32_0 = arith.constant 0 : i32
    %c0_i32_1 = arith.constant 0 : i32
    return %c0_i32, %c0_i32_0 : i32, i32
  }
  func.func @transform_4(%arg0: i32) -> (i32, i32) {
    %c0_i32 = arith.constant 0 : i32
    %c0_i32_0 = arith.constant 0 : i32
    return %arg0, %c0_i32 : i32, i32
  }
}

module attributes {stable_mosaic.version = 14 : i64} {
  func.func @_sage_body(%arg0: i32, %arg1: memref<1024x144xf32, #tpu.memory_space<vmem>>, %arg2: memref<1024x144xf32, #tpu.memory_space<vmem>>, %arg3: memref<1024x144xf32, #tpu.memory_space<vmem>>, %arg4: memref<128x128xf32, #tpu.memory_space<vmem>>, %arg5: memref<1x128xf32, #tpu.memory_space<vmem>>, %arg6: memref<128x128xf32, #tpu.memory_space<vmem>>, %arg7: memref<1024x128xf32, #tpu.memory_space<vmem>>) attributes {dimension_semantics = [#tpu.dimension_semantics<arbitrary>], iteration_bounds = array<i64: 10>, scalar_prefetch = 0 : i64, scratch_operands = 0 : i64, tpu.core_type = #tpu.core_type<tc>, window_params = [{transform_indices = @transform_0, window_bounds = array<i64: 1024, 144>}, {transform_indices = @transform_1, window_bounds = array<i64: 1024, 144>}, {transform_indices = @transform_2, window_bounds = array<i64: 1024, 144>}, {pipeline_mode = #tpu.pipeline_mode<synchronous>, transform_indices = @transform_3, window_bounds = array<i64: 128, 128>}, {pipeline_mode = #tpu.pipeline_mode<synchronous>, transform_indices = @transform_4, window_bounds = array<i64: 1, 128>}, {pipeline_mode = #tpu.pipeline_mode<synchronous>, transform_indices = @transform_5, window_bounds = array<i64: 128, 128>}, {transform_indices = @transform_6, window_bounds = array<i64: 1024, 128>}]} {
    %get3A = arith.constant 0 : index
    %get3A_0 = arith.constant 0 : index
    %get3A_1 = vector.load %arg1[%get3A, %get3A_0] : memref<1024x144xf32, #tpu.memory_space<vmem>>, vector<1024x144xf32>
    %get3A_2 = arith.constant 0 : index
    %get3A_3 = arith.constant 0 : index
    %get3A_4 = vector.load %arg2[%get3A_2, %get3A_3] : memref<1024x144xf32, #tpu.memory_space<vmem>>, vector<1024x144xf32>
    %get3A_5 = arith.constant 0 : index
    %get3A_6 = arith.constant 0 : index
    %get3A_7 = vector.load %arg3[%get3A_5, %get3A_6] : memref<1024x144xf32, #tpu.memory_space<vmem>>, vector<1024x128xf32>
    %slice3A = vector.extract_strided_slice %get3A_1 {offsets = [0, 0], sizes = [1024, 128], strides = [1, 1]} : vector<1024x144xf32> to vector<1024x128xf32>
    %slice3A_8 = vector.extract_strided_slice %get3A_4 {offsets = [0, 0], sizes = [1024, 128], strides = [1, 1]} : vector<1024x144xf32> to vector<1024x128xf32>
    %add3A = arith.addf %slice3A, %slice3A_8 : vector<1024x128xf32>
    %add3A_9 = arith.addf %add3A, %get3A_7 : vector<1024x128xf32>
    %slice3A_10 = vector.extract_strided_slice %get3A_1 {offsets = [0, 128], sizes = [1024, 1], strides = [1, 1]} : vector<1024x144xf32> to vector<1024x1xf32>
    %slice3A_11 = vector.extract_strided_slice %get3A_4 {offsets = [0, 128], sizes = [1024, 1], strides = [1, 1]} : vector<1024x144xf32> to vector<1024x1xf32>
    %add3A_12 = arith.addf %slice3A_10, %slice3A_11 : vector<1024x1xf32>
    %add3A_13 = arith.constant 1.000000e+00 : f32
    %add3A_14 = vector.broadcast %add3A_13 : f32 to vector<1024x1xf32>
    %add3A_15 = arith.addf %add3A_12, %add3A_14 : vector<1024x1xf32>
    %div3A = vector.broadcast %add3A_15 : vector<1024x1xf32> to vector<1024x128xf32>
    %div3A_16 = arith.divf %add3A_9, %div3A : vector<1024x128xf32>
    %get3A_17 = arith.constant 0 : index
    %get3A_18 = arith.constant 0 : index
    %get3A_19 = vector.load %arg4[%get3A_17, %get3A_18] : memref<128x128xf32, #tpu.memory_space<vmem>>, vector<128x128xf32>
    %dot_general3A = arith.constant dense<0.000000e+00> : vector<1024x128xf32>
    %dot_general3A_20 = tpu.matmul %div3A_16, %get3A_19, %dot_general3A {dimension_numbers = #tpu.dot_dimension_numbers<[1], [0], [0], [1], [0, 0, 1, 1], [], []>, transpose_lhs_hint = false} : vector<1024x128xf32>, vector<128x128xf32>, vector<1024x128xf32> -> vector<1024x128xf32>
    %get3A_21 = arith.constant 0 : index
    %get3A_22 = arith.constant 0 : index
    %get3A_23 = vector.load %arg5[%get3A_21, %get3A_22] : memref<1x128xf32, #tpu.memory_space<vmem>>, vector<1x128xf32>
    %add3A_24 = vector.broadcast %get3A_23 : vector<1x128xf32> to vector<1024x128xf32>
    %add3A_25 = arith.addf %dot_general3A_20, %add3A_24 : vector<1024x128xf32>
    %get3A_26 = arith.constant 0 : index
    %get3A_27 = arith.constant 0 : index
    %get3A_28 = vector.load %arg6[%get3A_26, %get3A_27] : memref<128x128xf32, #tpu.memory_space<vmem>>, vector<128x128xf32>
    %dot_general3A_29 = arith.constant dense<0.000000e+00> : vector<1024x128xf32>
    %dot_general3A_30 = tpu.matmul %get3A_7, %get3A_28, %dot_general3A_29 {dimension_numbers = #tpu.dot_dimension_numbers<[1], [0], [0], [1], [0, 0, 1, 1], [], []>, transpose_lhs_hint = false} : vector<1024x128xf32>, vector<128x128xf32>, vector<1024x128xf32> -> vector<1024x128xf32>
    %add3A_31 = arith.addf %add3A_25, %dot_general3A_30 : vector<1024x128xf32>
    %max3A = arith.constant 0.000000e+00 : f32
    %max3A_32 = vector.broadcast %max3A : f32 to vector<1024x128xf32>
    %max3A_33 = arith.maximumf %add3A_31, %max3A_32 : vector<1024x128xf32>
    %swap3A = arith.constant 0 : index
    %swap3A_34 = arith.constant 0 : index
    %swap3A_35 = vector.load %arg7[%swap3A, %swap3A_34] : memref<1024x128xf32, #tpu.memory_space<vmem>>, vector<1024x128xf32>
    tpu.vector_store %arg7[%swap3A, %swap3A_34], %max3A_33 {strides = array<i32>} : memref<1024x128xf32, #tpu.memory_space<vmem>>, vector<1024x128xf32>,
    return
  }
  func.func @transform_0(%arg0: i32) -> (i32, i32) {
    %add3A = arith.constant 0 : i32
    %add3A_0 = arith.addi %arg0, %add3A : i32
    %c0_i32 = arith.constant 0 : i32
    %c0_i32_1 = arith.constant 0 : i32
    return %add3A_0, %c0_i32 : i32, i32
  }
  func.func @transform_1(%arg0: i32) -> (i32, i32) {
    %add3A = arith.constant 10 : i32
    %add3A_0 = arith.addi %arg0, %add3A : i32
    %c0_i32 = arith.constant 0 : i32
    %c0_i32_1 = arith.constant 0 : i32
    return %add3A_0, %c0_i32 : i32, i32
  }
  func.func @transform_2(%arg0: i32) -> (i32, i32) {
    %c0_i32 = arith.constant 0 : i32
    %c0_i32_0 = arith.constant 0 : i32
    return %arg0, %c0_i32 : i32, i32
  }
  func.func @transform_3(%arg0: i32) -> (i32, i32) {
    %c0_i32 = arith.constant 0 : i32
    %c0_i32_0 = arith.constant 0 : i32
    %c0_i32_1 = arith.constant 0 : i32
    return %c0_i32, %c0_i32_0 : i32, i32
  }
  func.func @transform_4(%arg0: i32) -> (i32, i32) {
    %c0_i32 = arith.constant 0 : i32
    %c0_i32_0 = arith.constant 0 : i32
    %c0_i32_1 = arith.constant 0 : i32
    return %c0_i32, %c0_i32_0 : i32, i32
  }
  func.func @transform_5(%arg0: i32) -> (i32, i32) {
    %c0_i32 = arith.constant 0 : i32
    %c0_i32_0 = arith.constant 0 : i32
    %c0_i32_1 = arith.constant 0 : i32
    return %c0_i32, %c0_i32_0 : i32, i32
  }
  func.func @transform_6(%arg0: i32) -> (i32, i32) {
    %c0_i32 = arith.constant 0 : i32
    %c0_i32_0 = arith.constant 0 : i32
    return %arg0, %c0_i32 : i32, i32
  }
}

module attributes {stable_mosaic.version = 14 : i64} {
  func.func @_final_body(%arg0: i32, %arg1: memref<1024x144xf32, #tpu.memory_space<vmem>>, %arg2: memref<1024x128xf32, #tpu.memory_space<vmem>>, %arg3: memref<1024x128xf32, #tpu.memory_space<vmem>>, %arg4: memref<1024x128xf32, #tpu.memory_space<vmem>>, %arg5: memref<1024x144xf32, #tpu.memory_space<vmem>>, %arg6: memref<1024x144xf32, #tpu.memory_space<vmem>>, %arg7: memref<128x128xf32, #tpu.memory_space<vmem>>, %arg8: memref<1x128xf32, #tpu.memory_space<vmem>>, %arg9: memref<128x128xf32, #tpu.memory_space<vmem>>, %arg10: memref<384x1xf32, #tpu.memory_space<vmem>>, %arg11: memref<1x384xf32, #tpu.memory_space<vmem>>, %arg12: memref<384x1xf32, #tpu.memory_space<vmem>>, %arg13: memref<1x384xf32, #tpu.memory_space<vmem>>, %arg14: memref<384x128xf32, #tpu.memory_space<vmem>>, %arg15: memref<1x128xf32, #tpu.memory_space<vmem>>, %arg16: memref<512x1xf32, #tpu.memory_space<vmem>>, %arg17: memref<1x1xf32, #tpu.memory_space<vmem>>, %arg18: memref<1024x1xf32, #tpu.memory_space<vmem>>) attributes {dimension_semantics = [#tpu.dimension_semantics<arbitrary>], iteration_bounds = array<i64: 10>, scalar_prefetch = 0 : i64, scratch_operands = 0 : i64, tpu.core_type = #tpu.core_type<tc>, window_params = [{transform_indices = @transform_0, window_bounds = array<i64: 1024, 144>}, {transform_indices = @transform_1, window_bounds = array<i64: 1024, 128>}, {transform_indices = @transform_2, window_bounds = array<i64: 1024, 128>}, {transform_indices = @transform_3, window_bounds = array<i64: 1024, 128>}, {transform_indices = @transform_4, window_bounds = array<i64: 1024, 144>}, {transform_indices = @transform_5, window_bounds = array<i64: 1024, 144>}, {pipeline_mode = #tpu.pipeline_mode<synchronous>, transform_indices = @transform_6, window_bounds = array<i64: 128, 128>}, {pipeline_mode = #tpu.pipeline_mode<synchronous>, transform_indices = @transform_7, window_bounds = array<i64: 1, 128>}, {pipeline_mode = #tpu.pipeline_mode<synchronous>, transform_indices = @transform_8, window_bounds = array<i64: 128, 128>}, {pipeline_mode = #tpu.pipeline_mode<synchronous>, transform_indices = @transform_9, window_bounds = array<i64: 384, 1>}, {pipeline_mode = #tpu.pipeline_mode<synchronous>, transform_indices = @transform_10, window_bounds = array<i64: 1, 384>}, {pipeline_mode = #tpu.pipeline_mode<synchronous>, transform_indices = @transform_11, window_bounds = array<i64: 384, 1>}, {pipeline_mode = #tpu.pipeline_mode<synchronous>, transform_indices = @transform_12, window_bounds = array<i64: 1, 384>}, {pipeline_mode = #tpu.pipeline_mode<synchronous>, transform_indices = @transform_13, window_bounds = array<i64: 384, 128>}, {pipeline_mode = #tpu.pipeline_mode<synchronous>, transform_indices = @transform_14, window_bounds = array<i64: 1, 128>}, {pipeline_mode = #tpu.pipeline_mode<synchronous>, transform_indices = @transform_15, window_bounds = array<i64: 512, 1>}, {pipeline_mode = #tpu.pipeline_mode<synchronous>, transform_indices = @transform_16, window_bounds = array<i64: 1, 1>}, {transform_indices = @transform_17, window_bounds = array<i64: 1024, 1>}]} {
    %get3A = arith.constant 0 : index
    %get3A_0 = arith.constant 0 : index
    %get3A_1 = vector.load %arg2[%get3A, %get3A_0] : memref<1024x128xf32, #tpu.memory_space<vmem>>, vector<1024x128xf32>
    %get3A_2 = arith.constant 0 : index
    %get3A_3 = arith.constant 0 : index
    %get3A_4 = vector.load %arg3[%get3A_2, %get3A_3] : memref<1024x128xf32, #tpu.memory_space<vmem>>, vector<1024x128xf32>
    %get3A_5 = arith.constant 0 : index
    %get3A_6 = arith.constant 0 : index
    %get3A_7 = vector.load %arg4[%get3A_5, %get3A_6] : memref<1024x128xf32, #tpu.memory_space<vmem>>, vector<1024x128xf32>
    %add3A = arith.addf %get3A_4, %get3A_7 : vector<1024x128xf32>
    %add3A_8 = arith.addf %add3A, %get3A_1 : vector<1024x128xf32>
    %get3A_9 = arith.constant 0 : index
    %get3A_10 = arith.constant 128 : index
    %get3A_11 = vector.load %arg5[%get3A_9, %get3A_10] : memref<1024x144xf32, #tpu.memory_space<vmem>>, vector<1024x1xf32>
    %get3A_12 = arith.constant 0 : index
    %get3A_13 = arith.constant 128 : index
    %get3A_14 = vector.load %arg6[%get3A_12, %get3A_13] : memref<1024x144xf32, #tpu.memory_space<vmem>>, vector<1024x1xf32>
    %add3A_15 = arith.addf %get3A_11, %get3A_14 : vector<1024x1xf32>
    %add3A_16 = arith.constant 1.000000e+00 : f32
    %add3A_17 = vector.broadcast %add3A_16 : f32 to vector<1024x1xf32>
    %add3A_18 = arith.addf %add3A_15, %add3A_17 : vector<1024x1xf32>
    %div3A = vector.broadcast %add3A_18 : vector<1024x1xf32> to vector<1024x128xf32>
    %div3A_19 = arith.divf %add3A_8, %div3A : vector<1024x128xf32>
    %get3A_20 = arith.constant 0 : index
    %get3A_21 = arith.constant 0 : index
    %get3A_22 = vector.load %arg7[%get3A_20, %get3A_21] : memref<128x128xf32, #tpu.memory_space<vmem>>, vector<128x128xf32>
    %dot_general3A = arith.constant dense<0.000000e+00> : vector<1024x128xf32>
    %dot_general3A_23 = tpu.matmul %div3A_19, %get3A_22, %dot_general3A {dimension_numbers = #tpu.dot_dimension_numbers<[1], [0], [0], [1], [0, 0, 1, 1], [], []>, transpose_lhs_hint = false} : vector<1024x128xf32>, vector<128x128xf32>, vector<1024x128xf32> -> vector<1024x128xf32>
    %get3A_24 = arith.constant 0 : index
    %get3A_25 = arith.constant 0 : index
    %get3A_26 = vector.load %arg8[%get3A_24, %get3A_25] : memref<1x128xf32, #tpu.memory_space<vmem>>, vector<1x128xf32>
    %add3A_27 = vector.broadcast %get3A_26 : vector<1x128xf32> to vector<1024x128xf32>
    %add3A_28 = arith.addf %dot_general3A_23, %add3A_27 : vector<1024x128xf32>
    %get3A_29 = arith.constant 0 : index
    %get3A_30 = arith.constant 0 : index
    %get3A_31 = vector.load %arg9[%get3A_29, %get3A_30] : memref<128x128xf32, #tpu.memory_space<vmem>>, vector<128x128xf32>
    %dot_general3A_32 = arith.constant dense<0.000000e+00> : vector<1024x128xf32>
    %dot_general3A_33 = tpu.matmul %get3A_1, %get3A_31, %dot_general3A_32 {dimension_numbers = #tpu.dot_dimension_numbers<[1], [0], [0], [1], [0, 0, 1, 1], [], []>, transpose_lhs_hint = false} : vector<1024x128xf32>, vector<128x128xf32>, vector<1024x128xf32> -> vector<1024x128xf32>
    %add3A_34 = arith.addf %add3A_28, %dot_general3A_33 : vector<1024x128xf32>
    %max3A = arith.constant 0.000000e+00 : f32
    %max3A_35 = vector.broadcast %max3A : f32 to vector<1024x128xf32>
    %max3A_36 = arith.maximumf %add3A_34, %max3A_35 : vector<1024x128xf32>
    %get3A_37 = arith.constant 0 : index
    %get3A_38 = arith.constant 0 : index
    %get3A_39 = vector.load %arg1[%get3A_37, %get3A_38] : memref<1024x144xf32, #tpu.memory_space<vmem>>, vector<1024x128xf32>
    %concatenate3A = tpu.concatenate %get3A_39, %get3A_1, %max3A_36 in 1 : vector<1024x128xf32>, vector<1024x128xf32>, vector<1024x128xf32> -> vector<1024x384xf32>
    %get3A_40 = arith.constant 0 : index
    %get3A_41 = arith.constant 0 : index
    %get3A_42 = vector.load %arg10[%get3A_40, %get3A_41] : memref<384x1xf32, #tpu.memory_space<vmem>>, vector<384x1xf32>
    %dot_general3A_43 = arith.constant dense<0.000000e+00> : vector<1024x1xf32>
    %dot_general3A_44 = tpu.matmul %concatenate3A, %get3A_42, %dot_general3A_43 {dimension_numbers = #tpu.dot_dimension_numbers<[1], [0], [0], [1], [0, 0, 1, 1], [], []>, transpose_lhs_hint = false} : vector<1024x384xf32>, vector<384x1xf32>, vector<1024x1xf32> -> vector<1024x1xf32>
    %mul3A = vector.broadcast %dot_general3A_44 : vector<1024x1xf32> to vector<1024x384xf32>
    %mul3A_45 = arith.mulf %concatenate3A, %mul3A : vector<1024x384xf32>
    %get3A_46 = arith.constant 0 : index
    %get3A_47 = arith.constant 0 : index
    %get3A_48 = vector.load %arg11[%get3A_46, %get3A_47] : memref<1x384xf32, #tpu.memory_space<vmem>>, vector<1x384xf32>
    %add3A_49 = vector.broadcast %get3A_48 : vector<1x384xf32> to vector<1024x384xf32>
    %add3A_50 = arith.addf %mul3A_45, %add3A_49 : vector<1024x384xf32>
    %add3A_51 = arith.addf %add3A_50, %concatenate3A : vector<1024x384xf32>
    %get3A_52 = arith.constant 0 : index
    %get3A_53 = arith.constant 0 : index
    %get3A_54 = vector.load %arg12[%get3A_52, %get3A_53] : memref<384x1xf32, #tpu.memory_space<vmem>>, vector<384x1xf32>
    %dot_general3A_55 = arith.constant dense<0.000000e+00> : vector<1024x1xf32>
    %dot_general3A_56 = tpu.matmul %add3A_51, %get3A_54, %dot_general3A_55 {dimension_numbers = #tpu.dot_dimension_numbers<[1], [0], [0], [1], [0, 0, 1, 1], [], []>, transpose_lhs_hint = false} : vector<1024x384xf32>, vector<384x1xf32>, vector<1024x1xf32> -> vector<1024x1xf32>
    %mul3A_57 = vector.broadcast %dot_general3A_56 : vector<1024x1xf32> to vector<1024x384xf32>
    %mul3A_58 = arith.mulf %concatenate3A, %mul3A_57 : vector<1024x384xf32>
    %get3A_59 = arith.constant 0 : index
    %get3A_60 = arith.constant 0 : index
    %get3A_61 = vector.load %arg13[%get3A_59, %get3A_60] : memref<1x384xf32, #tpu.memory_space<vmem>>, vector<1x384xf32>
    %add3A_62 = vector.broadcast %get3A_61 : vector<1x384xf32> to vector<1024x384xf32>
    %add3A_63 = arith.addf %mul3A_58, %add3A_62 : vector<1024x384xf32>
    %add3A_64 = arith.addf %add3A_63, %add3A_51 : vector<1024x384xf32>
    %get3A_65 = arith.constant 0 : index
    %get3A_66 = arith.constant 0 : index
    %get3A_67 = vector.load %arg14[%get3A_65, %get3A_66] : memref<384x128xf32, #tpu.memory_space<vmem>>, vector<384x128xf32>
    %dot_general3A_68 = arith.constant dense<0.000000e+00> : vector<1024x128xf32>
    %dot_general3A_69 = tpu.matmul %concatenate3A, %get3A_67, %dot_general3A_68 {dimension_numbers = #tpu.dot_dimension_numbers<[1], [0], [0], [1], [0, 0, 1, 1], [], []>, transpose_lhs_hint = false} : vector<1024x384xf32>, vector<384x128xf32>, vector<1024x128xf32> -> vector<1024x128xf32>
    %get3A_70 = arith.constant 0 : index
    %get3A_71 = arith.constant 0 : index
    %get3A_72 = vector.load %arg15[%get3A_70, %get3A_71] : memref<1x128xf32, #tpu.memory_space<vmem>>, vector<1x128xf32>
    %add3A_73 = vector.broadcast %get3A_72 : vector<1x128xf32> to vector<1024x128xf32>
    %add3A_74 = arith.addf %dot_general3A_69, %add3A_73 : vector<1024x128xf32>
    %max3A_75 = arith.constant 0.000000e+00 : f32
    %max3A_76 = vector.broadcast %max3A_75 : f32 to vector<1024x128xf32>
    %max3A_77 = arith.maximumf %add3A_74, %max3A_76 : vector<1024x128xf32>
    %concatenate3A_78 = tpu.concatenate %add3A_64, %max3A_77 in 1 : vector<1024x384xf32>, vector<1024x128xf32> -> vector<1024x512xf32>
    %get3A_79 = arith.constant 0 : index
    %get3A_80 = arith.constant 0 : index
    %get3A_81 = vector.load %arg16[%get3A_79, %get3A_80] : memref<512x1xf32, #tpu.memory_space<vmem>>, vector<512x1xf32>
    %dot_general3A_82 = arith.constant dense<0.000000e+00> : vector<1024x1xf32>
    %dot_general3A_83 = tpu.matmul %concatenate3A_78, %get3A_81, %dot_general3A_82 {dimension_numbers = #tpu.dot_dimension_numbers<[1], [0], [0], [1], [0, 0, 1, 1], [], []>, transpose_lhs_hint = false} : vector<1024x512xf32>, vector<512x1xf32>, vector<1024x1xf32> -> vector<1024x1xf32>
    %get3A_84 = arith.constant 0 : index
    %get3A_85 = arith.constant 0 : index
    %get3A_86 = vector.load %arg17[%get3A_84, %get3A_85] : memref<1x1xf32, #tpu.memory_space<vmem>>, vector<1x1xf32>
    %add3A_87 = vector.broadcast %get3A_86 : vector<1x1xf32> to vector<1024x1xf32>
    %add3A_88 = arith.addf %dot_general3A_83, %add3A_87 : vector<1024x1xf32>
    %swap3A = arith.constant 0 : index
    %swap3A_89 = arith.constant 0 : index
    %swap3A_90 = vector.load %arg18[%swap3A, %swap3A_89] : memref<1024x1xf32, #tpu.memory_space<vmem>>, vector<1024x1xf32>
    tpu.vector_store %arg18[%swap3A, %swap3A_89], %add3A_88 {strides = array<i32>} : memref<1024x1xf32, #tpu.memory_space<vmem>>, vector<1024x1xf32>,
    return
  }
  func.func @transform_0(%arg0: i32) -> (i32, i32) {
    %c0_i32 = arith.constant 0 : i32
    %c0_i32_0 = arith.constant 0 : i32
    return %arg0, %c0_i32 : i32, i32
  }
  func.func @transform_1(%arg0: i32) -> (i32, i32) {
    %c0_i32 = arith.constant 0 : i32
    %c0_i32_0 = arith.constant 0 : i32
    return %arg0, %c0_i32 : i32, i32
  }
  func.func @transform_2(%arg0: i32) -> (i32, i32) {
    %add3A = arith.constant 0 : i32
    %add3A_0 = arith.addi %arg0, %add3A : i32
    %c0_i32 = arith.constant 0 : i32
    %c0_i32_1 = arith.constant 0 : i32
    return %add3A_0, %c0_i32 : i32, i32
  }
  func.func @transform_3(%arg0: i32) -> (i32, i32) {
    %add3A = arith.constant 10 : i32
    %add3A_0 = arith.addi %arg0, %add3A : i32
    %c0_i32 = arith.constant 0 : i32
    %c0_i32_1 = arith.constant 0 : i32
    return %add3A_0, %c0_i32 : i32, i32
  }
  func.func @transform_4(%arg0: i32) -> (i32, i32) {
    %add3A = arith.constant 0 : i32
    %add3A_0 = arith.addi %arg0, %add3A : i32
    %c0_i32 = arith.constant 0 : i32
    %c0_i32_1 = arith.constant 0 : i32
    return %add3A_0, %c0_i32 : i32, i32
  }
  func.func @transform_5(%arg0: i32) -> (i32, i32) {
    %add3A = arith.constant 10 : i32
    %add3A_0 = arith.addi %arg0, %add3A : i32
    %c0_i32 = arith.constant 0 : i32
    %c0_i32_1 = arith.constant 0 : i32
    return %add3A_0, %c0_i32 : i32, i32
  }
  func.func @transform_6(%arg0: i32) -> (i32, i32) {
    %c0_i32 = arith.constant 0 : i32
    %c0_i32_0 = arith.constant 0 : i32
    %c0_i32_1 = arith.constant 0 : i32
    return %c0_i32, %c0_i32_0 : i32, i32
  }
  func.func @transform_7(%arg0: i32) -> (i32, i32) {
    %c0_i32 = arith.constant 0 : i32
    %c0_i32_0 = arith.constant 0 : i32
    %c0_i32_1 = arith.constant 0 : i32
    return %c0_i32, %c0_i32_0 : i32, i32
  }
  func.func @transform_8(%arg0: i32) -> (i32, i32) {
    %c0_i32 = arith.constant 0 : i32
    %c0_i32_0 = arith.constant 0 : i32
    %c0_i32_1 = arith.constant 0 : i32
    return %c0_i32, %c0_i32_0 : i32, i32
  }
  func.func @transform_9(%arg0: i32) -> (i32, i32) {
    %c0_i32 = arith.constant 0 : i32
    %c0_i32_0 = arith.constant 0 : i32
    %c0_i32_1 = arith.constant 0 : i32
    return %c0_i32, %c0_i32_0 : i32, i32
  }
  func.func @transform_10(%arg0: i32) -> (i32, i32) {
    %c0_i32 = arith.constant 0 : i32
    %c0_i32_0 = arith.constant 0 : i32
    %c0_i32_1 = arith.constant 0 : i32
    return %c0_i32, %c0_i32_0 : i32, i32
  }
  func.func @transform_11(%arg0: i32) -> (i32, i32) {
    %c0_i32 = arith.constant 0 : i32
    %c0_i32_0 = arith.constant 0 : i32
    %c0_i32_1 = arith.constant 0 : i32
    return %c0_i32, %c0_i32_0 : i32, i32
  }
  func.func @transform_12(%arg0: i32) -> (i32, i32) {
    %c0_i32 = arith.constant 0 : i32
    %c0_i32_0 = arith.constant 0 : i32
    %c0_i32_1 = arith.constant 0 : i32
    return %c0_i32, %c0_i32_0 : i32, i32
  }
  func.func @transform_13(%arg0: i32) -> (i32, i32) {
    %c0_i32 = arith.constant 0 : i32
    %c0_i32_0 = arith.constant 0 : i32
    %c0_i32_1 = arith.constant 0 : i32
    return %c0_i32, %c0_i32_0 : i32, i32
  }
  func.func @transform_14(%arg0: i32) -> (i32, i32) {
    %c0_i32 = arith.constant 0 : i32
    %c0_i32_0 = arith.constant 0 : i32
    %c0_i32_1 = arith.constant 0 : i32
    return %c0_i32, %c0_i32_0 : i32, i32
  }
  func.func @transform_15(%arg0: i32) -> (i32, i32) {
    %c0_i32 = arith.constant 0 : i32
    %c0_i32_0 = arith.constant 0 : i32
    %c0_i32_1 = arith.constant 0 : i32
    return %c0_i32, %c0_i32_0 : i32, i32
  }
  func.func @transform_16(%arg0: i32) -> (i32, i32) {
    %c0_i32 = arith.constant 0 : i32
    %c0_i32_0 = arith.constant 0 : i32
    %c0_i32_1 = arith.constant 0 : i32
    return %c0_i32, %c0_i32_0 : i32, i32
  }
  func.func @transform_17(%arg0: i32) -> (i32, i32) {
    %c0_i32 = arith.constant 0 : i32
    %c0_i32_0 = arith.constant 0 : i32
    return %arg0, %c0_i32 : i32, i32
  }
}

</mosaic_0001>

<sc_bundles>
// kernel: kernel.10.cloned.1.call-start
scs
__scs_entry_jumppad:
0x0: {  	(pc) =	sbr.rel $0x88, $3  }
0x1: {  	(tag) =	ssettag $0x0;
	lr =	simm.s32 $0x1  }
0x2: {  	[smem:$0x3F8E] =	sst lr;
	_ =	strace $0xD0000000  }
0x3: {  	_ = 	snop  }
0x4: {  	_ = 	snop  }
0x5: {  	_ = 	snop  }
0x6: {  	_ = 	snop  }
0x7: {  	_ = 	snop  }
__scs_overlays_trampoline_lowered:
0x8: {  	[smem:$0x3F9D] =	sst s0  }
0x9: {  	[smem:$0x3F9E] =	sst s1  }
0xa: {  	[smem:$0x3F9F] =	sst s2  }
0xb: {  	[smem:$0x3FA0] =	sst s3  }
0xc: {  	[smem:$0x3FA1] =	sst s4  }
0xd: {  	[smem:$0x3FA2] =	sst s5  }
0xe: {  	[smem:$0x3FA3] =	sst s6  }
0xf: {  	[smem:$0x3FA4] =	sst s7  }
0x10: {  	[smem:$0x3FA5] =	sst s8  }
0x11: {  	[smem:$0x3FA6] =	sst s9;
	s0 =	simm.s32 @!p0 $0x0  }
0x12: {  	s1 =	sld [smem:$0x3F8C];
	s0 =	simm.s32 @p0 $0x1  }
0x13: {  	[smem:$0x3FA7] =	sst s0;
	s0 =	simm.s32 @!p1 $0x0  }
0x14: {  	s2 =	sld [smem:$0x3F8B];
	s0 =	simm.s32 @p1 $0x1  }
0x15: {  	[smem:$0x3FA8] =	sst s0;
	s0 =	simm.s32 @!p2 $0x0  }
0x16: {  	s3 =	sld [smem:$0x3FDB];
	s0 =	simm.s32 @p2 $0x1  }
0x17: {  	s4 =	simm.s32 $0x1BF5;
	[smem:$0x3FAA] =	sst s0  }
0x18: {  	s0 =	sld [smem:$0x3F8D];
	_ =	swait.ge [sflag:s4], $0x0  }
0x19: {  	s7 =	sld [smem:$0x3F8E]  }
0x1a: {  	s8 =	sadd.s32 $0xFFFFE003, lr  }
0x1b: {  	s9 =	sadd.s32 $0xFFFFFEF7, lr;
	s5 =	simm.s32 $0xFFFFFFFF;
	p2 =	slt.u32 s8, $0xFFFFF086  }
0x1c: {  	p1 =	slt.u32 s9, $0xF7A;
	s5 =	simm.s32 @!p2 $0x0  }
0x1d: {  	s5 =	simm.s32 @p1 $0x1;
	p0 =	seq.s32 s7, s2  }
0x1e: {  	s7 =	smul.u32 @!p0 $0xF7A, s2;
	p2 =	seq.s32 @!p0 s5, $0x0  }
0x1f: {  	s9 =	smul.u32 $0xF7A, s1;
	s8 =	simm.s32 @!p0 $0x1BF5;
	p2 =	por !p2, p0  }
0x20: {  	[sflag:s8] =	ssyncset.s32 @!p0 $0xFFFFF086;
	s6 =	sadd.s32 @!p0 s3, s7;
	s7 =	simm.s32 @!p0 $0x108  }
0x21: {  	s3 =	sadd.s32 s3, s9;
	s6 =	sadd.s32 @!p0 $0x88, s6;
	s7 =	simm.s32 @p2 $0x1082  }
0x22: {  	[simem:s7], [sflag:s8] =	dma.local @!p0 [hbm:s6], $0xF7A  }
0x23: {  	s9 =	sor.u32 $0xD0000000, s2;
	s6 =	simm.s32 $0x108;
	_ =	swait.ge @!p0 [sflag:s8], $0x0  }
0x24: {  	s3 =	sadd.s32 $0x88, s3;
	s6 =	simm.s32 @!p1 $0x1082;
	[sflag:s4] =	ssyncset.s32 $0xFFFFF086  }
0x25: {  	[simem:s6], [sflag:s4] =	dma.local [hbm:s3], $0xF7A  }
0x26: {  	[smem:$0x3F8E] =	sst s1;
	(tag) =	ssettag s2;
	_ =	strace s9  }
0x27: {  	s1 =	sld [smem:$0x3F9E]  }
0x28: {  	s2 =	sld [smem:$0x3F9F]  }
0x29: {  	s4 =	sld [smem:$0x3FA1]  }
0x2a: {  	p0 =	seq.s32 s5, $0x0;
	s5 =	sld [smem:$0x3FA2]  }
0x2b: {  	s6 =	sld [smem:$0x3FA3]  }
0x2c: {  	s7 =	sld [smem:$0x3FA4]  }
0x2d: {  	s3 =	simm.s32 $0x108;
	s8 =	sld [smem:$0x3FA5]  }
0x2e: {  	s3 =	simm.s32 @!p0 $0x1082;
	s9 =	sld [smem:$0x3FA6]  }
0x2f: {  	lr =	sadd.s32 s0, s3;
	s0 =	sld [smem:$0x3F9D]  }
0x30: {  	s3 =	sld [smem:$0x3FA0]  }
0x31: {  	[smem:$0x3FA9] =	sst s10  }
0x32: {  	s10 =	sld [smem:$0x3FA7];
	_ =	sdelay $0x3  }
0x33: {  	p0 =	seq.s32 s10, $0x1;
	s10 =	sld [smem:$0x3FA9];
	_ =	sdelay $0x3  }
0x34: {  	[smem:$0x3FA9] =	sst s10  }
0x35: {  	s10 =	sld [smem:$0x3FA8];
	_ =	sdelay $0x3  }
0x36: {  	p1 =	seq.s32 s10, $0x1;
	s10 =	sld [smem:$0x3FA9];
	_ =	sdelay $0x3  }
0x37: {  	[smem:$0x3FA9] =	sst s10  }
0x38: {  	s10 =	sld [smem:$0x3FAA]  }
0x39: {  	_ = 	snop;
	(pc) =	sbr.ind lr, $3  }
0x3a: {  	_ = 	snop  }
0x3b: {  	_ = 	snop  }
0x3c: {  	p2 =	seq.s32 s10, $0x1;
	s10 =	sld [smem:$0x3FA9]  }
0x3d: {  	_ =	shalt  }
0x3e: {  	_ =	shalt  }
0x3f: {  	_ =	shalt  }
0x40: {  	_ =	shalt  }
0x41: {  	_ =	shalt  }
0x42: {  	_ =	shalt  }
0x43: {  	_ =	shalt  }
0x44: {  	_ =	shalt  }
0x45: {  	_ =	shalt  }
0x46: {  	_ =	shalt  }
0x47: {  	_ =	shalt  }
0x48: {  	_ =	shalt  }
0x49: {  	_ =	shalt  }
0x4a: {  	_ =	shalt  }
0x4b: {  	_ =	shalt  }
0x4c: {  	_ =	shalt  }
0x4d: {  	_ =	shalt  }
0x4e: {  	_ =	shalt  }
0x4f: {  	_ =	shalt  }
0x50: {  	_ =	shalt  }
0x51: {  	_ =	shalt  }
0x52: {  	_ =	shalt  }
0x53: {  	_ =	shalt  }
0x54: {  	_ =	shalt  }
0x55: {  	_ =	shalt  }
0x56: {  	_ =	shalt  }
0x57: {  	_ =	shalt  }
0x58: {  	_ =	shalt  }
0x59: {  	_ =	shalt  }
0x5a: {  	_ =	shalt  }
0x5b: {  	_ =	shalt  }
0x5c: {  	_ =	shalt  }
0x5d: {  	_ =	shalt  }
0x5e: {  	_ =	shalt  }
0x5f: {  	_ =	shalt  }
0x60: {  	_ =	shalt  }
0x61: {  	_ =	shalt  }
0x62: {  	_ =	shalt  }
0x63: {  	_ =	shalt  }
0x64: {  	_ =	shalt  }
0x65: {  	_ =	shalt  }
0x66: {  	_ =	shalt  }
0x67: {  	_ =	shalt  }
0x68: {  	_ =	shalt  }
0x69: {  	_ =	shalt  }
0x6a: {  	_ =	shalt  }
0x6b: {  	_ =	shalt  }
0x6c: {  	_ =	shalt  }
0x6d: {  	_ =	shalt  }
0x6e: {  	_ =	shalt  }
0x6f: {  	_ =	shalt  }
0x70: {  	_ =	shalt  }
0x71: {  	_ =	shalt  }
0x72: {  	_ =	shalt  }
0x73: {  	_ =	shalt  }
0x74: {  	_ =	shalt  }
0x75: {  	_ =	shalt  }
0x76: {  	_ =	shalt  }
0x77: {  	_ =	shalt  }
0x78: {  	_ =	shalt  }
0x79: {  	_ =	shalt  }
0x7a: {  	_ =	shalt  }
0x7b: {  	_ =	shalt  }
0x7c: {  	_ =	shalt  }
0x7d: {  	_ =	shalt  }
0x7e: {  	_ =	shalt  }
0x7f: {  	_ =	shalt  }
0x80: {  	_ =	shalt  }
0x81: {  	_ =	shalt  }
0x82: {  	_ =	shalt  }
0x83: {  	_ =	shalt  }
0x84: {  	_ =	shalt  }
0x85: {  	_ =	shalt  }
0x86: {  	_ =	shalt  }
0x87: {  	_ =	shalt  }
.Lfunc_end0:
.L_simem_size_0:
called_computation.1_lowered:
.L_overlay_start_0:
0x88: {  	s2 =	sld [smem:$0x3FD9]  }
0x89: {  	s3 =	sld [smem:$0x3FFE];
	_ =	sdelay $0x1  }
0x8a: {  	s1 =	srdreg.scid  }
0x8b: {  	s0 =	sand.u32 $0x1, s1  }
0x8c: {  	s16 =	sshll.u32 s0, $0xA;
	s2 =	sadd.s32 s3, s2  }
0x8d: {  	s2 =	sadd.s32 s2, s16  }
0x8e: {  	[smem:$0x3FB5] =	sst s2  }
0x8f: {  	_ = 	snop  }
0x90: {  	(tm) =	ssettm $0x1  }
0x91: {  	s17 =	sld [smem:$0x3FFB];
	_ =	sdelay $0x3  }
0x92: {  	_ =	strace s17  }
0x93: {  	s2 =	sld [smem:$0x3FFC];
	_ =	sdelay $0x3  }
0x94: {  	_ =	strace s2  }
0x95: {  	s2 =	sld [smem:$0x3FFD];
	_ =	sdelay $0x3  }
0x96: {  	_ =	strace s2  }
0x97: {  	_ =	strace $0x8FFFFFFF  }
0x98: {  	s18 =	sld [smem:$0x3FDB];
	_ =	sdelay $0x1  }
0x99: {  	s19 =	simm.s32 $_scs_section_size  }
0x9a: {  	s4 =	simm.s32 $_size__tile_overlayer_lowered;
	s5 =	simm.s32 $_tile_overlayer_lowered  }
0x9b: {  	s22 =	simm.s32 $0x1BFF;
	s21 =	sshll.u32 s5, $0x1;
	s2 =	sadd.s32 s19, s18  }
0x9c: {  	s6 =	simm.s32 $0x0;
	s20 =	sshll.u32 s4, $0x1;
	s4 =	sadd.s32 s21, s2  }
0x9d: {  	[timem:s6], [sflag:s22] =	dma.local [hbm:s4], s20  }
0x9e: {  	_ =	swait.ge [sflag:s22], s20  }
0x9f: {  	s3 =	ssub.s32 $0x0, s20;
	[sflag:s22] =	ssyncset.done $0x0  }
0xa0: {  	[sflag:s22] =	ssyncadd.s32 s3;
	_ =	sdelay $0x1  }
0xa1: {  	s23 =	simm.s32 $0x1B8B  }
0xa2: {  	_ =	swait.ge [sflag:s23], $0x1  }
0xa3: {  	[sflag:s23] =	ssyncset.done $0x0  }
0xa4: {  	s25 =	simm.s32 $0x1B8E;
	s24 =	sld [smem:$0x3FFE];
	[sflag:s23] =	ssyncadd.s32 $0xFFFFFFFF  }
0xa5: {  	s26 =	simm.s32 $execute0_lowered;
	[smem:$0x3FD2] =	sst s25  }
0xa6: {  	s4 =	sshll.u32 s26, $0x1;
	_ =	strace $0x80000049;
	[dreg:$0x1] =	wrdreg $0xFFFFFFFF  }
0xa7: {  	s28 =	simm.s32 $_size_execute0_lowered;
	s2 =	sadd.s32 s2, s4;
	[dreg:$0x0] =	wrdreg $0x0  }
0xa8: {  	s4 =	sshll.u32 s28, $0x1;
	[dreg:$0x2] =	wrdreg s2  }
0xa9: {  	[dreg:$0x3] =	wrdreg s4  }
0xaa: {  	[dreg:$0x4] =	wrdreg $0xC0  }
0xab: {  	_ =	task [dreg:s6], $0x5FFFF  }
0xac: {  	[dreg:$0x1] =	wrdreg $0xFFFFFFFF  }
0xad: {  	[dreg:$0x0] =	wrdreg $0x60  }
0xae: {  	[dreg:$0x2] =	wrdreg s24  }
0xaf: {  	[dreg:$0x3] =	wrdreg $0x84400  }
0xb0: {  	[dreg:$0x4] =	wrdreg $0x9  }
0xb1: {  	_ =	task.clear_ibuf [dreg:s6], $0x5FFFF;
	_ =	strace $0x90000049  }
0xb2: {  	s29 =	simm.s32 $0x9;
	_ =	strace $0x8000004B  }
0xb3: {  	_ =	swait.ge [sflag:s29], $0x1  }
0xb4: {  	[sflag:s29] =	ssyncadd.s32 $0xFFFFFFFF  }
0xb5: {  	_ =	strace $0x9000004B  }
0xb6: {  	_ =	sfence  }
0xb7: {  	s30 =	sld [smem:$0x0];
	_ =	sdelay $0x2  }
0xb8: {  	s31 =	sshll.u32 s1, $0xD;
	s1 =	sshrl.u32 s1, $0x2  }
0xb9: {  	s3 =	sand.u32 $0x4000, s31;
	s1 =	sadd.s32 s1, s30  }
0xba: {  	s0 =	sor.u32 s3, s0;
	s1 =	sshll.u32 s1, $0x11  }
0xbb: {  	s0 =	sor.u32 s1, s0  }
0xbc: {  	s0 =	sadd.s32 $0x8F2B, s0  }
0xbd: {  	[sflag:s0] =	ssyncadd.remote.s32 $0x1  }
0xbe: {  	_ =	sfence.sel $0xFFFF  }
0xbf: {  	[dreg:$0x0] =	wrdreg $0xFFFFFFFF;
	(pc) =	sbr.abs _section_cstart, $3  }
0xc0: {  	[dreg:$0x1] =	wrdreg $0xFFFFFFFF  }
0xc1: {  	_ =	task.clear_ibuf [dreg:s6], $0x2FFFF;
	_ =	strace $0x9FFFFFFF  }
0xc2: {  	(tm) =	ssettm $0x7FFFFFFF  }
0xc3: {  	_ =	shalt  }
tec
execute0_lowered:
.L_overlay_start_1:
0x0: {  	(tag) =	ssettag $0x1  }
0x1: {  	s0 =	rddreg [dreg:$0x0]  }
0x2: {  	s2 =	rddreg [dreg:$0x1]  }
0x3: {  	s1 =	srdreg.scid;
	s13 =	stileid.u32;
	s3 =	simm.s32 $0x0  }
0x4: {  	s24 =	simm.s32 $0x80;
	s28 =	simm.s32 $0x2440;
	s7 =	smul.u32 $0x2800, s13  }
0x5: {  	s1 =	sand.u32 $0x1, s1;
	[smem:$0x7FF] =	sst s3;
	s11 =	smul.u32 $0x50000, s13  }
0x6: {  	s29 =	simm.s32 $0x100;
	s8 =	smul.u32 $0x28000, s1;
	_ =	strace $0x8000004A  }
0x7: {  	s9 =	sshll.u32 s1, $0x4;
	[dreg:$0x6] =	wrdreg s24;
	s24 =	simm.s32 $0x380  }
0x8: {  	s30 =	simm.s32 $0x300;
	s9 =	sor.u32 s13, s9;
	[dreg:$0xf] =	wrdreg s24  }
0x9: {  	s7 =	sadd.s32 s7, s8;
	s8 =	sshrl.u32 s11, $0x2;
	s11 =	sor.u32 $0x500, s9  }
0xa: {  	s4 =	sadd.s32 $0x17C00, s0;
	[dreg:$0x3] =	wrdreg s11;
	s11 =	simm.s32 $0xC0  }
0xb: {  	s5 =	sadd.s32 $0x3400, s0;
	s26 =	sadd.s32 s8, s2;
	[dreg:$0x7] =	wrdreg s11  }
0xc: {  	s6 =	sadd.s32 $0xD800, s0;
	s14 =	sadd.s32 $0x2000, s26;
	[dreg:$0x11] =	wrdreg s26  }
0xd: {  	s18 =	smul.u32 $0x500, s13;
	s16 =	sadd.s32 $0x4000, s26;
	[dreg:$0x12] =	wrdreg s14  }
0xe: {  	s12 =	ssub.s32 $0x2, s1;
	s17 =	sadd.s32 $0x6000, s26;
	[dreg:$0x13] =	wrdreg s16  }
0xf: {  	s15 =	smul.u32 $0x5000, s1;
	s19 =	sadd.s32 $0x8000, s26;
	[dreg:$0x14] =	wrdreg s17  }
0x10: {  	s10 =	sshrl.u32 s12, $0x1;
	s20 =	sadd.s32 $0xA000, s26;
	[dreg:$0x15] =	wrdreg s19  }
0x11: {  	s10 =	ssub.s32 s12, s10;
	s21 =	sadd.s32 $0xC000, s26;
	[dreg:$0x16] =	wrdreg s20  }
0x12: {  	s12 =	sadd.s32 s15, s5;
	s22 =	sadd.s32 $0xE000, s26;
	[dreg:$0x17] =	wrdreg s21  }
0x13: {  	s12 =	sadd.s32 s18, s12;
	s23 =	sadd.s32 $0x10000, s26;
	[dreg:$0x18] =	wrdreg s22  }
0x14: {  	s9 =	smul.u32 $0x500, s9;
	s12 =	sadd.s32 $0x20, s12;
	[dreg:$0x19] =	wrdreg s23  }
0x15: {  	s0 =	sadd.s32 s7, s0;
	s25 =	sadd.s32 $0x12000, s26;
	[dreg:$0x4] =	wrdreg s12  }
0x16: {  	s8 =	sadd.s32 s15, s6;
	s15 =	sadd.s32 s6, s9;
	[dreg:$0x1a] =	wrdreg s25  }
0x17: {  	s31 =	simm.s32 $0x7;
	s0 =	sadd.s32 $0x3FC00, s0;
	[dreg:$0x1c] =	wrdreg s15  }
0x18: {  	s8 =	sadd.s32 s18, s8;
	s18 =	simm.s32 $0x2C0;
	[dreg:$0x1d] =	wrdreg s0  }
0x19: {  	s1 =	smul.u32 $0x280, s1;
	s8 =	sadd.s32 $0x20, s8;
	[dreg:$0xb] =	wrdreg s18  }
0x1a: {  	s24 =	simm.s32 $0x200;
	s12 =	sadd.s32 s5, s9;
	[dreg:$0x5] =	wrdreg s8  }
0x1b: {  	s11 =	simm.s32 $0x5;
	s14 =	simm.s32 $0x240;
	[dreg:$0x1b] =	wrdreg s12  }
0x1c: {  	s16 =	simm.s32 $0x280;
	s17 =	simm.s32 $0x140;
	[dreg:$0x8] =	wrdreg s14  }
0x1d: {  	s19 =	smul.u32 $0x28, s13;
	s20 =	simm.s32 $0x180;
	[dreg:$0x9] =	wrdreg s16  }
0x1e: {  	s21 =	smax.u32 s10, $0x1;
	s22 =	simm.s32 $0x1C0;
	[dreg:$0xa] =	wrdreg s17  }
0x1f: {  	s23 =	simm.s32 $0x340;
	s25 =	simm.s32 $0x3C0;
	[dreg:$0x1e] =	wrdreg s21  }
0x20: {  	s0 =	simm.s32 $0x4440;
	s9 =	simm.s32 $0x6440;
	[dreg:$0xc] =	wrdreg s20  }
0x21: {  	s10 =	simm.s32 $0x2;
	s13 =	simm.s32 $0xA;
	[dreg:$0xd] =	wrdreg s22  }
0x22: {  	s15 =	simm.s32 $0x6;
	[dreg:$0xe] =	wrdreg s23;
	s22 =	simm.s32 $0x440  }
0x23: {  	s23 =	simm.s32 $0xB;
	[dreg:$0x10] =	wrdreg s25;
	s25 =	simm.s32 $0x40  }
0x24: {  	v4 =	vlaneseq.u32;
	s8 =	simm.s32 $0x8;
	s12 =	simm.s32 $0x9;
	s1 =	sadd.s32 s19, s1  }
0x25: {  	v0 =	vimm.f32 $0.0e+00;
	v1 =	vor.u32 $0x27C0, v4;
	s14 =	simm.s32 $0x3;
	s16 =	simm.s32 $0x4;
	s1 =	sor.u32 $0x2, s1  }
0x26: {  	v2 =	vor.u32 $0x27D0, v4;
	v3 =	vor.u32 $0x27E0, v4;
	v4 =	vor.u32 $0x27F0, v4;
	s17 =	simm.s32 $0x0;
	[dreg:$0x1f] =	wrdreg s1;
	s1 =	simm.s32 $0x1  }
.LBB2_1:
0x27: {  	s18 =	sand.u32 $0x7E00, s3  }
0x28: {  	s19 =	sand.u32 $0x70, s3;
	s20 =	sshrl.u32 s18, $0x2  }
0x29: {  	s18 =	simm.s32 $0x40;
	s20 =	sor.u32 s19, s20;
	s19 =	simm.s32 $0x0  }
.LBB2_2:
0x2a: {  	p0 =	sne.s32 s18, $0x7FC0  }
0x2b: {  	[tilespmem:s20+$0x440] =	vst v0;
	s19 =	sadd.s32 $0x10, s19;
	s20 =	smov.u32 s18;
	s18 =	sadd.s32 $0x40, s18  }
.Ltmp0:
0x2c: {  	(pc) =	sbr.rel @p0 .LBB2_2-.Ltmp0, $4  }
0x2d: {  	_ = 	snop  }
0x2e: {  	s20 =	sand.u32 $0x7E00, s20  }
0x2f: {  	s21 =	sand.u32 $0x70, s19;
	s20 =	sshrl.u32 s20, $0x2  }
0x30: {  	s20 =	sor.u32 s21, s20  }
0x31: {  	[smem:$0x7FD] =	sst s17;
	[tilespmem:s20+$0x440] =	vst v0  }
0x32: {  	[spmem:s26] =	stream.linear.scatter [tilespmem:s22], [sflag:$0xB], $0x2000, $0x38;
	[tilespmem:$0x1C440] =	vst v63  }
0x33: {  	_ =	swait.ge [sflag:s23], $0x2000  }
0x34: {  	[sflag:s23] =	ssyncset.done $0x0  }
0x35: {  	s7 =	rddreg [dreg:$0x12];
	[sflag:s23] =	ssyncadd.s32 $0xFFFFE000  }
0x36: {  	[spmem:s7] =	stream.linear.scatter [tilespmem:s22], [sflag:$0xB], $0x2000, $0x38;
	[tilespmem:$0x1C440] =	vst v63  }
0x37: {  	_ =	swait.ge [sflag:s23], $0x2000  }
0x38: {  	[sflag:s23] =	ssyncset.done $0x0  }
0x39: {  	s21 =	rddreg [dreg:$0x13];
	[sflag:s23] =	ssyncadd.s32 $0xFFFFE000  }
0x3a: {  	[spmem:s21] =	stream.linear.scatter [tilespmem:s22], [sflag:$0xB], $0x2000, $0x38;
	[tilespmem:$0x1C440] =	vst v63  }
0x3b: {  	_ =	swait.ge [sflag:s23], $0x2000  }
0x3c: {  	[sflag:s23] =	ssyncset.done $0x0  }
0x3d: {  	s26 =	rddreg [dreg:$0x14];
	[sflag:s23] =	ssyncadd.s32 $0xFFFFE000  }
0x3e: {  	[spmem:s26] =	stream.linear.scatter [tilespmem:s22], [sflag:$0xB], $0x2000, $0x38;
	[tilespmem:$0x1C440] =	vst v63  }
0x3f: {  	_ =	swait.ge [sflag:s23], $0x2000  }
0x40: {  	[sflag:s23] =	ssyncset.done $0x0  }
0x41: {  	s17 =	rddreg [dreg:$0x15];
	[sflag:s23] =	ssyncadd.s32 $0xFFFFE000  }
0x42: {  	[spmem:s17] =	stream.linear.scatter [tilespmem:s22], [sflag:$0xB], $0x2000, $0x38;
	[tilespmem:$0x1C440] =	vst v63  }
0x43: {  	_ =	swait.ge [sflag:s23], $0x2000  }
0x44: {  	[sflag:s23] =	ssyncset.done $0x0  }
0x45: {  	s18 =	rddreg [dreg:$0x16];
	[sflag:s23] =	ssyncadd.s32 $0xFFFFE000  }
0x46: {  	[spmem:s18] =	stream.linear.scatter [tilespmem:s22], [sflag:$0xB], $0x2000, $0x38;
	[tilespmem:$0x1C440] =	vst v63  }
0x47: {  	_ =	swait.ge [sflag:s23], $0x2000  }
0x48: {  	[sflag:s23] =	ssyncset.done $0x0  }
0x49: {  	s19 =	rddreg [dreg:$0x17];
	[sflag:s23] =	ssyncadd.s32 $0xFFFFE000  }
0x4a: {  	[spmem:s19] =	stream.linear.scatter [tilespmem:s22], [sflag:$0xB], $0x2000, $0x38;
	[tilespmem:$0x1C440] =	vst v63  }
0x4b: {  	_ =	swait.ge [sflag:s23], $0x2000  }
0x4c: {  	[sflag:s23] =	ssyncset.done $0x0  }
0x4d: {  	s20 =	rddreg [dreg:$0x18];
	[sflag:s23] =	ssyncadd.s32 $0xFFFFE000  }
0x4e: {  	[spmem:s20] =	stream.linear.scatter [tilespmem:s22], [sflag:$0xB], $0x2000, $0x38;
	[tilespmem:$0x1C440] =	vst v63  }
0x4f: {  	_ =	swait.ge [sflag:s23], $0x2000  }
0x50: {  	[sflag:s23] =	ssyncset.done $0x0  }
0x51: {  	s21 =	rddreg [dreg:$0x19];
	[sflag:s23] =	ssyncadd.s32 $0xFFFFE000  }
0x52: {  	[spmem:s21] =	stream.linear.scatter [tilespmem:s22], [sflag:$0xB], $0x2000, $0x38;
	[tilespmem:$0x1C440] =	vst v63  }
0x53: {  	_ =	swait.ge [sflag:s23], $0x2000  }
0x54: {  	[sflag:s23] =	ssyncset.done $0x0  }
0x55: {  	s26 =	rddreg [dreg:$0x1a];
	[sflag:s23] =	ssyncadd.s32 $0xFFFFE000  }
0x56: {  	[spmem:s26] =	stream.linear.scatter [tilespmem:s22], [sflag:$0xB], $0x2000, $0x38;
	[tilespmem:$0x1C440] =	vst v63  }
0x57: {  	_ =	swait.ge [sflag:s23], $0x2000  }
0x58: {  	[sflag:s23] =	ssyncset.done $0x0  }
0x59: {  	[sflag:s23] =	ssyncadd.s32 $0xFFFFE000  }
0x5a: {  	[tilespmem:$0x400] =	vst v1  }
0x5b: {  	[tilespmem:$0x410] =	vst v2  }
0x5c: {  	[tilespmem:$0x420] =	vst v3  }
0x5d: {  	s18 =	simm.s32 $0x0;
	s17 =	rddreg [dreg:$0x1b];
	[tilespmem:$0x430] =	vst v4  }
0x5e: {  	[tilespmem:s18], [sflag:$0xB] =	stream.linear.gather [hbm4b:s17+s18], $0x100, $0x38;
	[tilespmem:$0x1C440] =	vst v63  }
0x5f: {  	_ =	swait.ge [sflag:s23], $0x100  }
0x60: {  	[sflag:s23] =	ssyncset.done $0x0  }
0x61: {  	s19 =	rddreg [dreg:$0x1c];
	[sflag:s23] =	ssyncadd.s32 $0xFFFFFF00  }
0x62: {  	[tilespmem:s24], [sflag:$0xB] =	stream.linear.gather [hbm4b:s19+s18], $0x100, $0x38;
	[tilespmem:$0x1C440] =	vst v63  }
0x63: {  	_ =	swait.ge [sflag:s23], $0x100  }
0x64: {  	[sflag:s23] =	ssyncset.done $0x0  }
0x65: {  	[sflag:s23] =	ssyncadd.s32 $0xFFFFFF00  }
0x66: {  	s20 =	simm.s32 $0x400;
	[bflag:$0x0] =	sbarrier.arrive $0xFFFF  }
0x67: {  	[spmem:s2] =	stream.indirect.scatter.add.f32 [tilespmem:s22], [sflag:$0x7], $0x80, s20, s25, $0xb8;
	[tilespmem:$0x1C440] =	vst v63  }
0x68: {  	_ = 	snop  }
0x69: {  	[spmem:s2] =	stream.indirect.scatter.add.f32 [tilespmem:s22], [sflag:$0x8], $0x80, s20, s25, $0xb8;
	[tilespmem:$0x1C440] =	vst v63  }
0x6a: {  	_ = 	snop  }
0x6b: {  	[tilespmem:s22], [sflag:$0x1] =	stream.indirect.gather [hbm4b:s4+s25], $0x80, s18, s25, $0xb8;
	[tilespmem:$0x1C440] =	vst v63  }
0x6c: {  	s21 =	rddreg [dreg:$0x4]  }
0x6d: {  	[tilespmem:s28], [sflag:$0x2] =	stream.indirect.gather [hbm4b:s4+s25], $0x80, s25, s25, $0xb8;
	[tilespmem:$0x1C440] =	vst v63  }
0x6e: {  	s19 =	rddreg [dreg:$0x5];
	s18 =	sadd.s32 $0x0, s21  }
0x6f: {  	[tilespmem:s29], [sflag:$0x9] =	stream.linear.gather [hbm4b:s18+s3], $0x100, $0x38;
	[tilespmem:$0x1C440] =	vst v63  }
0x70: {  	s26 =	sadd.s32 $0x0, s19  }
0x71: {  	[tilespmem:s30], [sflag:$0xA] =	stream.linear.gather [hbm4b:s26+s3], $0x100, $0x38;
	[tilespmem:$0x1C440] =	vst v63  }
0x72: {  	_ =	swait.ge [sflag:s31], $0x2000  }
0x73: {  	[sflag:s31] =	ssyncset.done $0x0  }
0x74: {  	s7 =	rddreg [dreg:$0x6];
	[sflag:s31] =	ssyncadd.s32 $0xFFFFE000  }
0x75: {  	[tilespmem:s0], [sflag:$0x3] =	stream.indirect.gather [hbm4b:s4+s25], $0x80, s7, s25, $0xb8;
	[tilespmem:$0x1C440] =	vst v63  }
0x76: {  	_ =	swait.ge [sflag:s1], $0x2000  }
0x77: {  	[sflag:s1] =	ssyncset.done $0x0  }
0x78: {  	[sflag:s1] =	ssyncadd.s32 $0xFFFFE000  }
0x79: {  	[spmem:s2] =	stream.indirect.scatter.add.f32 [tilespmem:s22], [sflag:$0x5], $0x80, s24, s25, $0xb8;
	[tilespmem:$0x1C440] =	vst v63  }
0x7a: {  	_ =	swait.ge [sflag:s8], $0x2000  }
0x7b: {  	[sflag:s8] =	ssyncset.done $0x0  }
0x7c: {  	s17 =	rddreg [dreg:$0x7];
	[sflag:s8] =	ssyncadd.s32 $0xFFFFE000  }
0x7d: {  	[tilespmem:s9], [sflag:$0x4] =	stream.indirect.gather [hbm4b:s4+s25], $0x80, s17, s25, $0xb8;
	[tilespmem:$0x1C440] =	vst v63  }
0x7e: {  	_ =	swait.ge [sflag:s10], $0x2000  }
0x7f: {  	[sflag:s10] =	ssyncset.done $0x0  }
0x80: {  	s19 =	rddreg [dreg:$0x8];
	[sflag:s10] =	ssyncadd.s32 $0xFFFFE000  }
0x81: {  	[spmem:s2] =	stream.indirect.scatter.add.f32 [tilespmem:s28], [sflag:$0x6], $0x80, s19, s25, $0xb8;
	[tilespmem:$0x1C440] =	vst v63  }
0x82: {  	_ =	swait.ge [sflag:s11], $0x2000  }
0x83: {  	[sflag:s11] =	ssyncset.done $0x0  }
0x84: {  	[sflag:s11] =	ssyncadd.s32 $0xFFFFE000  }
0x85: {  	_ =	swait.ge [sflag:s12], $0x100  }
0x86: {  	[sflag:s12] =	ssyncset.done $0x0  }
0x87: {  	[sflag:s12] =	ssyncadd.s32 $0xFFFFFF00  }
0x88: {  	_ =	swait.ge [sflag:s13], $0x100  }
0x89: {  	[sflag:s13] =	ssyncset.done $0x0  }
0x8a: {  	[sflag:s13] =	ssyncadd.s32 $0xFFFFFF00  }
0x8b: {  	[tilespmem:s22], [sflag:$0x1] =	stream.indirect.gather [hbm4b:s4+s25], $0x80, s29, s25, $0xb8;
	[tilespmem:$0x1C440] =	vst v63  }
0x8c: {  	_ =	swait.ge [sflag:s14], $0x2000  }
0x8d: {  	[sflag:s14] =	ssyncset.done $0x0  }
0x8e: {  	s20 =	rddreg [dreg:$0x9];
	[sflag:s14] =	ssyncadd.s32 $0xFFFFE000  }
0x8f: {  	[spmem:s2] =	stream.indirect.scatter.add.f32 [tilespmem:s0], [sflag:$0x7], $0x80, s20, s25, $0xb8;
	[tilespmem:$0x1C440] =	vst v63  }
0x90: {  	_ =	swait.ge [sflag:s15], $0x2000  }
0x91: {  	[sflag:s15] =	ssyncset.done $0x0  }
0x92: {  	s21 =	rddreg [dreg:$0xa];
	[sflag:s15] =	ssyncadd.s32 $0xFFFFE000  }
0x93: {  	[tilespmem:s28], [sflag:$0x2] =	stream.indirect.gather [hbm4b:s4+s25], $0x80, s21, s25, $0xb8;
	[tilespmem:$0x1C440] =	vst v63  }
0x94: {  	_ =	swait.ge [sflag:s16], $0x2000  }
0x95: {  	p0 =	por $0x0, $0x0;
	s7 =	rddreg [dreg:$0x1f]  }
0x96: {  	s18 =	rddreg [dreg:$0x3];
	[sflag:s16] =	ssyncset.done $0x0;
	s19 =	smov.u32 s7  }
0x97: {  	s26 =	rddreg [dreg:$0xb];
	[sflag:s16] =	ssyncadd.s32 $0xFFFFE000;
	s19 =	smov.u32 @p0 s18  }
0x98: {  	[spmem:s2] =	stream.indirect.scatter.add.f32 [tilespmem:s9], [sflag:$0x8], $0x80, s26, s25, $0xb8;
	[tilespmem:$0x1C440] =	vst v63  }
0x99: {  	s18 =	sshll.u32 s19, $0x5  }
0x9a: {  	s18 =	sand.u32 $0x1FFFFFE0, s18  }
0x9b: {  	s17 =	sadd.s32 s5, s18  }
0x9c: {  	[tilespmem:s3], [sflag:$0x9] =	stream.linear.gather [hbm4b:s17+s3], $0x100, $0x38;
	[tilespmem:$0x1C440] =	vst v63  }
0x9d: {  	s18 =	sadd.s32 s6, s18  }
0x9e: {  	[tilespmem:s24], [sflag:$0xA] =	stream.linear.gather [hbm4b:s18+s3], $0x100, $0x38;
	[tilespmem:$0x1C440] =	vst v63  }
0x9f: {  	_ =	swait.ge [sflag:s31], $0x2000  }
0xa0: {  	[sflag:s31] =	ssyncset.done $0x0  }
0xa1: {  	s19 =	rddreg [dreg:$0xc];
	[sflag:s31] =	ssyncadd.s32 $0xFFFFE000  }
0xa2: {  	[tilespmem:s0], [sflag:$0x3] =	stream.indirect.gather [hbm4b:s4+s25], $0x80, s19, s25, $0xb8;
	[tilespmem:$0x1C440] =	vst v63  }
0xa3: {  	_ =	swait.ge [sflag:s1], $0x2000  }
0xa4: {  	[sflag:s1] =	ssyncset.done $0x0  }
0xa5: {  	[sflag:s1] =	ssyncadd.s32 $0xFFFFE000  }
0xa6: {  	[spmem:s2] =	stream.indirect.scatter.add.f32 [tilespmem:s22], [sflag:$0x5], $0x80, s30, s25, $0xb8;
	[tilespmem:$0x1C440] =	vst v63  }
0xa7: {  	_ =	swait.ge [sflag:s8], $0x2000  }
0xa8: {  	[sflag:s8] =	ssyncset.done $0x0  }
0xa9: {  	s20 =	rddreg [dreg:$0xd];
	[sflag:s8] =	ssyncadd.s32 $0xFFFFE000  }
0xaa: {  	[tilespmem:s9], [sflag:$0x4] =	stream.indirect.gather [hbm4b:s4+s25], $0x80, s20, s25, $0xb8;
	[tilespmem:$0x1C440] =	vst v63  }
0xab: {  	_ =	swait.ge [sflag:s10], $0x2000  }
0xac: {  	[sflag:s10] =	ssyncset.done $0x0  }
0xad: {  	s21 =	rddreg [dreg:$0xe];
	[sflag:s10] =	ssyncadd.s32 $0xFFFFE000  }
0xae: {  	[spmem:s2] =	stream.indirect.scatter.add.f32 [tilespmem:s28], [sflag:$0x6], $0x80, s21, s25, $0xb8;
	[tilespmem:$0x1C440] =	vst v63  }
0xaf: {  	_ =	swait.ge [sflag:s11], $0x2000  }
0xb0: {  	[sflag:s11] =	ssyncset.done $0x0  }
0xb1: {  	[sflag:s11] =	ssyncadd.s32 $0xFFFFE000  }
0xb2: {  	_ =	swait.ge [sflag:s12], $0x100  }
0xb3: {  	[sflag:s12] =	ssyncset.done $0x0  }
0xb4: {  	[sflag:s12] =	ssyncadd.s32 $0xFFFFFF00  }
0xb5: {  	_ =	swait.ge [sflag:s13], $0x100  }
0xb6: {  	[sflag:s13] =	ssyncset.done $0x0  }
0xb7: {  	[sflag:s13] =	ssyncadd.s32 $0xFFFFFF00  }
0xb8: {  	[tilespmem:s22], [sflag:$0x1] =	stream.indirect.gather [hbm4b:s4+s25], $0x80, s3, s25, $0xb8;
	[tilespmem:$0x1C440] =	vst v63  }
0xb9: {  	_ =	swait.ge [sflag:s14], $0x2000  }
0xba: {  	[sflag:s14] =	ssyncset.done $0x0  }
0xbb: {  	s26 =	rddreg [dreg:$0xf];
	[sflag:s14] =	ssyncadd.s32 $0xFFFFE000  }
0xbc: {  	[spmem:s2] =	stream.indirect.scatter.add.f32 [tilespmem:s0], [sflag:$0x7], $0x80, s26, s25, $0xb8;
	[tilespmem:$0x1C440] =	vst v63  }
0xbd: {  	_ =	swait.ge [sflag:s15], $0x2000  }
0xbe: {  	[sflag:s15] =	ssyncset.done $0x0  }
0xbf: {  	[sflag:s15] =	ssyncadd.s32 $0xFFFFE000  }
0xc0: {  	[tilespmem:s28], [sflag:$0x2] =	stream.indirect.gather [hbm4b:s4+s25], $0x80, s25, s25, $0xb8;
	[tilespmem:$0x1C440] =	vst v63  }
0xc1: {  	s18 =	simm.s32 $0x40;
	s19 =	sadd.s32 $0x2, s7;
	_ =	swait.ge [sflag:s16], $0x2000  }
0xc2: {  	s20 =	simm.s32 $0x80;
	[sflag:s16] =	ssyncset.done $0x0;
	s21 =	rddreg [dreg:$0x10]  }
.LBB2_4:
0xc3: {  	s7 =	rddreg [dreg:$0x4];
	[sflag:s16] =	ssyncadd.s32 $0xFFFFE000  }
0xc4: {  	[spmem:s2] =	stream.indirect.scatter.add.f32 [tilespmem:s9], [sflag:$0x8], $0x80, s21, s25, $0xb8;
	[tilespmem:$0x1C440] =	vst v63  }
0xc5: {  	s17 =	rddreg [dreg:$0x5];
	s7 =	sadd.s32 s18, s7  }
0xc6: {  	[tilespmem:s29], [sflag:$0x9] =	stream.linear.gather [hbm4b:s7+s3], $0x100, $0x38;
	[tilespmem:$0x1C440] =	vst v63  }
0xc7: {  	s17 =	sadd.s32 s18, s17  }
0xc8: {  	[tilespmem:s30], [sflag:$0xA] =	stream.linear.gather [hbm4b:s17+s3], $0x100, $0x38;
	[tilespmem:$0x1C440] =	vst v63  }
0xc9: {  	_ =	swait.ge [sflag:s31], $0x2000  }
0xca: {  	[sflag:s31] =	ssyncset.done $0x0  }
0xcb: {  	s21 =	rddreg [dreg:$0x6];
	[sflag:s31] =	ssyncadd.s32 $0xFFFFE000  }
0xcc: {  	[tilespmem:s0], [sflag:$0x3] =	stream.indirect.gather [hbm4b:s4+s25], $0x80, s21, s25, $0xb8;
	[tilespmem:$0x1C440] =	vst v63  }
0xcd: {  	_ =	swait.ge [sflag:s1], $0x2000  }
0xce: {  	[sflag:s1] =	ssyncset.done $0x0  }
0xcf: {  	[sflag:s1] =	ssyncadd.s32 $0xFFFFE000  }
0xd0: {  	[spmem:s2] =	stream.indirect.scatter.add.f32 [tilespmem:s22], [sflag:$0x5], $0x80, s24, s25, $0xb8;
	[tilespmem:$0x1C440] =	vst v63  }
0xd1: {  	_ =	swait.ge [sflag:s8], $0x2000  }
0xd2: {  	[sflag:s8] =	ssyncset.done $0x0  }
0xd3: {  	s17 =	rddreg [dreg:$0x7];
	[sflag:s8] =	ssyncadd.s32 $0xFFFFE000  }
0xd4: {  	[tilespmem:s9], [sflag:$0x4] =	stream.indirect.gather [hbm4b:s4+s25], $0x80, s17, s25, $0xb8;
	[tilespmem:$0x1C440] =	vst v63  }
0xd5: {  	_ =	swait.ge [sflag:s10], $0x2000  }
0xd6: {  	[sflag:s10] =	ssyncset.done $0x0  }
0xd7: {  	s21 =	rddreg [dreg:$0x8];
	[sflag:s10] =	ssyncadd.s32 $0xFFFFE000  }
0xd8: {  	[spmem:s2] =	stream.indirect.scatter.add.f32 [tilespmem:s28], [sflag:$0x6], $0x80, s21, s25, $0xb8;
	[tilespmem:$0x1C440] =	vst v63  }
0xd9: {  	_ =	swait.ge [sflag:s11], $0x2000  }
0xda: {  	[sflag:s11] =	ssyncset.done $0x0  }
0xdb: {  	[sflag:s11] =	ssyncadd.s32 $0xFFFFE000  }
0xdc: {  	_ =	swait.ge [sflag:s12], $0x100  }
0xdd: {  	[sflag:s12] =	ssyncset.done $0x0  }
0xde: {  	[sflag:s12] =	ssyncadd.s32 $0xFFFFFF00  }
0xdf: {  	_ =	swait.ge [sflag:s13], $0x100  }
0xe0: {  	[sflag:s13] =	ssyncset.done $0x0  }
0xe1: {  	[sflag:s13] =	ssyncadd.s32 $0xFFFFFF00  }
0xe2: {  	[tilespmem:s22], [sflag:$0x1] =	stream.indirect.gather [hbm4b:s4+s25], $0x80, s29, s25, $0xb8;
	[tilespmem:$0x1C440] =	vst v63  }
0xe3: {  	_ =	swait.ge [sflag:s14], $0x2000  }
0xe4: {  	[sflag:s14] =	ssyncset.done $0x0  }
0xe5: {  	s17 =	rddreg [dreg:$0x9];
	[sflag:s14] =	ssyncadd.s32 $0xFFFFE000  }
0xe6: {  	[spmem:s2] =	stream.indirect.scatter.add.f32 [tilespmem:s0], [sflag:$0x7], $0x80, s17, s25, $0xb8;
	[tilespmem:$0x1C440] =	vst v63  }
0xe7: {  	_ =	swait.ge [sflag:s15], $0x2000  }
0xe8: {  	[sflag:s15] =	ssyncset.done $0x0  }
0xe9: {  	s21 =	rddreg [dreg:$0xa];
	[sflag:s15] =	ssyncadd.s32 $0xFFFFE000  }
0xea: {  	[tilespmem:s28], [sflag:$0x2] =	stream.indirect.gather [hbm4b:s4+s25], $0x80, s21, s25, $0xb8;
	[tilespmem:$0x1C440] =	vst v63  }
0xeb: {  	_ =	swait.ge [sflag:s16], $0x2000  }
0xec: {  	p1 =	seq.s32 s18, $0x4C0;
	s21 =	smov.u32 s19;
	s7 =	rddreg [dreg:$0x3]  }
0xed: {  	[sflag:s16] =	ssyncset.done $0x0;
	s21 =	smov.u32 @p1 s7  }
0xee: {  	s17 =	rddreg [dreg:$0xb];
	[sflag:s16] =	ssyncadd.s32 $0xFFFFE000;
	s7 =	sshll.u32 s21, $0x5  }
0xef: {  	[spmem:s2] =	stream.indirect.scatter.add.f32 [tilespmem:s9], [sflag:$0x8], $0x80, s17, s25, $0xb8;
	[tilespmem:$0x1C440] =	vst v63  }
0xf0: {  	s26 =	smov.u32 s20;
	s7 =	sand.u32 $0x1FFFFFE0, s7  }
0xf1: {  	s18 =	smov.u32 s26;
	s26 =	sadd.s32 s5, s7  }
0xf2: {  	[tilespmem:s3], [sflag:$0x9] =	stream.linear.gather [hbm4b:s26+s3], $0x100, $0x38;
	[tilespmem:$0x1C440] =	vst v63  }
0xf3: {  	s7 =	sadd.s32 s6, s7  }
0xf4: {  	[tilespmem:s24], [sflag:$0xA] =	stream.linear.gather [hbm4b:s7+s3], $0x100, $0x38;
	[tilespmem:$0x1C440] =	vst v63  }
0xf5: {  	_ =	swait.ge [sflag:s31], $0x2000  }
0xf6: {  	[sflag:s31] =	ssyncset.done $0x0  }
0xf7: {  	s26 =	rddreg [dreg:$0xc];
	[sflag:s31] =	ssyncadd.s32 $0xFFFFE000  }
0xf8: {  	[tilespmem:s0], [sflag:$0x3] =	stream.indirect.gather [hbm4b:s4+s25], $0x80, s26, s25, $0xb8;
	[tilespmem:$0x1C440] =	vst v63  }
0xf9: {  	_ =	swait.ge [sflag:s1], $0x2000  }
0xfa: {  	[sflag:s1] =	ssyncset.done $0x0  }
0xfb: {  	[sflag:s1] =	ssyncadd.s32 $0xFFFFE000  }
0xfc: {  	[spmem:s2] =	stream.indirect.scatter.add.f32 [tilespmem:s22], [sflag:$0x5], $0x80, s30, s25, $0xb8;
	[tilespmem:$0x1C440] =	vst v63  }
0xfd: {  	_ =	swait.ge [sflag:s8], $0x2000  }
0xfe: {  	[sflag:s8] =	ssyncset.done $0x0  }
0xff: {  	s17 =	rddreg [dreg:$0xd];
	[sflag:s8] =	ssyncadd.s32 $0xFFFFE000  }
0x100: {  	[tilespmem:s9], [sflag:$0x4] =	stream.indirect.gather [hbm4b:s4+s25], $0x80, s17, s25, $0xb8;
	[tilespmem:$0x1C440] =	vst v63  }
0x101: {  	_ =	swait.ge [sflag:s10], $0x2000  }
0x102: {  	[sflag:s10] =	ssyncset.done $0x0  }
0x103: {  	s21 =	rddreg [dreg:$0xe];
	[sflag:s10] =	ssyncadd.s32 $0xFFFFE000  }
0x104: {  	[spmem:s2] =	stream.indirect.scatter.add.f32 [tilespmem:s28], [sflag:$0x6], $0x80, s21, s25, $0xb8;
	[tilespmem:$0x1C440] =	vst v63  }
0x105: {  	_ =	swait.ge [sflag:s11], $0x2000  }
0x106: {  	[sflag:s11] =	ssyncset.done $0x0  }
0x107: {  	[sflag:s11] =	ssyncadd.s32 $0xFFFFE000  }
0x108: {  	_ =	swait.ge [sflag:s12], $0x100  }
0x109: {  	[sflag:s12] =	ssyncset.done $0x0  }
0x10a: {  	[sflag:s12] =	ssyncadd.s32 $0xFFFFFF00  }
0x10b: {  	_ =	swait.ge [sflag:s13], $0x100  }
0x10c: {  	[sflag:s13] =	ssyncset.done $0x0  }
0x10d: {  	[sflag:s13] =	ssyncadd.s32 $0xFFFFFF00  }
0x10e: {  	[tilespmem:s22], [sflag:$0x1] =	stream.indirect.gather [hbm4b:s4+s25], $0x80, s3, s25, $0xb8;
	[tilespmem:$0x1C440] =	vst v63  }
0x10f: {  	_ =	swait.ge [sflag:s14], $0x2000  }
0x110: {  	[sflag:s14] =	ssyncset.done $0x0  }
0x111: {  	s26 =	rddreg [dreg:$0xf];
	[sflag:s14] =	ssyncadd.s32 $0xFFFFE000  }
0x112: {  	[spmem:s2] =	stream.indirect.scatter.add.f32 [tilespmem:s0], [sflag:$0x7], $0x80, s26, s25, $0xb8;
	[tilespmem:$0x1C440] =	vst v63  }
0x113: {  	p0 =	sne.s32 s20, $0x4C0;
	_ =	swait.ge [sflag:s15], $0x2000  }
.Ltmp1:
0x114: {  	[sflag:s15] =	ssyncset.done $0x0;
	(pc) =	sbr.rel @p0 .LBB2_4-.Ltmp1, $4  }
0x115: {  	[sflag:s15] =	ssyncadd.s32 $0xFFFFE000  }
0x116: {  	[tilespmem:s28], [sflag:$0x2] =	stream.indirect.gather [hbm4b:s4+s25], $0x80, s25, s25, $0xb8;
	[tilespmem:$0x1C440] =	vst v63  }
0x117: {  	s20 =	sadd.s32 $0x40, s20;
	_ =	swait.ge [sflag:s16], $0x2000  }
0x118: {  	s19 =	sadd.s32 $0x2, s19;
	[sflag:s16] =	ssyncset.done $0x0;
	s21 =	rddreg [dreg:$0x10]  }
0x119: {  	s7 =	rddreg [dreg:$0x4];
	[sflag:s16] =	ssyncadd.s32 $0xFFFFE000  }
0x11a: {  	[spmem:s2] =	stream.indirect.scatter.add.f32 [tilespmem:s9], [sflag:$0x8], $0x80, s21, s25, $0xb8;
	[tilespmem:$0x1C440] =	vst v63  }
0x11b: {  	s17 =	rddreg [dreg:$0x5];
	s7 =	sadd.s32 s18, s7  }
0x11c: {  	[tilespmem:s29], [sflag:$0x9] =	stream.linear.gather [hbm4b:s7+s3], $0x100, $0x38;
	[tilespmem:$0x1C440] =	vst v63  }
0x11d: {  	s26 =	sadd.s32 s18, s17  }
0x11e: {  	[tilespmem:s30], [sflag:$0xA] =	stream.linear.gather [hbm4b:s26+s3], $0x100, $0x38;
	[tilespmem:$0x1C440] =	vst v63  }
0x11f: {  	_ =	swait.ge [sflag:s31], $0x2000  }
0x120: {  	[sflag:s31] =	ssyncset.done $0x0  }
0x121: {  	s17 =	rddreg [dreg:$0x6];
	[sflag:s31] =	ssyncadd.s32 $0xFFFFE000  }
0x122: {  	[tilespmem:s0], [sflag:$0x3] =	stream.indirect.gather [hbm4b:s4+s25], $0x80, s17, s25, $0xb8;
	[tilespmem:$0x1C440] =	vst v63  }
0x123: {  	_ =	swait.ge [sflag:s1], $0x2000  }
0x124: {  	[sflag:s1] =	ssyncset.done $0x0  }
0x125: {  	[sflag:s1] =	ssyncadd.s32 $0xFFFFE000  }
0x126: {  	[spmem:s2] =	stream.indirect.scatter.add.f32 [tilespmem:s22], [sflag:$0x5], $0x80, s24, s25, $0xb8;
	[tilespmem:$0x1C440] =	vst v63  }
0x127: {  	_ =	swait.ge [sflag:s8], $0x2000  }
0x128: {  	[sflag:s8] =	ssyncset.done $0x0  }
0x129: {  	s20 =	rddreg [dreg:$0x7];
	[sflag:s8] =	ssyncadd.s32 $0xFFFFE000  }
0x12a: {  	[tilespmem:s9], [sflag:$0x4] =	stream.indirect.gather [hbm4b:s4+s25], $0x80, s20, s25, $0xb8;
	[tilespmem:$0x1C440] =	vst v63  }
0x12b: {  	_ =	swait.ge [sflag:s10], $0x2000  }
0x12c: {  	[sflag:s10] =	ssyncset.done $0x0  }
0x12d: {  	s21 =	rddreg [dreg:$0x8];
	[sflag:s10] =	ssyncadd.s32 $0xFFFFE000  }
0x12e: {  	[spmem:s2] =	stream.indirect.scatter.add.f32 [tilespmem:s28], [sflag:$0x6], $0x80, s21, s25, $0xb8;
	[tilespmem:$0x1C440] =	vst v63  }
0x12f: {  	_ =	swait.ge [sflag:s11], $0x2000  }
0x130: {  	[sflag:s11] =	ssyncset.done $0x0  }
0x131: {  	[sflag:s11] =	ssyncadd.s32 $0xFFFFE000  }
0x132: {  	_ =	swait.ge [sflag:s12], $0x100  }
0x133: {  	[sflag:s12] =	ssyncset.done $0x0  }
0x134: {  	[sflag:s12] =	ssyncadd.s32 $0xFFFFFF00  }
0x135: {  	_ =	swait.ge [sflag:s13], $0x100  }
0x136: {  	[sflag:s13] =	ssyncset.done $0x0  }
0x137: {  	[sflag:s13] =	ssyncadd.s32 $0xFFFFFF00  }
0x138: {  	[tilespmem:s22], [sflag:$0x1] =	stream.indirect.gather [hbm4b:s4+s25], $0x80, s29, s25, $0xb8;
	[tilespmem:$0x1C440] =	vst v63  }
0x139: {  	_ =	swait.ge [sflag:s14], $0x2000  }
0x13a: {  	[sflag:s14] =	ssyncset.done $0x0  }
0x13b: {  	s26 =	rddreg [dreg:$0x9];
	[sflag:s14] =	ssyncadd.s32 $0xFFFFE000  }
0x13c: {  	[spmem:s2] =	stream.indirect.scatter.add.f32 [tilespmem:s0], [sflag:$0x7], $0x80, s26, s25, $0xb8;
	[tilespmem:$0x1C440] =	vst v63  }
0x13d: {  	_ =	swait.ge [sflag:s15], $0x2000  }
0x13e: {  	[sflag:s15] =	ssyncset.done $0x0  }
0x13f: {  	s17 =	rddreg [dreg:$0xa];
	[sflag:s15] =	ssyncadd.s32 $0xFFFFE000  }
0x140: {  	[tilespmem:s28], [sflag:$0x2] =	stream.indirect.gather [hbm4b:s4+s25], $0x80, s17, s25, $0xb8;
	[tilespmem:$0x1C440] =	vst v63  }
0x141: {  	_ =	swait.ge [sflag:s16], $0x2000  }
0x142: {  	p0 =	seq.s32 s18, $0x4C0;
	s7 =	rddreg [dreg:$0x3]  }
0x143: {  	[sflag:s16] =	ssyncset.done $0x0;
	s19 =	smov.u32 @p0 s7  }
0x144: {  	s20 =	rddreg [dreg:$0xb];
	[sflag:s16] =	ssyncadd.s32 $0xFFFFE000;
	s21 =	sshll.u32 s19, $0x5  }
0x145: {  	[spmem:s2] =	stream.indirect.scatter.add.f32 [tilespmem:s9], [sflag:$0x8], $0x80, s20, s25, $0xb8;
	[tilespmem:$0x1C440] =	vst v63  }
0x146: {  	s17 =	sand.u32 $0x1FFFFFE0, s21  }
0x147: {  	s26 =	sadd.s32 s5, s17  }
0x148: {  	[tilespmem:s3], [sflag:$0x9] =	stream.linear.gather [hbm4b:s26+s3], $0x100, $0x38;
	[tilespmem:$0x1C440] =	vst v63  }
0x149: {  	s17 =	sadd.s32 s6, s17  }
0x14a: {  	[tilespmem:s24], [sflag:$0xA] =	stream.linear.gather [hbm4b:s17+s3], $0x100, $0x38;
	[tilespmem:$0x1C440] =	vst v63  }
0x14b: {  	_ =	swait.ge [sflag:s31], $0x2000  }
0x14c: {  	[sflag:s31] =	ssyncset.done $0x0  }
0x14d: {  	s18 =	rddreg [dreg:$0xc];
	[sflag:s31] =	ssyncadd.s32 $0xFFFFE000  }
0x14e: {  	[tilespmem:s0], [sflag:$0x3] =	stream.indirect.gather [hbm4b:s4+s25], $0x80, s18, s25, $0xb8;
	[tilespmem:$0x1C440] =	vst v63  }
0x14f: {  	_ =	swait.ge [sflag:s1], $0x2000  }
0x150: {  	[sflag:s1] =	ssyncset.done $0x0  }
0x151: {  	[sflag:s1] =	ssyncadd.s32 $0xFFFFE000  }
0x152: {  	[spmem:s2] =	stream.indirect.scatter.add.f32 [tilespmem:s22], [sflag:$0x5], $0x80, s30, s25, $0xb8;
	[tilespmem:$0x1C440] =	vst v63  }
0x153: {  	_ =	swait.ge [sflag:s8], $0x2000  }
0x154: {  	[sflag:s8] =	ssyncset.done $0x0  }
0x155: {  	s19 =	rddreg [dreg:$0xd];
	[sflag:s8] =	ssyncadd.s32 $0xFFFFE000  }
0x156: {  	[tilespmem:s9], [sflag:$0x4] =	stream.indirect.gather [hbm4b:s4+s25], $0x80, s19, s25, $0xb8;
	[tilespmem:$0x1C440] =	vst v63  }
0x157: {  	_ =	swait.ge [sflag:s10], $0x2000  }
0x158: {  	[sflag:s10] =	ssyncset.done $0x0  }
0x159: {  	s20 =	rddreg [dreg:$0xe];
	[sflag:s10] =	ssyncadd.s32 $0xFFFFE000  }
0x15a: {  	[spmem:s2] =	stream.indirect.scatter.add.f32 [tilespmem:s28], [sflag:$0x6], $0x80, s20, s25, $0xb8;
	[tilespmem:$0x1C440] =	vst v63  }
0x15b: {  	_ =	swait.ge [sflag:s11], $0x2000  }
0x15c: {  	[sflag:s11] =	ssyncset.done $0x0  }
0x15d: {  	[sflag:s11] =	ssyncadd.s32 $0xFFFFE000  }
0x15e: {  	_ =	swait.ge [sflag:s12], $0x100  }
0x15f: {  	[sflag:s12] =	ssyncset.done $0x0  }
0x160: {  	[sflag:s12] =	ssyncadd.s32 $0xFFFFFF00  }
0x161: {  	_ =	swait.ge [sflag:s13], $0x100  }
0x162: {  	[sflag:s13] =	ssyncset.done $0x0  }
0x163: {  	[sflag:s13] =	ssyncadd.s32 $0xFFFFFF00  }
0x164: {  	[tilespmem:s22], [sflag:$0x1] =	stream.indirect.gather [hbm4b:s4+s25], $0x80, s3, s25, $0xb8;
	[tilespmem:$0x1C440] =	vst v63  }
0x165: {  	_ =	swait.ge [sflag:s14], $0x2000  }
0x166: {  	[sflag:s14] =	ssyncset.done $0x0  }
0x167: {  	s21 =	rddreg [dreg:$0xf];
	[sflag:s14] =	ssyncadd.s32 $0xFFFFE000  }
0x168: {  	[spmem:s2] =	stream.indirect.scatter.add.f32 [tilespmem:s0], [sflag:$0x7], $0x80, s21, s25, $0xb8;
	[tilespmem:$0x1C440] =	vst v63  }
0x169: {  	_ =	swait.ge [sflag:s15], $0x2000  }
0x16a: {  	[sflag:s15] =	ssyncset.done $0x0  }
0x16b: {  	[sflag:s15] =	ssyncadd.s32 $0xFFFFE000  }
0x16c: {  	[tilespmem:s28], [sflag:$0x2] =	stream.indirect.gather [hbm4b:s4+s25], $0x80, s25, s25, $0xb8;
	[tilespmem:$0x1C440] =	vst v63  }
0x16d: {  	_ =	swait.ge [sflag:s16], $0x2000  }
0x16e: {  	[sflag:s16] =	ssyncset.done $0x0  }
0x16f: {  	s26 =	rddreg [dreg:$0x10];
	[sflag:s16] =	ssyncadd.s32 $0xFFFFE000  }
0x170: {  	[spmem:s2] =	stream.indirect.scatter.add.f32 [tilespmem:s9], [sflag:$0x8], $0x80, s26, s25, $0xb8;
	[tilespmem:$0x1C440] =	vst v63  }
0x171: {  	_ =	swait.ge [sflag:s1], $0x2000  }
0x172: {  	[sflag:s1] =	ssyncset.done $0x0  }
0x173: {  	[sflag:s1] =	ssyncadd.s32 $0xFFFFE000  }
0x174: {  	_ =	swait.ge [sflag:s10], $0x2000  }
0x175: {  	[sflag:s10] =	ssyncset.done $0x0  }
0x176: {  	[sflag:s10] =	ssyncadd.s32 $0xFFFFE000  }
0x177: {  	_ =	swait.ge [sflag:s31], $0x2000  }
0x178: {  	[sflag:s31] =	ssyncset.done $0x0  }
0x179: {  	[sflag:s31] =	ssyncadd.s32 $0xFFFFE000  }
0x17a: {  	_ =	swait.ge [sflag:s8], $0x2000  }
0x17b: {  	[sflag:s8] =	ssyncset.done $0x0  }
0x17c: {  	[sflag:s8] =	ssyncadd.s32 $0xFFFFE000  }
0x17d: {  	s17 =	stileid.u32;
	[bflag:$0x0] =	sbarrier.arrive $0xFFFF  }
0x17e: {  	s7 =	sshll.u32 s17, $0x6;
	s26 =	rddreg [dreg:$0x11]  }
0x17f: {  	s7 =	sor.u32 $0x1C0B, s7;
	s19 =	rddreg [dreg:$0x1d];
	s18 =	sshrl.u32 s26, $0x3  }
0x180: {  	[hbm:s19], [sflag:s7] =	dma.local [spmem:s18], $0x2800  }
0x181: {  	_ =	swait.ge [sflag:s23], $0x2800  }
0x182: {  	s20 =	sld [smem:$0x7FD];
	_ =	sdelay $0x2  }
0x183: {  	s21 =	rddreg [dreg:$0x1e];
	s17 =	sadd.s32 $0x1, s20  }
0x184: {  	p0 =	sne.s32 s17, s21  }
.Ltmp2:
0x185: {  	_ = 	snop;
	(pc) =	sbr.rel @p0 .LBB2_1-.Ltmp2, $3  }
0x186: {  	_ =	sdelay $0x1  }
0x187: {  	[sflag:s23] =	ssyncset.done $0x0  }
0x188: {  	[sflag:s23] =	ssyncadd.s32 $0xFFFFD800  }
0x189: {  	_ =	sfence.sel $0x180000  }
0x18a: {  	[bflag:$0x0] =	sbarrier.arrive $0xFFFF  }
0x18b: {  	_ =	strace $0x9000004A  }
0x18c: {  	s0 =	stileid.u32;
	[bflag:$0x2] =	sbarrier.arrive $0xFFFF  }
0x18d: {  	p0 =	sne.s32 s0, $0x0;
	s0 =	rddreg [dreg:$0x2]  }
0x18e: {  	s0 =	sadd.s32 @!p0 $0x100000, s0  }
0x18f: {  	[sflag:s0] =	ssyncadd.tile.s32 @!p0 $0x1;
	_ =	shalt  }
.Lfunc_end2:
_tile_overlayer_lowered:
.L_overlay_start_2:
0x190: {  	(tag) =	ssettag $0x2  }
0x191: {  	s0 =	rddreg [dreg:$0x0];
	s2 =	stileid.u32  }
0x192: {  	s1 =	rddreg [dreg:$0x1];
	p0 =	sne.s32 s2, $0x0  }
0x193: {  	s3 =	rddreg [dreg:$0x2];
	[bflag:$0x3] =	sbarrier.arrive $0xFFFF;
	s2 =	simm.s32 @!p0 $0x1C0B  }
0x194: {  	[timem:s3], [sflag:s2] =	dma.local @!p0 [hbm:s0], s1  }
0x195: {  	s0 =	simm.s32 @!p0 $0xB  }
0x196: {  	_ =	swait.ge @!p0 [sflag:s0], s1  }
0x197: {  	s1 =	ssub.s32 @!p0 $0x0, s1;
	[sflag:s0] =	ssyncset.done @!p0 $0x0  }
0x198: {  	[sflag:s0] =	ssyncadd.s32 @!p0 s1  }
0x199: {  	[bflag:$0x3] =	sbarrier.arrive $0xFFFF  }
0x19a: {  	_ =	shalt  }

// kernel: kernel.7.cloned.1.call-start
scs
__scs_entry_jumppad:
0x0: {  	(pc) =	sbr.rel $0x88, $3  }
0x1: {  	(tag) =	ssettag $0x0;
	lr =	simm.s32 $0x1  }
0x2: {  	[smem:$0x3F8E] =	sst lr;
	_ =	strace $0xD0000000  }
0x3: {  	_ = 	snop  }
0x4: {  	_ = 	snop  }
0x5: {  	_ = 	snop  }
0x6: {  	_ = 	snop  }
0x7: {  	_ = 	snop  }
__scs_overlays_trampoline_lowered:
0x8: {  	[smem:$0x3F9D] =	sst s0  }
0x9: {  	[smem:$0x3F9E] =	sst s1  }
0xa: {  	[smem:$0x3F9F] =	sst s2  }
0xb: {  	[smem:$0x3FA0] =	sst s3  }
0xc: {  	[smem:$0x3FA1] =	sst s4  }
0xd: {  	[smem:$0x3FA2] =	sst s5  }
0xe: {  	[smem:$0x3FA3] =	sst s6  }
0xf: {  	[smem:$0x3FA4] =	sst s7  }
0x10: {  	[smem:$0x3FA5] =	sst s8  }
0x11: {  	[smem:$0x3FA6] =	sst s9;
	s0 =	simm.s32 @!p0 $0x0  }
0x12: {  	s1 =	sld [smem:$0x3F8C];
	s0 =	simm.s32 @p0 $0x1  }
0x13: {  	[smem:$0x3FA7] =	sst s0;
	s0 =	simm.s32 @!p1 $0x0  }
0x14: {  	s2 =	sld [smem:$0x3F8B];
	s0 =	simm.s32 @p1 $0x1  }
0x15: {  	[smem:$0x3FA8] =	sst s0;
	s0 =	simm.s32 @!p2 $0x0  }
0x16: {  	s3 =	sld [smem:$0x3FDB];
	s0 =	simm.s32 @p2 $0x1  }
0x17: {  	s4 =	simm.s32 $0x1BF5;
	[smem:$0x3FAA] =	sst s0  }
0x18: {  	s0 =	sld [smem:$0x3F8D];
	_ =	swait.ge [sflag:s4], $0x0  }
0x19: {  	s7 =	sld [smem:$0x3F8E]  }
0x1a: {  	s8 =	sadd.s32 $0xFFFFE003, lr  }
0x1b: {  	s9 =	sadd.s32 $0xFFFFFEF7, lr;
	s5 =	simm.s32 $0xFFFFFFFF;
	p2 =	slt.u32 s8, $0xFFFFF086  }
0x1c: {  	p1 =	slt.u32 s9, $0xF7A;
	s5 =	simm.s32 @!p2 $0x0  }
0x1d: {  	s5 =	simm.s32 @p1 $0x1;
	p0 =	seq.s32 s7, s2  }
0x1e: {  	s7 =	smul.u32 @!p0 $0xF7A, s2;
	p2 =	seq.s32 @!p0 s5, $0x0  }
0x1f: {  	s9 =	smul.u32 $0xF7A, s1;
	s8 =	simm.s32 @!p0 $0x1BF5;
	p2 =	por !p2, p0  }
0x20: {  	[sflag:s8] =	ssyncset.s32 @!p0 $0xFFFFF086;
	s6 =	sadd.s32 @!p0 s3, s7;
	s7 =	simm.s32 @!p0 $0x108  }
0x21: {  	s3 =	sadd.s32 s3, s9;
	s6 =	sadd.s32 @!p0 $0x88, s6;
	s7 =	simm.s32 @p2 $0x1082  }
0x22: {  	[simem:s7], [sflag:s8] =	dma.local @!p0 [hbm:s6], $0xF7A  }
0x23: {  	s9 =	sor.u32 $0xD0000000, s2;
	s6 =	simm.s32 $0x108;
	_ =	swait.ge @!p0 [sflag:s8], $0x0  }
0x24: {  	s3 =	sadd.s32 $0x88, s3;
	s6 =	simm.s32 @!p1 $0x1082;
	[sflag:s4] =	ssyncset.s32 $0xFFFFF086  }
0x25: {  	[simem:s6], [sflag:s4] =	dma.local [hbm:s3], $0xF7A  }
0x26: {  	[smem:$0x3F8E] =	sst s1;
	(tag) =	ssettag s2;
	_ =	strace s9  }
0x27: {  	s1 =	sld [smem:$0x3F9E]  }
0x28: {  	s2 =	sld [smem:$0x3F9F]  }
0x29: {  	s4 =	sld [smem:$0x3FA1]  }
0x2a: {  	p0 =	seq.s32 s5, $0x0;
	s5 =	sld [smem:$0x3FA2]  }
0x2b: {  	s6 =	sld [smem:$0x3FA3]  }
0x2c: {  	s7 =	sld [smem:$0x3FA4]  }
0x2d: {  	s3 =	simm.s32 $0x108;
	s8 =	sld [smem:$0x3FA5]  }
0x2e: {  	s3 =	simm.s32 @!p0 $0x1082;
	s9 =	sld [smem:$0x3FA6]  }
0x2f: {  	lr =	sadd.s32 s0, s3;
	s0 =	sld [smem:$0x3F9D]  }
0x30: {  	s3 =	sld [smem:$0x3FA0]  }
0x31: {  	[smem:$0x3FA9] =	sst s10  }
0x32: {  	s10 =	sld [smem:$0x3FA7];
	_ =	sdelay $0x3  }
0x33: {  	p0 =	seq.s32 s10, $0x1;
	s10 =	sld [smem:$0x3FA9];
	_ =	sdelay $0x3  }
0x34: {  	[smem:$0x3FA9] =	sst s10  }
0x35: {  	s10 =	sld [smem:$0x3FA8];
	_ =	sdelay $0x3  }
0x36: {  	p1 =	seq.s32 s10, $0x1;
	s10 =	sld [smem:$0x3FA9];
	_ =	sdelay $0x3  }
0x37: {  	[smem:$0x3FA9] =	sst s10  }
0x38: {  	s10 =	sld [smem:$0x3FAA]  }
0x39: {  	_ = 	snop;
	(pc) =	sbr.ind lr, $3  }
0x3a: {  	_ = 	snop  }
0x3b: {  	_ = 	snop  }
0x3c: {  	p2 =	seq.s32 s10, $0x1;
	s10 =	sld [smem:$0x3FA9]  }
0x3d: {  	_ =	shalt  }
0x3e: {  	_ =	shalt  }
0x3f: {  	_ =	shalt  }
0x40: {  	_ =	shalt  }
0x41: {  	_ =	shalt  }
0x42: {  	_ =	shalt  }
0x43: {  	_ =	shalt  }
0x44: {  	_ =	shalt  }
0x45: {  	_ =	shalt  }
0x46: {  	_ =	shalt  }
0x47: {  	_ =	shalt  }
0x48: {  	_ =	shalt  }
0x49: {  	_ =	shalt  }
0x4a: {  	_ =	shalt  }
0x4b: {  	_ =	shalt  }
0x4c: {  	_ =	shalt  }
0x4d: {  	_ =	shalt  }
0x4e: {  	_ =	shalt  }
0x4f: {  	_ =	shalt  }
0x50: {  	_ =	shalt  }
0x51: {  	_ =	shalt  }
0x52: {  	_ =	shalt  }
0x53: {  	_ =	shalt  }
0x54: {  	_ =	shalt  }
0x55: {  	_ =	shalt  }
0x56: {  	_ =	shalt  }
0x57: {  	_ =	shalt  }
0x58: {  	_ =	shalt  }
0x59: {  	_ =	shalt  }
0x5a: {  	_ =	shalt  }
0x5b: {  	_ =	shalt  }
0x5c: {  	_ =	shalt  }
0x5d: {  	_ =	shalt  }
0x5e: {  	_ =	shalt  }
0x5f: {  	_ =	shalt  }
0x60: {  	_ =	shalt  }
0x61: {  	_ =	shalt  }
0x62: {  	_ =	shalt  }
0x63: {  	_ =	shalt  }
0x64: {  	_ =	shalt  }
0x65: {  	_ =	shalt  }
0x66: {  	_ =	shalt  }
0x67: {  	_ =	shalt  }
0x68: {  	_ =	shalt  }
0x69: {  	_ =	shalt  }
0x6a: {  	_ =	shalt  }
0x6b: {  	_ =	shalt  }
0x6c: {  	_ =	shalt  }
0x6d: {  	_ =	shalt  }
0x6e: {  	_ =	shalt  }
0x6f: {  	_ =	shalt  }
0x70: {  	_ =	shalt  }
0x71: {  	_ =	shalt  }
0x72: {  	_ =	shalt  }
0x73: {  	_ =	shalt  }
0x74: {  	_ =	shalt  }
0x75: {  	_ =	shalt  }
0x76: {  	_ =	shalt  }
0x77: {  	_ =	shalt  }
0x78: {  	_ =	shalt  }
0x79: {  	_ =	shalt  }
0x7a: {  	_ =	shalt  }
0x7b: {  	_ =	shalt  }
0x7c: {  	_ =	shalt  }
0x7d: {  	_ =	shalt  }
0x7e: {  	_ =	shalt  }
0x7f: {  	_ =	shalt  }
0x80: {  	_ =	shalt  }
0x81: {  	_ =	shalt  }
0x82: {  	_ =	shalt  }
0x83: {  	_ =	shalt  }
0x84: {  	_ =	shalt  }
0x85: {  	_ =	shalt  }
0x86: {  	_ =	shalt  }
0x87: {  	_ =	shalt  }
.Lfunc_end0:
.L_simem_size_0:
called_computation_lowered:
.L_overlay_start_0:
0x88: {  	s2 =	sld [smem:$0x3FD9]  }
0x89: {  	s3 =	sld [smem:$0x3FFE];
	_ =	sdelay $0x1  }
0x8a: {  	s1 =	srdreg.scid  }
0x8b: {  	s0 =	sand.u32 $0x1, s1  }
0x8c: {  	s16 =	sshll.u32 s0, $0xA;
	s2 =	sadd.s32 s3, s2  }
0x8d: {  	s2 =	sadd.s32 s2, s16  }
0x8e: {  	[smem:$0x3FB5] =	sst s2  }
0x8f: {  	_ = 	snop  }
0x90: {  	(tm) =	ssettm $0x1  }
0x91: {  	s17 =	sld [smem:$0x3FFB];
	_ =	sdelay $0x3  }
0x92: {  	_ =	strace s17  }
0x93: {  	s2 =	sld [smem:$0x3FFC];
	_ =	sdelay $0x3  }
0x94: {  	_ =	strace s2  }
0x95: {  	s2 =	sld [smem:$0x3FFD];
	_ =	sdelay $0x3  }
0x96: {  	_ =	strace s2  }
0x97: {  	_ =	strace $0x8FFFFFFF  }
0x98: {  	s18 =	sld [smem:$0x3FDB];
	_ =	sdelay $0x1  }
0x99: {  	s19 =	simm.s32 $_scs_section_size  }
0x9a: {  	s4 =	simm.s32 $_size__tile_overlayer_lowered;
	s5 =	simm.s32 $_tile_overlayer_lowered  }
0x9b: {  	s22 =	simm.s32 $0x1BFF;
	s21 =	sshll.u32 s5, $0x1;
	s2 =	sadd.s32 s19, s18  }
0x9c: {  	s6 =	simm.s32 $0x0;
	s20 =	sshll.u32 s4, $0x1;
	s4 =	sadd.s32 s21, s2  }
0x9d: {  	[timem:s6], [sflag:s22] =	dma.local [hbm:s4], s20  }
0x9e: {  	_ =	swait.ge [sflag:s22], s20  }
0x9f: {  	s3 =	ssub.s32 $0x0, s20;
	[sflag:s22] =	ssyncset.done $0x0  }
0xa0: {  	[sflag:s22] =	ssyncadd.s32 s3;
	_ =	sdelay $0x1  }
0xa1: {  	s23 =	simm.s32 $0x1B8B  }
0xa2: {  	_ =	swait.ge [sflag:s23], $0x1  }
0xa3: {  	[sflag:s23] =	ssyncset.done $0x0  }
0xa4: {  	s25 =	simm.s32 $0x1B8E;
	s24 =	sld [smem:$0x3FFE];
	[sflag:s23] =	ssyncadd.s32 $0xFFFFFFFF  }
0xa5: {  	s26 =	simm.s32 $execute0_lowered;
	[smem:$0x3FD2] =	sst s25  }
0xa6: {  	s4 =	sshll.u32 s26, $0x1;
	_ =	strace $0x80000046;
	[dreg:$0x1] =	wrdreg $0xFFFFFFFF  }
0xa7: {  	s28 =	simm.s32 $_size_execute0_lowered;
	s2 =	sadd.s32 s2, s4;
	[dreg:$0x0] =	wrdreg $0x0  }
0xa8: {  	s4 =	sshll.u32 s28, $0x1;
	[dreg:$0x2] =	wrdreg s2  }
0xa9: {  	[dreg:$0x3] =	wrdreg s4  }
0xaa: {  	[dreg:$0x4] =	wrdreg $0xC0  }
0xab: {  	_ =	task [dreg:s6], $0x5FFFF  }
0xac: {  	[dreg:$0x1] =	wrdreg $0xFFFFFFFF  }
0xad: {  	[dreg:$0x0] =	wrdreg $0x60  }
0xae: {  	[dreg:$0x2] =	wrdreg s24  }
0xaf: {  	[dreg:$0x3] =	wrdreg $0x94400  }
0xb0: {  	[dreg:$0x4] =	wrdreg $0x9  }
0xb1: {  	_ =	task.clear_ibuf [dreg:s6], $0x5FFFF;
	_ =	strace $0x90000046  }
0xb2: {  	s29 =	simm.s32 $0x9;
	_ =	strace $0x80000048  }
0xb3: {  	_ =	swait.ge [sflag:s29], $0x1  }
0xb4: {  	[sflag:s29] =	ssyncadd.s32 $0xFFFFFFFF  }
0xb5: {  	_ =	strace $0x90000048  }
0xb6: {  	_ =	sfence  }
0xb7: {  	s30 =	sld [smem:$0x0];
	_ =	sdelay $0x2  }
0xb8: {  	s31 =	sshll.u32 s1, $0xD;
	s1 =	sshrl.u32 s1, $0x2  }
0xb9: {  	s3 =	sand.u32 $0x4000, s31;
	s1 =	sadd.s32 s1, s30  }
0xba: {  	s0 =	sor.u32 s3, s0;
	s1 =	sshll.u32 s1, $0x11  }
0xbb: {  	s0 =	sor.u32 s1, s0  }
0xbc: {  	s0 =	sadd.s32 $0x8F2B, s0  }
0xbd: {  	[sflag:s0] =	ssyncadd.remote.s32 $0x1  }
0xbe: {  	_ =	sfence.sel $0xFFFF  }
0xbf: {  	[dreg:$0x0] =	wrdreg $0xFFFFFFFF;
	(pc) =	sbr.abs _section_cstart, $3  }
0xc0: {  	[dreg:$0x1] =	wrdreg $0xFFFFFFFF  }
0xc1: {  	_ =	task.clear_ibuf [dreg:s6], $0x2FFFF;
	_ =	strace $0x9FFFFFFF  }
0xc2: {  	(tm) =	ssettm $0x7FFFFFFF  }
0xc3: {  	_ =	shalt  }
tec
execute0_lowered:
.L_overlay_start_1:
0x0: {  	(tag) =	ssettag $0x1  }
0x1: {  	s0 =	rddreg [dreg:$0x0]  }
0x2: {  	s2 =	rddreg [dreg:$0x1]  }
0x3: {  	s1 =	srdreg.scid;
	s13 =	stileid.u32;
	s3 =	simm.s32 $0x0  }
0x4: {  	s15 =	simm.s32 $0x240;
	s28 =	simm.s32 $0x2840;
	s7 =	smul.u32 $0x2D00, s13  }
0x5: {  	s29 =	simm.s32 $0x100;
	s1 =	sand.u32 $0x1, s1;
	s16 =	smul.u32 $0x5A000, s13  }
0x6: {  	s30 =	simm.s32 $0x300;
	[smem:$0x7FF] =	sst s3;
	s8 =	smul.u32 $0x2D000, s1  }
0x7: {  	_ =	strace $0x80000047;
	s17 =	ssub.s32 $0x2, s1;
	s9 =	sshll.u32 s1, $0x4  }
0x8: {  	[dreg:$0x8] =	wrdreg s15;
	s10 =	sshrl.u32 s17, $0x1;
	s9 =	sor.u32 s13, s9  }
0x9: {  	s7 =	sadd.s32 s7, s8;
	s8 =	sshrl.u32 s16, $0x2;
	s11 =	sor.u32 $0x500, s9  }
0xa: {  	s10 =	ssub.s32 s17, s10;
	s17 =	simm.s32 $0x280;
	[dreg:$0x3] =	wrdreg s11  }
0xb: {  	s31 =	simm.s32 $0x7;
	s18 =	sadd.s32 s8, s2;
	[dreg:$0x9] =	wrdreg s17  }
0xc: {  	s4 =	sadd.s32 $0x17C00, s0;
	s11 =	simm.s32 $0x80;
	[dreg:$0x11] =	wrdreg s18  }
0xd: {  	s5 =	sadd.s32 $0x3400, s0;
	s8 =	sadd.s32 $0x2400, s18;
	[dreg:$0x6] =	wrdreg s11  }
0xe: {  	s6 =	sadd.s32 $0xD800, s0;
	s20 =	sadd.s32 $0x4800, s18;
	[dreg:$0x12] =	wrdreg s8  }
0xf: {  	s22 =	smul.u32 $0x500, s13;
	s21 =	sadd.s32 $0x6C00, s18;
	[dreg:$0x13] =	wrdreg s20  }
0x10: {  	s19 =	smul.u32 $0x5000, s1;
	s12 =	sadd.s32 $0x9000, s18;
	[dreg:$0x14] =	wrdreg s21  }
0x11: {  	s1 =	smul.u32 $0x280, s1;
	s23 =	sadd.s32 $0xB400, s18;
	[dreg:$0x15] =	wrdreg s12  }
0x12: {  	s15 =	simm.s32 $0x6;
	s14 =	sadd.s32 $0xD800, s18;
	[dreg:$0x16] =	wrdreg s23  }
0x13: {  	s24 =	sadd.s32 s19, s5;
	s25 =	sadd.s32 $0xFC00, s18;
	[dreg:$0x17] =	wrdreg s14  }
0x14: {  	s9 =	smul.u32 $0x500, s9;
	s26 =	sadd.s32 $0x12000, s18;
	[dreg:$0x18] =	wrdreg s25  }
0x15: {  	s0 =	sadd.s32 s7, s0;
	s7 =	sadd.s32 $0x14400, s18;
	[dreg:$0x19] =	wrdreg s26  }
0x16: {  	s17 =	simm.s32 $0x0;
	s16 =	sadd.s32 s6, s9;
	[dreg:$0x1a] =	wrdreg s7  }
0x17: {  	s0 =	sadd.s32 $0x44C00, s0;
	s18 =	simm.s32 $0x140;
	[dreg:$0x1c] =	wrdreg s16  }
0x18: {  	s11 =	simm.s32 $0x5;
	s12 =	sadd.s32 s22, s24;
	[dreg:$0x1d] =	wrdreg s0  }
0x19: {  	s8 =	sadd.s32 s19, s6;
	s14 =	sadd.s32 s5, s9;
	[dreg:$0xa] =	wrdreg s18  }
0x1a: {  	s19 =	simm.s32 $0x2C0;
	s20 =	smul.u32 $0x28, s13;
	s21 =	simm.s32 $0x180  }
0x1b: {  	s23 =	simm.s32 $0x1C0;
	s24 =	simm.s32 $0x340;
	[dreg:$0x1b] =	wrdreg s14  }
0x1c: {  	s25 =	simm.s32 $0x380;
	s26 =	simm.s32 $0x3C0;
	[dreg:$0xb] =	wrdreg s19  }
0x1d: {  	s0 =	simm.s32 $0x4C40;
	s9 =	simm.s32 $0x7040;
	[dreg:$0xc] =	wrdreg s21  }
0x1e: {  	s13 =	simm.s32 $0xA;
	s16 =	simm.s32 $0x4;
	[dreg:$0xd] =	wrdreg s23  }
0x1f: {  	s12 =	sadd.s32 $0x20, s12;
	s8 =	sadd.s32 s22, s8;
	[dreg:$0xe] =	wrdreg s24  }
0x20: {  	s22 =	smax.u32 s10, $0x1;
	[dreg:$0xf] =	wrdreg s25;
	s23 =	simm.s32 $0xB  }
0x21: {  	s24 =	simm.s32 $0x200;
	[dreg:$0x10] =	wrdreg s26;
	s25 =	simm.s32 $0x40  }
0x22: {  	s10 =	simm.s32 $0x2;
	s14 =	simm.s32 $0x3;
	[dreg:$0x4] =	wrdreg s12  }
0x23: {  	s8 =	sadd.s32 $0x20, s8;
	s12 =	simm.s32 $0xC0;
	[dreg:$0x1e] =	wrdreg s22  }
0x24: {  	v4 =	vlaneseq.u32;
	s1 =	sadd.s32 s20, s1;
	s22 =	simm.s32 $0x440;
	[dreg:$0x5] =	wrdreg s8  }
0x25: {  	v0 =	vimm.f32 $0.0e+00;
	v1 =	vor.u32 $0x27C0, v4;
	[dreg:$0x7] =	wrdreg s12;
	s1 =	sor.u32 $0x2, s1;
	s8 =	simm.s32 $0x8  }
0x26: {  	v2 =	vor.u32 $0x27D0, v4;
	v3 =	vor.u32 $0x27E0, v4;
	v4 =	vor.u32 $0x27F0, v4;
	s12 =	simm.s32 $0x9;
	[dreg:$0x1f] =	wrdreg s1;
	s1 =	simm.s32 $0x1  }
.LBB2_1:
0x27: {  	s18 =	smul.u32 $0xE38F, s3;
	_ =	sdelay $0x1  }
0x28: {  	[smem:$0x7FD] =	sst s17;
	s19 =	sshrl.u32 s18, $0x13  }
0x29: {  	s20 =	simm.s32 $0x0;
	s18 =	simm.s32 $0x1;
	s21 =	smul.u32 $0x9, s19  }
.LBB2_2:
0x2a: {  	s26 =	smul.u32 $0xE38F, s18  }
0x2b: {  	s7 =	smov.u32 s18;
	s19 =	smul.u32 $0x240, s19;
	p0 =	sne.s32 s18, $0x23F  }
.Ltmp0:
0x2c: {  	s20 =	ssub.s32 s20, s21;
	(pc) =	sbr.rel @p0 .LBB2_2-.Ltmp0, $4  }
0x2d: {  	s18 =	sadd.s32 $0x1, s18;
	s20 =	sand.u32 $0xFFFF, s20  }
0x2e: {  	s21 =	sshrl.u32 s19, $0x2;
	s17 =	sshll.u32 s20, $0x4;
	s20 =	smov.u32 s7  }
0x2f: {  	s19 =	sshrl.u32 s26, $0x13;
	s7 =	sadd.s32 s17, s21  }
0x30: {  	s21 =	smul.u32 $0x9, s19;
	[tilespmem:s7+$0x440] =	vst v0  }
0x31: {  	_ = 	snop  }
0x32: {  	s17 =	smul.u32 $0x240, s19;
	s7 =	ssub.s32 s20, s21  }
0x33: {  	s7 =	sand.u32 $0xFFFF, s7  }
0x34: {  	s17 =	sshrl.u32 s17, $0x2;
	s7 =	sshll.u32 s7, $0x4  }
0x35: {  	s7 =	sadd.s32 s7, s17  }
0x36: {  	s17 =	rddreg [dreg:$0x11];
	[tilespmem:s7+$0x440] =	vst v0  }
0x37: {  	[spmem:s17] =	stream.linear.scatter [tilespmem:s22], [sflag:$0xB], $0x2400, $0x38;
	[tilespmem:$0x1FC40] =	vst v63  }
0x38: {  	_ =	swait.ge [sflag:s23], $0x2400  }
0x39: {  	[sflag:s23] =	ssyncset.done $0x0  }
0x3a: {  	s18 =	rddreg [dreg:$0x12];
	[sflag:s23] =	ssyncadd.s32 $0xFFFFDC00  }
0x3b: {  	[spmem:s18] =	stream.linear.scatter [tilespmem:s22], [sflag:$0xB], $0x2400, $0x38;
	[tilespmem:$0x1FC40] =	vst v63  }
0x3c: {  	_ =	swait.ge [sflag:s23], $0x2400  }
0x3d: {  	[sflag:s23] =	ssyncset.done $0x0  }
0x3e: {  	s19 =	rddreg [dreg:$0x13];
	[sflag:s23] =	ssyncadd.s32 $0xFFFFDC00  }
0x3f: {  	[spmem:s19] =	stream.linear.scatter [tilespmem:s22], [sflag:$0xB], $0x2400, $0x38;
	[tilespmem:$0x1FC40] =	vst v63  }
0x40: {  	_ =	swait.ge [sflag:s23], $0x2400  }
0x41: {  	[sflag:s23] =	ssyncset.done $0x0  }
0x42: {  	s20 =	rddreg [dreg:$0x14];
	[sflag:s23] =	ssyncadd.s32 $0xFFFFDC00  }
0x43: {  	[spmem:s20] =	stream.linear.scatter [tilespmem:s22], [sflag:$0xB], $0x2400, $0x38;
	[tilespmem:$0x1FC40] =	vst v63  }
0x44: {  	_ =	swait.ge [sflag:s23], $0x2400  }
0x45: {  	[sflag:s23] =	ssyncset.done $0x0  }
0x46: {  	s21 =	rddreg [dreg:$0x15];
	[sflag:s23] =	ssyncadd.s32 $0xFFFFDC00  }
0x47: {  	[spmem:s21] =	stream.linear.scatter [tilespmem:s22], [sflag:$0xB], $0x2400, $0x38;
	[tilespmem:$0x1FC40] =	vst v63  }
0x48: {  	_ =	swait.ge [sflag:s23], $0x2400  }
0x49: {  	[sflag:s23] =	ssyncset.done $0x0  }
0x4a: {  	s26 =	rddreg [dreg:$0x16];
	[sflag:s23] =	ssyncadd.s32 $0xFFFFDC00  }
0x4b: {  	[spmem:s26] =	stream.linear.scatter [tilespmem:s22], [sflag:$0xB], $0x2400, $0x38;
	[tilespmem:$0x1FC40] =	vst v63  }
0x4c: {  	_ =	swait.ge [sflag:s23], $0x2400  }
0x4d: {  	[sflag:s23] =	ssyncset.done $0x0  }
0x4e: {  	s17 =	rddreg [dreg:$0x17];
	[sflag:s23] =	ssyncadd.s32 $0xFFFFDC00  }
0x4f: {  	[spmem:s17] =	stream.linear.scatter [tilespmem:s22], [sflag:$0xB], $0x2400, $0x38;
	[tilespmem:$0x1FC40] =	vst v63  }
0x50: {  	_ =	swait.ge [sflag:s23], $0x2400  }
0x51: {  	[sflag:s23] =	ssyncset.done $0x0  }
0x52: {  	s18 =	rddreg [dreg:$0x18];
	[sflag:s23] =	ssyncadd.s32 $0xFFFFDC00  }
0x53: {  	[spmem:s18] =	stream.linear.scatter [tilespmem:s22], [sflag:$0xB], $0x2400, $0x38;
	[tilespmem:$0x1FC40] =	vst v63  }
0x54: {  	_ =	swait.ge [sflag:s23], $0x2400  }
0x55: {  	[sflag:s23] =	ssyncset.done $0x0  }
0x56: {  	s19 =	rddreg [dreg:$0x19];
	[sflag:s23] =	ssyncadd.s32 $0xFFFFDC00  }
0x57: {  	[spmem:s19] =	stream.linear.scatter [tilespmem:s22], [sflag:$0xB], $0x2400, $0x38;
	[tilespmem:$0x1FC40] =	vst v63  }
0x58: {  	_ =	swait.ge [sflag:s23], $0x2400  }
0x59: {  	[sflag:s23] =	ssyncset.done $0x0  }
0x5a: {  	s20 =	rddreg [dreg:$0x1a];
	[sflag:s23] =	ssyncadd.s32 $0xFFFFDC00  }
0x5b: {  	[spmem:s20] =	stream.linear.scatter [tilespmem:s22], [sflag:$0xB], $0x2400, $0x38;
	[tilespmem:$0x1FC40] =	vst v63  }
0x5c: {  	_ =	swait.ge [sflag:s23], $0x2400  }
0x5d: {  	[sflag:s23] =	ssyncset.done $0x0  }
0x5e: {  	[sflag:s23] =	ssyncadd.s32 $0xFFFFDC00  }
0x5f: {  	[tilespmem:$0x400] =	vst v1  }
0x60: {  	[tilespmem:$0x410] =	vst v2  }
0x61: {  	[tilespmem:$0x420] =	vst v3  }
0x62: {  	s21 =	simm.s32 $0x0;
	s26 =	rddreg [dreg:$0x1b];
	[tilespmem:$0x430] =	vst v4  }
0x63: {  	[tilespmem:s21], [sflag:$0xB] =	stream.linear.gather [hbm4b:s26+s21], $0x100, $0x38;
	[tilespmem:$0x1FC40] =	vst v63  }
0x64: {  	_ =	swait.ge [sflag:s23], $0x100  }
0x65: {  	[sflag:s23] =	ssyncset.done $0x0  }
0x66: {  	s18 =	rddreg [dreg:$0x1c];
	[sflag:s23] =	ssyncadd.s32 $0xFFFFFF00  }
0x67: {  	[tilespmem:s24], [sflag:$0xB] =	stream.linear.gather [hbm4b:s18+s21], $0x100, $0x38;
	[tilespmem:$0x1FC40] =	vst v63  }
0x68: {  	_ =	swait.ge [sflag:s23], $0x100  }
0x69: {  	[sflag:s23] =	ssyncset.done $0x0  }
0x6a: {  	[sflag:s23] =	ssyncadd.s32 $0xFFFFFF00  }
0x6b: {  	s19 =	simm.s32 $0x400;
	[bflag:$0x0] =	sbarrier.arrive $0xFFFF  }
0x6c: {  	[spmem:s2] =	stream.indirect.scatter.add.f32 [tilespmem:s22], [sflag:$0x7], $0x90, s19, s25, $0xb8;
	[tilespmem:$0x1FC40] =	vst v63  }
0x6d: {  	_ = 	snop  }
0x6e: {  	[spmem:s2] =	stream.indirect.scatter.add.f32 [tilespmem:s22], [sflag:$0x8], $0x90, s19, s25, $0xb8;
	[tilespmem:$0x1FC40] =	vst v63  }
0x6f: {  	_ = 	snop  }
0x70: {  	[tilespmem:s22], [sflag:$0x1] =	stream.indirect.gather [hbm4b:s4+s25], $0x90, s21, s25, $0xb8;
	[tilespmem:$0x1FC40] =	vst v63  }
0x71: {  	s20 =	rddreg [dreg:$0x4]  }
0x72: {  	[tilespmem:s28], [sflag:$0x2] =	stream.indirect.gather [hbm4b:s4+s25], $0x90, s25, s25, $0xb8;
	[tilespmem:$0x1FC40] =	vst v63  }
0x73: {  	s7 =	sadd.s32 $0x0, s20;
	s21 =	rddreg [dreg:$0x5]  }
0x74: {  	[tilespmem:s29], [sflag:$0x9] =	stream.linear.gather [hbm4b:s7+s3], $0x100, $0x38;
	[tilespmem:$0x1FC40] =	vst v63  }
0x75: {  	s26 =	sadd.s32 $0x0, s21  }
0x76: {  	[tilespmem:s30], [sflag:$0xA] =	stream.linear.gather [hbm4b:s26+s3], $0x100, $0x38;
	[tilespmem:$0x1FC40] =	vst v63  }
0x77: {  	_ =	swait.ge [sflag:s31], $0x2400  }
0x78: {  	[sflag:s31] =	ssyncset.done $0x0  }
0x79: {  	s17 =	rddreg [dreg:$0x6];
	[sflag:s31] =	ssyncadd.s32 $0xFFFFDC00  }
0x7a: {  	[tilespmem:s0], [sflag:$0x3] =	stream.indirect.gather [hbm4b:s4+s25], $0x90, s17, s25, $0xb8;
	[tilespmem:$0x1FC40] =	vst v63  }
0x7b: {  	_ =	swait.ge [sflag:s1], $0x2400  }
0x7c: {  	[sflag:s1] =	ssyncset.done $0x0  }
0x7d: {  	[sflag:s1] =	ssyncadd.s32 $0xFFFFDC00  }
0x7e: {  	[spmem:s2] =	stream.indirect.scatter.add.f32 [tilespmem:s22], [sflag:$0x5], $0x90, s24, s25, $0xb8;
	[tilespmem:$0x1FC40] =	vst v63  }
0x7f: {  	_ =	swait.ge [sflag:s8], $0x2400  }
0x80: {  	[sflag:s8] =	ssyncset.done $0x0  }
0x81: {  	s18 =	rddreg [dreg:$0x7];
	[sflag:s8] =	ssyncadd.s32 $0xFFFFDC00  }
0x82: {  	[tilespmem:s9], [sflag:$0x4] =	stream.indirect.gather [hbm4b:s4+s25], $0x90, s18, s25, $0xb8;
	[tilespmem:$0x1FC40] =	vst v63  }
0x83: {  	_ =	swait.ge [sflag:s10], $0x2400  }
0x84: {  	[sflag:s10] =	ssyncset.done $0x0  }
0x85: {  	s19 =	rddreg [dreg:$0x8];
	[sflag:s10] =	ssyncadd.s32 $0xFFFFDC00  }
0x86: {  	[spmem:s2] =	stream.indirect.scatter.add.f32 [tilespmem:s28], [sflag:$0x6], $0x90, s19, s25, $0xb8;
	[tilespmem:$0x1FC40] =	vst v63  }
0x87: {  	_ =	swait.ge [sflag:s11], $0x2400  }
0x88: {  	[sflag:s11] =	ssyncset.done $0x0  }
0x89: {  	[sflag:s11] =	ssyncadd.s32 $0xFFFFDC00  }
0x8a: {  	_ =	swait.ge [sflag:s12], $0x100  }
0x8b: {  	[sflag:s12] =	ssyncset.done $0x0  }
0x8c: {  	[sflag:s12] =	ssyncadd.s32 $0xFFFFFF00  }
0x8d: {  	_ =	swait.ge [sflag:s13], $0x100  }
0x8e: {  	[sflag:s13] =	ssyncset.done $0x0  }
0x8f: {  	[sflag:s13] =	ssyncadd.s32 $0xFFFFFF00  }
0x90: {  	[tilespmem:s22], [sflag:$0x1] =	stream.indirect.gather [hbm4b:s4+s25], $0x90, s29, s25, $0xb8;
	[tilespmem:$0x1FC40] =	vst v63  }
0x91: {  	_ =	swait.ge [sflag:s14], $0x2400  }
0x92: {  	[sflag:s14] =	ssyncset.done $0x0  }
0x93: {  	s20 =	rddreg [dreg:$0x9];
	[sflag:s14] =	ssyncadd.s32 $0xFFFFDC00  }
0x94: {  	[spmem:s2] =	stream.indirect.scatter.add.f32 [tilespmem:s0], [sflag:$0x7], $0x90, s20, s25, $0xb8;
	[tilespmem:$0x1FC40] =	vst v63  }
0x95: {  	_ =	swait.ge [sflag:s15], $0x2400  }
0x96: {  	[sflag:s15] =	ssyncset.done $0x0  }
0x97: {  	s21 =	rddreg [dreg:$0xa];
	[sflag:s15] =	ssyncadd.s32 $0xFFFFDC00  }
0x98: {  	[tilespmem:s28], [sflag:$0x2] =	stream.indirect.gather [hbm4b:s4+s25], $0x90, s21, s25, $0xb8;
	[tilespmem:$0x1FC40] =	vst v63  }
0x99: {  	_ =	swait.ge [sflag:s16], $0x2400  }
0x9a: {  	p0 =	por $0x0, $0x0;
	s19 =	rddreg [dreg:$0x1f]  }
0x9b: {  	s7 =	rddreg [dreg:$0x3];
	[sflag:s16] =	ssyncset.done $0x0;
	s17 =	smov.u32 s19  }
0x9c: {  	s18 =	rddreg [dreg:$0xb];
	[sflag:s16] =	ssyncadd.s32 $0xFFFFDC00;
	s17 =	smov.u32 @p0 s7  }
0x9d: {  	[spmem:s2] =	stream.indirect.scatter.add.f32 [tilespmem:s9], [sflag:$0x8], $0x90, s18, s25, $0xb8;
	[tilespmem:$0x1FC40] =	vst v63  }
0x9e: {  	s7 =	sshll.u32 s17, $0x5  }
0x9f: {  	s7 =	sand.u32 $0x1FFFFFE0, s7  }
0xa0: {  	s26 =	sadd.s32 s5, s7  }
0xa1: {  	[tilespmem:s3], [sflag:$0x9] =	stream.linear.gather [hbm4b:s26+s3], $0x100, $0x38;
	[tilespmem:$0x1FC40] =	vst v63  }
0xa2: {  	s7 =	sadd.s32 s6, s7  }
0xa3: {  	[tilespmem:s24], [sflag:$0xA] =	stream.linear.gather [hbm4b:s7+s3], $0x100, $0x38;
	[tilespmem:$0x1FC40] =	vst v63  }
0xa4: {  	_ =	swait.ge [sflag:s31], $0x2400  }
0xa5: {  	[sflag:s31] =	ssyncset.done $0x0  }
0xa6: {  	s18 =	rddreg [dreg:$0xc];
	[sflag:s31] =	ssyncadd.s32 $0xFFFFDC00  }
0xa7: {  	[tilespmem:s0], [sflag:$0x3] =	stream.indirect.gather [hbm4b:s4+s25], $0x90, s18, s25, $0xb8;
	[tilespmem:$0x1FC40] =	vst v63  }
0xa8: {  	_ =	swait.ge [sflag:s1], $0x2400  }
0xa9: {  	[sflag:s1] =	ssyncset.done $0x0  }
0xaa: {  	[sflag:s1] =	ssyncadd.s32 $0xFFFFDC00  }
0xab: {  	[spmem:s2] =	stream.indirect.scatter.add.f32 [tilespmem:s22], [sflag:$0x5], $0x90, s30, s25, $0xb8;
	[tilespmem:$0x1FC40] =	vst v63  }
0xac: {  	_ =	swait.ge [sflag:s8], $0x2400  }
0xad: {  	[sflag:s8] =	ssyncset.done $0x0  }
0xae: {  	s20 =	rddreg [dreg:$0xd];
	[sflag:s8] =	ssyncadd.s32 $0xFFFFDC00  }
0xaf: {  	[tilespmem:s9], [sflag:$0x4] =	stream.indirect.gather [hbm4b:s4+s25], $0x90, s20, s25, $0xb8;
	[tilespmem:$0x1FC40] =	vst v63  }
0xb0: {  	_ =	swait.ge [sflag:s10], $0x2400  }
0xb1: {  	[sflag:s10] =	ssyncset.done $0x0  }
0xb2: {  	s21 =	rddreg [dreg:$0xe];
	[sflag:s10] =	ssyncadd.s32 $0xFFFFDC00  }
0xb3: {  	[spmem:s2] =	stream.indirect.scatter.add.f32 [tilespmem:s28], [sflag:$0x6], $0x90, s21, s25, $0xb8;
	[tilespmem:$0x1FC40] =	vst v63  }
0xb4: {  	_ =	swait.ge [sflag:s11], $0x2400  }
0xb5: {  	[sflag:s11] =	ssyncset.done $0x0  }
0xb6: {  	[sflag:s11] =	ssyncadd.s32 $0xFFFFDC00  }
0xb7: {  	_ =	swait.ge [sflag:s12], $0x100  }
0xb8: {  	[sflag:s12] =	ssyncset.done $0x0  }
0xb9: {  	[sflag:s12] =	ssyncadd.s32 $0xFFFFFF00  }
0xba: {  	_ =	swait.ge [sflag:s13], $0x100  }
0xbb: {  	[sflag:s13] =	ssyncset.done $0x0  }
0xbc: {  	[sflag:s13] =	ssyncadd.s32 $0xFFFFFF00  }
0xbd: {  	[tilespmem:s22], [sflag:$0x1] =	stream.indirect.gather [hbm4b:s4+s25], $0x90, s3, s25, $0xb8;
	[tilespmem:$0x1FC40] =	vst v63  }
0xbe: {  	_ =	swait.ge [sflag:s14], $0x2400  }
0xbf: {  	[sflag:s14] =	ssyncset.done $0x0  }
0xc0: {  	s26 =	rddreg [dreg:$0xf];
	[sflag:s14] =	ssyncadd.s32 $0xFFFFDC00  }
0xc1: {  	[spmem:s2] =	stream.indirect.scatter.add.f32 [tilespmem:s0], [sflag:$0x7], $0x90, s26, s25, $0xb8;
	[tilespmem:$0x1FC40] =	vst v63  }
0xc2: {  	_ =	swait.ge [sflag:s15], $0x2400  }
0xc3: {  	[sflag:s15] =	ssyncset.done $0x0  }
0xc4: {  	[sflag:s15] =	ssyncadd.s32 $0xFFFFDC00  }
0xc5: {  	[tilespmem:s28], [sflag:$0x2] =	stream.indirect.gather [hbm4b:s4+s25], $0x90, s25, s25, $0xb8;
	[tilespmem:$0x1FC40] =	vst v63  }
0xc6: {  	s19 =	sadd.s32 $0x2, s19;
	s18 =	simm.s32 $0x40;
	_ =	swait.ge [sflag:s16], $0x2400  }
0xc7: {  	s20 =	simm.s32 $0x80;
	[sflag:s16] =	ssyncset.done $0x0;
	s21 =	rddreg [dreg:$0x10]  }
.LBB2_4:
0xc8: {  	s7 =	rddreg [dreg:$0x4];
	[sflag:s16] =	ssyncadd.s32 $0xFFFFDC00  }
0xc9: {  	[spmem:s2] =	stream.indirect.scatter.add.f32 [tilespmem:s9], [sflag:$0x8], $0x90, s21, s25, $0xb8;
	[tilespmem:$0x1FC40] =	vst v63  }
0xca: {  	s17 =	rddreg [dreg:$0x5];
	s7 =	sadd.s32 s18, s7  }
0xcb: {  	[tilespmem:s29], [sflag:$0x9] =	stream.linear.gather [hbm4b:s7+s3], $0x100, $0x38;
	[tilespmem:$0x1FC40] =	vst v63  }
0xcc: {  	s17 =	sadd.s32 s18, s17  }
0xcd: {  	[tilespmem:s30], [sflag:$0xA] =	stream.linear.gather [hbm4b:s17+s3], $0x100, $0x38;
	[tilespmem:$0x1FC40] =	vst v63  }
0xce: {  	_ =	swait.ge [sflag:s31], $0x2400  }
0xcf: {  	[sflag:s31] =	ssyncset.done $0x0  }
0xd0: {  	s21 =	rddreg [dreg:$0x6];
	[sflag:s31] =	ssyncadd.s32 $0xFFFFDC00  }
0xd1: {  	[tilespmem:s0], [sflag:$0x3] =	stream.indirect.gather [hbm4b:s4+s25], $0x90, s21, s25, $0xb8;
	[tilespmem:$0x1FC40] =	vst v63  }
0xd2: {  	_ =	swait.ge [sflag:s1], $0x2400  }
0xd3: {  	[sflag:s1] =	ssyncset.done $0x0  }
0xd4: {  	[sflag:s1] =	ssyncadd.s32 $0xFFFFDC00  }
0xd5: {  	[spmem:s2] =	stream.indirect.scatter.add.f32 [tilespmem:s22], [sflag:$0x5], $0x90, s24, s25, $0xb8;
	[tilespmem:$0x1FC40] =	vst v63  }
0xd6: {  	_ =	swait.ge [sflag:s8], $0x2400  }
0xd7: {  	[sflag:s8] =	ssyncset.done $0x0  }
0xd8: {  	s17 =	rddreg [dreg:$0x7];
	[sflag:s8] =	ssyncadd.s32 $0xFFFFDC00  }
0xd9: {  	[tilespmem:s9], [sflag:$0x4] =	stream.indirect.gather [hbm4b:s4+s25], $0x90, s17, s25, $0xb8;
	[tilespmem:$0x1FC40] =	vst v63  }
0xda: {  	_ =	swait.ge [sflag:s10], $0x2400  }
0xdb: {  	[sflag:s10] =	ssyncset.done $0x0  }
0xdc: {  	s21 =	rddreg [dreg:$0x8];
	[sflag:s10] =	ssyncadd.s32 $0xFFFFDC00  }
0xdd: {  	[spmem:s2] =	stream.indirect.scatter.add.f32 [tilespmem:s28], [sflag:$0x6], $0x90, s21, s25, $0xb8;
	[tilespmem:$0x1FC40] =	vst v63  }
0xde: {  	_ =	swait.ge [sflag:s11], $0x2400  }
0xdf: {  	[sflag:s11] =	ssyncset.done $0x0  }
0xe0: {  	[sflag:s11] =	ssyncadd.s32 $0xFFFFDC00  }
0xe1: {  	_ =	swait.ge [sflag:s12], $0x100  }
0xe2: {  	[sflag:s12] =	ssyncset.done $0x0  }
0xe3: {  	[sflag:s12] =	ssyncadd.s32 $0xFFFFFF00  }
0xe4: {  	_ =	swait.ge [sflag:s13], $0x100  }
0xe5: {  	[sflag:s13] =	ssyncset.done $0x0  }
0xe6: {  	[sflag:s13] =	ssyncadd.s32 $0xFFFFFF00  }
0xe7: {  	[tilespmem:s22], [sflag:$0x1] =	stream.indirect.gather [hbm4b:s4+s25], $0x90, s29, s25, $0xb8;
	[tilespmem:$0x1FC40] =	vst v63  }
0xe8: {  	_ =	swait.ge [sflag:s14], $0x2400  }
0xe9: {  	[sflag:s14] =	ssyncset.done $0x0  }
0xea: {  	s17 =	rddreg [dreg:$0x9];
	[sflag:s14] =	ssyncadd.s32 $0xFFFFDC00  }
0xeb: {  	[spmem:s2] =	stream.indirect.scatter.add.f32 [tilespmem:s0], [sflag:$0x7], $0x90, s17, s25, $0xb8;
	[tilespmem:$0x1FC40] =	vst v63  }
0xec: {  	_ =	swait.ge [sflag:s15], $0x2400  }
0xed: {  	[sflag:s15] =	ssyncset.done $0x0  }
0xee: {  	s21 =	rddreg [dreg:$0xa];
	[sflag:s15] =	ssyncadd.s32 $0xFFFFDC00  }
0xef: {  	[tilespmem:s28], [sflag:$0x2] =	stream.indirect.gather [hbm4b:s4+s25], $0x90, s21, s25, $0xb8;
	[tilespmem:$0x1FC40] =	vst v63  }
0xf0: {  	_ =	swait.ge [sflag:s16], $0x2400  }
0xf1: {  	p1 =	seq.s32 s18, $0x4C0;
	s21 =	smov.u32 s19;
	s7 =	rddreg [dreg:$0x3]  }
0xf2: {  	[sflag:s16] =	ssyncset.done $0x0;
	s21 =	smov.u32 @p1 s7  }
0xf3: {  	s17 =	rddreg [dreg:$0xb];
	[sflag:s16] =	ssyncadd.s32 $0xFFFFDC00;
	s7 =	sshll.u32 s21, $0x5  }
0xf4: {  	[spmem:s2] =	stream.indirect.scatter.add.f32 [tilespmem:s9], [sflag:$0x8], $0x90, s17, s25, $0xb8;
	[tilespmem:$0x1FC40] =	vst v63  }
0xf5: {  	s26 =	smov.u32 s20;
	s7 =	sand.u32 $0x1FFFFFE0, s7  }
0xf6: {  	s18 =	smov.u32 s26;
	s26 =	sadd.s32 s5, s7  }
0xf7: {  	[tilespmem:s3], [sflag:$0x9] =	stream.linear.gather [hbm4b:s26+s3], $0x100, $0x38;
	[tilespmem:$0x1FC40] =	vst v63  }
0xf8: {  	s7 =	sadd.s32 s6, s7  }
0xf9: {  	[tilespmem:s24], [sflag:$0xA] =	stream.linear.gather [hbm4b:s7+s3], $0x100, $0x38;
	[tilespmem:$0x1FC40] =	vst v63  }
0xfa: {  	_ =	swait.ge [sflag:s31], $0x2400  }
0xfb: {  	[sflag:s31] =	ssyncset.done $0x0  }
0xfc: {  	s26 =	rddreg [dreg:$0xc];
	[sflag:s31] =	ssyncadd.s32 $0xFFFFDC00  }
0xfd: {  	[tilespmem:s0], [sflag:$0x3] =	stream.indirect.gather [hbm4b:s4+s25], $0x90, s26, s25, $0xb8;
	[tilespmem:$0x1FC40] =	vst v63  }
0xfe: {  	_ =	swait.ge [sflag:s1], $0x2400  }
0xff: {  	[sflag:s1] =	ssyncset.done $0x0  }
0x100: {  	[sflag:s1] =	ssyncadd.s32 $0xFFFFDC00  }
0x101: {  	[spmem:s2] =	stream.indirect.scatter.add.f32 [tilespmem:s22], [sflag:$0x5], $0x90, s30, s25, $0xb8;
	[tilespmem:$0x1FC40] =	vst v63  }
0x102: {  	_ =	swait.ge [sflag:s8], $0x2400  }
0x103: {  	[sflag:s8] =	ssyncset.done $0x0  }
0x104: {  	s17 =	rddreg [dreg:$0xd];
	[sflag:s8] =	ssyncadd.s32 $0xFFFFDC00  }
0x105: {  	[tilespmem:s9], [sflag:$0x4] =	stream.indirect.gather [hbm4b:s4+s25], $0x90, s17, s25, $0xb8;
	[tilespmem:$0x1FC40] =	vst v63  }
0x106: {  	_ =	swait.ge [sflag:s10], $0x2400  }
0x107: {  	[sflag:s10] =	ssyncset.done $0x0  }
0x108: {  	s21 =	rddreg [dreg:$0xe];
	[sflag:s10] =	ssyncadd.s32 $0xFFFFDC00  }
0x109: {  	[spmem:s2] =	stream.indirect.scatter.add.f32 [tilespmem:s28], [sflag:$0x6], $0x90, s21, s25, $0xb8;
	[tilespmem:$0x1FC40] =	vst v63  }
0x10a: {  	_ =	swait.ge [sflag:s11], $0x2400  }
0x10b: {  	[sflag:s11] =	ssyncset.done $0x0  }
0x10c: {  	[sflag:s11] =	ssyncadd.s32 $0xFFFFDC00  }
0x10d: {  	_ =	swait.ge [sflag:s12], $0x100  }
0x10e: {  	[sflag:s12] =	ssyncset.done $0x0  }
0x10f: {  	[sflag:s12] =	ssyncadd.s32 $0xFFFFFF00  }
0x110: {  	_ =	swait.ge [sflag:s13], $0x100  }
0x111: {  	[sflag:s13] =	ssyncset.done $0x0  }
0x112: {  	[sflag:s13] =	ssyncadd.s32 $0xFFFFFF00  }
0x113: {  	[tilespmem:s22], [sflag:$0x1] =	stream.indirect.gather [hbm4b:s4+s25], $0x90, s3, s25, $0xb8;
	[tilespmem:$0x1FC40] =	vst v63  }
0x114: {  	_ =	swait.ge [sflag:s14], $0x2400  }
0x115: {  	[sflag:s14] =	ssyncset.done $0x0  }
0x116: {  	s26 =	rddreg [dreg:$0xf];
	[sflag:s14] =	ssyncadd.s32 $0xFFFFDC00  }
0x117: {  	[spmem:s2] =	stream.indirect.scatter.add.f32 [tilespmem:s0], [sflag:$0x7], $0x90, s26, s25, $0xb8;
	[tilespmem:$0x1FC40] =	vst v63  }
0x118: {  	p0 =	sne.s32 s20, $0x4C0;
	_ =	swait.ge [sflag:s15], $0x2400  }
.Ltmp1:
0x119: {  	[sflag:s15] =	ssyncset.done $0x0;
	(pc) =	sbr.rel @p0 .LBB2_4-.Ltmp1, $4  }
0x11a: {  	[sflag:s15] =	ssyncadd.s32 $0xFFFFDC00  }
0x11b: {  	[tilespmem:s28], [sflag:$0x2] =	stream.indirect.gather [hbm4b:s4+s25], $0x90, s25, s25, $0xb8;
	[tilespmem:$0x1FC40] =	vst v63  }
0x11c: {  	s20 =	sadd.s32 $0x40, s20;
	_ =	swait.ge [sflag:s16], $0x2400  }
0x11d: {  	s19 =	sadd.s32 $0x2, s19;
	[sflag:s16] =	ssyncset.done $0x0;
	s21 =	rddreg [dreg:$0x10]  }
0x11e: {  	s7 =	rddreg [dreg:$0x4];
	[sflag:s16] =	ssyncadd.s32 $0xFFFFDC00  }
0x11f: {  	[spmem:s2] =	stream.indirect.scatter.add.f32 [tilespmem:s9], [sflag:$0x8], $0x90, s21, s25, $0xb8;
	[tilespmem:$0x1FC40] =	vst v63  }
0x120: {  	s17 =	rddreg [dreg:$0x5];
	s7 =	sadd.s32 s18, s7  }
0x121: {  	[tilespmem:s29], [sflag:$0x9] =	stream.linear.gather [hbm4b:s7+s3], $0x100, $0x38;
	[tilespmem:$0x1FC40] =	vst v63  }
0x122: {  	s26 =	sadd.s32 s18, s17  }
0x123: {  	[tilespmem:s30], [sflag:$0xA] =	stream.linear.gather [hbm4b:s26+s3], $0x100, $0x38;
	[tilespmem:$0x1FC40] =	vst v63  }
0x124: {  	_ =	swait.ge [sflag:s31], $0x2400  }
0x125: {  	[sflag:s31] =	ssyncset.done $0x0  }
0x126: {  	s17 =	rddreg [dreg:$0x6];
	[sflag:s31] =	ssyncadd.s32 $0xFFFFDC00  }
0x127: {  	[tilespmem:s0], [sflag:$0x3] =	stream.indirect.gather [hbm4b:s4+s25], $0x90, s17, s25, $0xb8;
	[tilespmem:$0x1FC40] =	vst v63  }
0x128: {  	_ =	swait.ge [sflag:s1], $0x2400  }
0x129: {  	[sflag:s1] =	ssyncset.done $0x0  }
0x12a: {  	[sflag:s1] =	ssyncadd.s32 $0xFFFFDC00  }
0x12b: {  	[spmem:s2] =	stream.indirect.scatter.add.f32 [tilespmem:s22], [sflag:$0x5], $0x90, s24, s25, $0xb8;
	[tilespmem:$0x1FC40] =	vst v63  }
0x12c: {  	_ =	swait.ge [sflag:s8], $0x2400  }
0x12d: {  	[sflag:s8] =	ssyncset.done $0x0  }
0x12e: {  	s20 =	rddreg [dreg:$0x7];
	[sflag:s8] =	ssyncadd.s32 $0xFFFFDC00  }
0x12f: {  	[tilespmem:s9], [sflag:$0x4] =	stream.indirect.gather [hbm4b:s4+s25], $0x90, s20, s25, $0xb8;
	[tilespmem:$0x1FC40] =	vst v63  }
0x130: {  	_ =	swait.ge [sflag:s10], $0x2400  }
0x131: {  	[sflag:s10] =	ssyncset.done $0x0  }
0x132: {  	s21 =	rddreg [dreg:$0x8];
	[sflag:s10] =	ssyncadd.s32 $0xFFFFDC00  }
0x133: {  	[spmem:s2] =	stream.indirect.scatter.add.f32 [tilespmem:s28], [sflag:$0x6], $0x90, s21, s25, $0xb8;
	[tilespmem:$0x1FC40] =	vst v63  }
0x134: {  	_ =	swait.ge [sflag:s11], $0x2400  }
0x135: {  	[sflag:s11] =	ssyncset.done $0x0  }
0x136: {  	[sflag:s11] =	ssyncadd.s32 $0xFFFFDC00  }
0x137: {  	_ =	swait.ge [sflag:s12], $0x100  }
0x138: {  	[sflag:s12] =	ssyncset.done $0x0  }
0x139: {  	[sflag:s12] =	ssyncadd.s32 $0xFFFFFF00  }
0x13a: {  	_ =	swait.ge [sflag:s13], $0x100  }
0x13b: {  	[sflag:s13] =	ssyncset.done $0x0  }
0x13c: {  	[sflag:s13] =	ssyncadd.s32 $0xFFFFFF00  }
0x13d: {  	[tilespmem:s22], [sflag:$0x1] =	stream.indirect.gather [hbm4b:s4+s25], $0x90, s29, s25, $0xb8;
	[tilespmem:$0x1FC40] =	vst v63  }
0x13e: {  	_ =	swait.ge [sflag:s14], $0x2400  }
0x13f: {  	[sflag:s14] =	ssyncset.done $0x0  }
0x140: {  	s26 =	rddreg [dreg:$0x9];
	[sflag:s14] =	ssyncadd.s32 $0xFFFFDC00  }
0x141: {  	[spmem:s2] =	stream.indirect.scatter.add.f32 [tilespmem:s0], [sflag:$0x7], $0x90, s26, s25, $0xb8;
	[tilespmem:$0x1FC40] =	vst v63  }
0x142: {  	_ =	swait.ge [sflag:s15], $0x2400  }
0x143: {  	[sflag:s15] =	ssyncset.done $0x0  }
0x144: {  	s17 =	rddreg [dreg:$0xa];
	[sflag:s15] =	ssyncadd.s32 $0xFFFFDC00  }
0x145: {  	[tilespmem:s28], [sflag:$0x2] =	stream.indirect.gather [hbm4b:s4+s25], $0x90, s17, s25, $0xb8;
	[tilespmem:$0x1FC40] =	vst v63  }
0x146: {  	_ =	swait.ge [sflag:s16], $0x2400  }
0x147: {  	p0 =	seq.s32 s18, $0x4C0;
	s7 =	rddreg [dreg:$0x3]  }
0x148: {  	[sflag:s16] =	ssyncset.done $0x0;
	s19 =	smov.u32 @p0 s7  }
0x149: {  	s20 =	rddreg [dreg:$0xb];
	[sflag:s16] =	ssyncadd.s32 $0xFFFFDC00;
	s21 =	sshll.u32 s19, $0x5  }
0x14a: {  	[spmem:s2] =	stream.indirect.scatter.add.f32 [tilespmem:s9], [sflag:$0x8], $0x90, s20, s25, $0xb8;
	[tilespmem:$0x1FC40] =	vst v63  }
0x14b: {  	s17 =	sand.u32 $0x1FFFFFE0, s21  }
0x14c: {  	s26 =	sadd.s32 s5, s17  }
0x14d: {  	[tilespmem:s3], [sflag:$0x9] =	stream.linear.gather [hbm4b:s26+s3], $0x100, $0x38;
	[tilespmem:$0x1FC40] =	vst v63  }
0x14e: {  	s18 =	sadd.s32 s6, s17  }
0x14f: {  	[tilespmem:s24], [sflag:$0xA] =	stream.linear.gather [hbm4b:s18+s3], $0x100, $0x38;
	[tilespmem:$0x1FC40] =	vst v63  }
0x150: {  	_ =	swait.ge [sflag:s31], $0x2400  }
0x151: {  	[sflag:s31] =	ssyncset.done $0x0  }
0x152: {  	s19 =	rddreg [dreg:$0xc];
	[sflag:s31] =	ssyncadd.s32 $0xFFFFDC00  }
0x153: {  	[tilespmem:s0], [sflag:$0x3] =	stream.indirect.gather [hbm4b:s4+s25], $0x90, s19, s25, $0xb8;
	[tilespmem:$0x1FC40] =	vst v63  }
0x154: {  	_ =	swait.ge [sflag:s1], $0x2400  }
0x155: {  	[sflag:s1] =	ssyncset.done $0x0  }
0x156: {  	[sflag:s1] =	ssyncadd.s32 $0xFFFFDC00  }
0x157: {  	[spmem:s2] =	stream.indirect.scatter.add.f32 [tilespmem:s22], [sflag:$0x5], $0x90, s30, s25, $0xb8;
	[tilespmem:$0x1FC40] =	vst v63  }
0x158: {  	_ =	swait.ge [sflag:s8], $0x2400  }
0x159: {  	[sflag:s8] =	ssyncset.done $0x0  }
0x15a: {  	s20 =	rddreg [dreg:$0xd];
	[sflag:s8] =	ssyncadd.s32 $0xFFFFDC00  }
0x15b: {  	[tilespmem:s9], [sflag:$0x4] =	stream.indirect.gather [hbm4b:s4+s25], $0x90, s20, s25, $0xb8;
	[tilespmem:$0x1FC40] =	vst v63  }
0x15c: {  	_ =	swait.ge [sflag:s10], $0x2400  }
0x15d: {  	[sflag:s10] =	ssyncset.done $0x0  }
0x15e: {  	s21 =	rddreg [dreg:$0xe];
	[sflag:s10] =	ssyncadd.s32 $0xFFFFDC00  }
0x15f: {  	[spmem:s2] =	stream.indirect.scatter.add.f32 [tilespmem:s28], [sflag:$0x6], $0x90, s21, s25, $0xb8;
	[tilespmem:$0x1FC40] =	vst v63  }
0x160: {  	_ =	swait.ge [sflag:s11], $0x2400  }
0x161: {  	[sflag:s11] =	ssyncset.done $0x0  }
0x162: {  	[sflag:s11] =	ssyncadd.s32 $0xFFFFDC00  }
0x163: {  	_ =	swait.ge [sflag:s12], $0x100  }
0x164: {  	[sflag:s12] =	ssyncset.done $0x0  }
0x165: {  	[sflag:s12] =	ssyncadd.s32 $0xFFFFFF00  }
0x166: {  	_ =	swait.ge [sflag:s13], $0x100  }
0x167: {  	[sflag:s13] =	ssyncset.done $0x0  }
0x168: {  	[sflag:s13] =	ssyncadd.s32 $0xFFFFFF00  }
0x169: {  	[tilespmem:s22], [sflag:$0x1] =	stream.indirect.gather [hbm4b:s4+s25], $0x90, s3, s25, $0xb8;
	[tilespmem:$0x1FC40] =	vst v63  }
0x16a: {  	_ =	swait.ge [sflag:s14], $0x2400  }
0x16b: {  	[sflag:s14] =	ssyncset.done $0x0  }
0x16c: {  	s26 =	rddreg [dreg:$0xf];
	[sflag:s14] =	ssyncadd.s32 $0xFFFFDC00  }
0x16d: {  	[spmem:s2] =	stream.indirect.scatter.add.f32 [tilespmem:s0], [sflag:$0x7], $0x90, s26, s25, $0xb8;
	[tilespmem:$0x1FC40] =	vst v63  }
0x16e: {  	_ =	swait.ge [sflag:s15], $0x2400  }
0x16f: {  	[sflag:s15] =	ssyncset.done $0x0  }
0x170: {  	[sflag:s15] =	ssyncadd.s32 $0xFFFFDC00  }
0x171: {  	[tilespmem:s28], [sflag:$0x2] =	stream.indirect.gather [hbm4b:s4+s25], $0x90, s25, s25, $0xb8;
	[tilespmem:$0x1FC40] =	vst v63  }
0x172: {  	_ =	swait.ge [sflag:s16], $0x2400  }
0x173: {  	[sflag:s16] =	ssyncset.done $0x0  }
0x174: {  	s17 =	rddreg [dreg:$0x10];
	[sflag:s16] =	ssyncadd.s32 $0xFFFFDC00  }
0x175: {  	[spmem:s2] =	stream.indirect.scatter.add.f32 [tilespmem:s9], [sflag:$0x8], $0x90, s17, s25, $0xb8;
	[tilespmem:$0x1FC40] =	vst v63  }
0x176: {  	_ =	swait.ge [sflag:s1], $0x2400  }
0x177: {  	[sflag:s1] =	ssyncset.done $0x0  }
0x178: {  	[sflag:s1] =	ssyncadd.s32 $0xFFFFDC00  }
0x179: {  	_ =	swait.ge [sflag:s10], $0x2400  }
0x17a: {  	[sflag:s10] =	ssyncset.done $0x0  }
0x17b: {  	[sflag:s10] =	ssyncadd.s32 $0xFFFFDC00  }
0x17c: {  	_ =	swait.ge [sflag:s31], $0x2400  }
0x17d: {  	[sflag:s31] =	ssyncset.done $0x0  }
0x17e: {  	[sflag:s31] =	ssyncadd.s32 $0xFFFFDC00  }
0x17f: {  	_ =	swait.ge [sflag:s8], $0x2400  }
0x180: {  	[sflag:s8] =	ssyncset.done $0x0  }
0x181: {  	[sflag:s8] =	ssyncadd.s32 $0xFFFFDC00  }
0x182: {  	s18 =	stileid.u32;
	[bflag:$0x0] =	sbarrier.arrive $0xFFFF  }
0x183: {  	s7 =	sshll.u32 s18, $0x6;
	s19 =	rddreg [dreg:$0x11]  }
0x184: {  	s7 =	sor.u32 $0x1C0B, s7;
	s20 =	rddreg [dreg:$0x1d];
	s17 =	sshrl.u32 s19, $0x3  }
0x185: {  	[hbm:s20], [sflag:s7] =	dma.local [spmem:s17], $0x2D00  }
0x186: {  	_ =	swait.ge [sflag:s23], $0x2D00  }
0x187: {  	s21 =	sld [smem:$0x7FD];
	_ =	sdelay $0x2  }
0x188: {  	s26 =	rddreg [dreg:$0x1e];
	s17 =	sadd.s32 $0x1, s21  }
0x189: {  	p0 =	sne.s32 s17, s26  }
.Ltmp2:
0x18a: {  	_ = 	snop;
	(pc) =	sbr.rel @p0 .LBB2_1-.Ltmp2, $3  }
0x18b: {  	_ =	sdelay $0x1  }
0x18c: {  	[sflag:s23] =	ssyncset.done $0x0  }
0x18d: {  	[sflag:s23] =	ssyncadd.s32 $0xFFFFD300  }
0x18e: {  	_ =	sfence.sel $0x180000  }
0x18f: {  	[bflag:$0x0] =	sbarrier.arrive $0xFFFF  }
0x190: {  	_ =	strace $0x90000047  }
0x191: {  	s0 =	stileid.u32;
	[bflag:$0x2] =	sbarrier.arrive $0xFFFF  }
0x192: {  	p0 =	sne.s32 s0, $0x0;
	s0 =	rddreg [dreg:$0x2]  }
0x193: {  	s0 =	sadd.s32 @!p0 $0x100000, s0  }
0x194: {  	[sflag:s0] =	ssyncadd.tile.s32 @!p0 $0x1;
	_ =	shalt  }
.Lfunc_end2:
_tile_overlayer_lowered:
.L_overlay_start_2:
0x195: {  	(tag) =	ssettag $0x2  }
0x196: {  	s0 =	rddreg [dreg:$0x0];
	s2 =	stileid.u32  }
0x197: {  	s1 =	rddreg [dreg:$0x1];
	p0 =	sne.s32 s2, $0x0  }
0x198: {  	s3 =	rddreg [dreg:$0x2];
	[bflag:$0x3] =	sbarrier.arrive $0xFFFF;
	s2 =	simm.s32 @!p0 $0x1C0B  }
0x199: {  	[timem:s3], [sflag:s2] =	dma.local @!p0 [hbm:s0], s1  }
0x19a: {  	s0 =	simm.s32 @!p0 $0xB  }
0x19b: {  	_ =	swait.ge @!p0 [sflag:s0], s1  }
0x19c: {  	s1 =	ssub.s32 @!p0 $0x0, s1;
	[sflag:s0] =	ssyncset.done @!p0 $0x0  }
0x19d: {  	[sflag:s0] =	ssyncadd.s32 @!p0 s1  }
0x19e: {  	[bflag:$0x3] =	sbarrier.arrive $0xFFFF  }
0x19f: {  	_ =	shalt  }

</sc_bundles>
